<compile_context>
chip_gen: v7x
topology: tpu7x:2x2x1
jax: 0.10.2.dev20260603
libtpu: 0.0.44.dev20260713+nightly
codegen_flags: <defaults>
</compile_context>

<pallas_src>
import jax
import jax.numpy as jnp
from jax import lax
from jax.experimental import pallas as pl
from jax.experimental.pallas import tpu as pltpu
from jax.experimental.pallas import tpu_sc as plsc

NN = 100000
NE = 3200000
NG = 64
NC, NS, L = 2, 16, 16
NW = NC * NS
CH = 2000
NCHUNK = NE // CH
NK = NCHUNK // NW

NPB = 3200
ACC_N = NW * NPB
NB_PER_TILE = ACC_N // NS
BGR = NPB // 128
BATCH_ROWS = ACC_N // 128

_C1 = 8987551792.3 * 1.602176634e-19 * 1e10
_BETA = 18.7
_B22 = _BETA / 2.2

_mesh = plsc.VectorSubcoreMesh(
    core_axis_name="c", subcore_axis_name="s", num_cores=NC, num_subcores=NS
)
_params = pltpu.CompilerParams(needs_layout_passes=False,
                               use_tc_tiling_on_sc=False)


def _edge_phase(dx_f, dy_f, dz_f, qpk_hbm, row_f, col_f, zeros_hbm, out_hbm,
                dxv0, dyv0, dzv0, row_v0, col_v0,
                pe0, px0, py0, pz0, mx0, my0, mz0,
                dxv1, dyv1, dzv1, row_v1, col_v1,
                pe1, px1, py1, pz1, mx1, my1, mz1,
                qt, ae, ax, ay, az, sem_in, sem_s0, sem_s1):
    c = lax.axis_index("c")
    s = lax.axis_index("s")
    wid = s * NC + c
    lanes = lax.iota(jnp.int32, L)
    sets = (
        (dxv0, dyv0, dzv0, row_v0, col_v0,
         pe0, px0, py0, pz0, mx0, my0, mz0, sem_s0),
        (dxv1, dyv1, dzv1, row_v1, col_v1,
         pe1, px1, py1, pz1, mx1, my1, mz1, sem_s1),
    )

    pltpu.sync_copy(qpk_hbm, qt)

    for a in (ae, ax, ay, az):
        pltpu.sync_copy(zeros_hbm, a.at[pl.ds(s * NB_PER_TILE, NB_PER_TILE)])
    plsc.subcore_barrier()

    def scatter_plan(st):
        (dxv, dyv, dzv, row_v, col_v,
         pe, px, py, pz, mx, my, mz, sem_s) = st
        return ((pe, ae, row_v), (px, ax, row_v), (py, ay, row_v),
                (pz, az, row_v), (mx, ax, col_v), (my, ay, col_v),
                (mz, az, col_v))

    def unpack_q(idx):
        w = plsc.load_gather(qt, [lax.shift_right_logical(idx, 1)])
        hr = lax.shift_left(idx & 1, 4)
        half16 = lax.shift_right_logical(w, hr) & jnp.int32(0xFFFF)
        return lax.bitcast_convert_type(
            lax.shift_left(half16, 16), jnp.float32)

    def half(i, b):
        (dxv, dyv, dzv, row_v, col_v,
         pe, px, py, pz, mx, my, mz, sem_s) = sets[b]
        kc = wid + NW * (2 * i + b)

        @pl.when(i > 0)
        def _drain():
            for pay, dst, idx in scatter_plan(sets[b]):
                pltpu.make_async_copy(pay, dst.at[idx], sem_s).wait()

        indescs = [
            pltpu.async_copy(row_f.at[pl.ds(kc * CH, CH)], row_v, sem_in),
            pltpu.async_copy(col_f.at[pl.ds(kc * CH, CH)], col_v, sem_in),
            pltpu.async_copy(dx_f.at[pl.ds(kc * CH, CH)], dxv, sem_in),
            pltpu.async_copy(dy_f.at[pl.ds(kc * CH, CH)], dyv, sem_in),
            pltpu.async_copy(dz_f.at[pl.ds(kc * CH, CH)], dzv, sem_in),
        ]
        for d in indescs:
            d.wait()

        def grp(g, carry2):
            n0 = g * L
            qr = unpack_q(row_v[pl.ds(n0, L)])
            qc = unpack_q(col_v[pl.ds(n0, L)])
            dx = dxv[pl.ds(n0, L)]
            dy = dyv[pl.ds(n0, L)]
            dz = dzv[pl.ds(n0, L)]
            u2 = dx * dx + dy * dy + dz * dz
            bits = lax.bitcast_convert_type(u2, jnp.int32)
            bits = jnp.int32(0x5F3759DF) - lax.shift_right_logical(bits, 1)
            y = lax.bitcast_convert_type(bits, jnp.float32)
            h2 = 0.5 * u2
            y = y * (1.5 - h2 * y * y)
            y = y * (1.5 - h2 * y * y)
            u = u2 * y
            damp = jnp.where(u < 2.2, jnp.exp(_B22 * u - _BETA), 1.0)
            t = _C1 * (qr * qc) * y * damp
            fs = t * (y * y)
            fx = dx * fs
            fy = dy * fs
            fz = dz * fs
            pe[pl.ds(n0, L)] = 0.5 * t
            px[pl.ds(n0, L)] = fx
            py[pl.ds(n0, L)] = fy
            pz[pl.ds(n0, L)] = fz
            mx[pl.ds(n0, L)] = -fx
            my[pl.ds(n0, L)] = -fy
            mz[pl.ds(n0, L)] = -fz
            return carry2

        lax.fori_loop(0, CH // L, grp, None)
        for pay, dst, idx in scatter_plan(sets[b]):
            pltpu.async_copy(pay, dst.at[idx], sem_s, add=True)

    def pair_body(i, carry):
        half(i, 0)
        half(i, 1)
        return carry

    lax.fori_loop(0, NK // 2, pair_body, None)
    for b in range(2):
        for pay, dst, idx in scatter_plan(sets[b]):
            pltpu.make_async_copy(pay, dst.at[idx], sets[b][12]).wait()
    plsc.subcore_barrier()
    for k, a in enumerate((ae, ax, ay, az)):
        pltpu.sync_copy(
            a.at[pl.ds(s * NB_PER_TILE, NB_PER_TILE)],
            out_hbm.at[pl.ds(c * (4 * ACC_N) + k * ACC_N + s * NB_PER_TILE,
                             NB_PER_TILE)])


def _combine_phase(p_hbm, batch2, force_hbm, ep_hbm,
                   bufa, bufb, fbuf, ebuf, bbuf, vb64, acc64):
    c = lax.axis_index("c")
    s = lax.axis_index("s")
    nid = c * NS + s
    lanes = lax.iota(jnp.int32, L)
    zeros16 = jnp.zeros((L,), jnp.float32)

    @pl.when(s == 0)
    def _init():
        for i in range(NG // L):
            vb64[pl.ds(i * L, L)] = zeros16
        pltpu.sync_copy(vb64, acc64)

    for k in range(4):
        pltpu.sync_copy(p_hbm.at[pl.ds(k * ACC_N + nid * NPB, NPB)], bufa.at[k])
        pltpu.sync_copy(p_hbm.at[pl.ds((4 + k) * ACC_N + nid * NPB, NPB)],
                        bufb.at[k])
    boff = nid * BGR
    base8 = pl.multiple_of(boff & jnp.int32(-8), 8)
    off = boff - base8
    pltpu.sync_copy(batch2.at[pl.ds(base8, 32), :], bbuf)
    plsc.subcore_barrier()

    def egrp(g, carry):
        sg = lax.shift_right_logical(g, 3)
        hL = (g & 7) * L
        f = g * L
        ev = bufa[0, pl.ds(f, L)] + bufb[0, pl.ds(f, L)]
        ebuf[sg, pl.ds(hL, L)] = ev
        return carry

    lax.fori_loop(0, NPB // L, egrp, None)

    for comp in range(3):
        def fgrp(g, carry, comp=comp):
            f = g * L
            v = bufa[comp + 1, pl.ds(f, L)] + bufb[comp + 1, pl.ds(f, L)]
            plsc.store_scatter(fbuf, [(f + lanes) * 3 + comp], v)
            return carry

        lax.fori_loop(0, NPB // L, fgrp, None)

    for sg in range(BGR):
        pltpu.sync_copy(ebuf.at[sg], acc64.at[bbuf.at[off + sg]], add=True)

    @pl.when(nid < NW - 1)
    def _full():
        pltpu.sync_copy(fbuf, force_hbm.at[pl.ds(nid * (NPB * 3), NPB * 3)])

    @pl.when(nid == NW - 1)
    def _partial():
        valid = (NN - (NW - 1) * NPB) * 3
        pltpu.sync_copy(fbuf.at[pl.ds(0, valid)],
                        force_hbm.at[pl.ds((NW - 1) * NPB * 3, valid)])

    plsc.subcore_barrier()

    @pl.when(s == 0)
    def _emit():
        pltpu.sync_copy(acc64, vb64)
        pltpu.sync_copy(vb64, ep_hbm.at[pl.ds(c * NG, NG)])


def _abuf_set():
    return (
        [
            pltpu.VMEM((CH,), jnp.float32),
            pltpu.VMEM((CH,), jnp.float32),
            pltpu.VMEM((CH,), jnp.float32),
            pltpu.VMEM((CH,), jnp.int32),
            pltpu.VMEM((CH,), jnp.int32),
        ]
        + [pltpu.VMEM((CH,), jnp.float32) for _ in range(7)]
    )


_edge_call = pl.kernel(
    _edge_phase,
    out_type=jax.ShapeDtypeStruct((NC * 4 * ACC_N,), jnp.float32),
    mesh=_mesh,
    scratch_types=(
        _abuf_set() + _abuf_set()
        + [pltpu.VMEM((NN // 2,), jnp.int32)]
        + [pltpu.VMEM_SHARED((ACC_N,), jnp.float32) for _ in range(4)]
        + [pltpu.SemaphoreType.DMA] * 3
    ),
    compiler_params=_params,
)

_combine_call = pl.kernel(
    _combine_phase,
    out_type=(
        jax.ShapeDtypeStruct((NN * 3,), jnp.float32),
        jax.ShapeDtypeStruct((NC * NG,), jnp.float32),
    ),
    mesh=_mesh,
    scratch_types=[
        pltpu.VMEM((4, NPB), jnp.float32),
        pltpu.VMEM((4, NPB), jnp.float32),
        pltpu.VMEM((NPB * 3,), jnp.float32),
        pltpu.VMEM((BGR, 128), jnp.float32),
        pltpu.VMEM((32, 128), jnp.int32),
        pltpu.VMEM((NG,), jnp.float32),
        pltpu.VMEM_SHARED((NG,), jnp.float32),
    ],
    compiler_params=_params,
)


def kernel(dij, pred_charge, row, col, batch):
    dx_f = dij[:, 0]
    dy_f = dij[:, 1]
    dz_f = dij[:, 2]
    q16 = lax.bitcast_convert_type(
        pred_charge.astype(jnp.bfloat16), jnp.uint16).astype(jnp.uint32)
    qpk = lax.bitcast_convert_type(
        q16[0::2] | (q16[1::2] << 16), jnp.int32)
    zeros_hbm = jnp.zeros((NB_PER_TILE,), jnp.float32)
    batch2 = jnp.concatenate(
        [batch, jnp.zeros((ACC_N - NN,), jnp.int32)]
    ).reshape(BATCH_ROWS, 128)
    p = _edge_call(dx_f, dy_f, dz_f, qpk, row, col, zeros_hbm)
    force_f, ep = _combine_call(p, batch2)
    return ep[:NG] + ep[NG:], force_f.reshape(NN, 3)

# --- scband reference (transcript-rebuilt; emitter-appended) ---
"""Pipeline reference for scband-qeq-module-3745211483115 (READ-ONLY COPY).

The authoritative reference and input builder live on the scoring server;
editing this copy changes nothing except your own understanding.
"""

import jax, jax.numpy as jnp
import numpy as np

ANGSTROM_TO_METER = 1e-10
COULOMB_CONSTANT = 8987551792.3
ELECTRON_CHARGE = 1.602176634e-19
EV_TO_JOULE = 1.602176634e-19
COUL_DAMPING_BETA = 18.7
COUL_DAMPING_R0 = 2.2 * ANGSTROM_TO_METER
N_NODES = 100000
N_EDGES = 3200000
N_GRAPHS = 64


def setup_inputs(seed: int = 0) -> dict:
    key = jax.random.key(seed)
    k1, k2, k3, k4, k5 = jax.random.split(key, 5)
    row = jax.random.randint(k1, (N_EDGES,), 0, N_NODES, dtype=jnp.int32)
    col = jax.random.randint(k2, (N_EDGES,), 0, N_NODES, dtype=jnp.int32)
    dij = jax.random.normal(k3, (N_EDGES, 3), dtype=jnp.float32)
    pred_charge = jax.random.normal(k4, (N_NODES,), dtype=jnp.float32)
    batch = jnp.sort(jax.random.randint(k5, (N_NODES,), 0, N_GRAPHS, dtype=jnp.int32))
    return {"dij": dij, "pred_charge": pred_charge, "row": row, "col": col, "batch": batch}


def reference(dij, pred_charge, row, col, batch):
    # Faithful port of QEqModule.get_coulomb_energy (g_ewald=None branch)
    dij_meter = dij * ANGSTROM_TO_METER
    rij = jnp.sqrt(jnp.sum(jnp.square(dij_meter), axis=-1))
    pred_charge_coulomb = pred_charge * ELECTRON_CHARGE
    prefactor_coul = COULOMB_CONSTANT * pred_charge_coulomb[row] * pred_charge_coulomb[col] / rij
    damp_factor = jnp.where(
        rij < COUL_DAMPING_R0,
        jnp.exp(-COUL_DAMPING_BETA * (COUL_DAMPING_R0 - rij) / COUL_DAMPING_R0),
        jnp.ones_like(rij),
    )
    ecoul = 0.5 * prefactor_coul * damp_factor
    fcoul = prefactor_coul * damp_factor / rij
    coul_fij = dij_meter * (fcoul / rij)[:, None]
    coul_fij_ev_angstrom = coul_fij * ANGSTROM_TO_METER / EV_TO_JOULE
    ecoul_ev = ecoul / EV_TO_JOULE
    per_atom_e = jax.ops.segment_sum(ecoul_ev, row, num_segments=N_NODES)
    coul_energy = jax.ops.segment_sum(per_atom_e, batch, num_segments=N_GRAPHS)
    force_row = jax.ops.segment_sum(coul_fij_ev_angstrom, row, num_segments=N_NODES)
    force_col = jax.ops.segment_sum(coul_fij_ev_angstrom, col, num_segments=N_NODES)
    coul_force = force_row - force_col
    return (coul_energy, coul_force)

if __name__ == "__main__":
    import jax
    _d = setup_inputs()
    print(jax.jit(kernel)(*tuple(_d.values())))

</pallas_src>

<mosaic_0001>
#map = affine_map<(d0, d1) -> (0)>
#map1 = affine_map<(d0, d1) -> (0, 0)>
module attributes {stable_mosaic.version = 14 : i64} {
  func.func @_combine_phase(%arg0: i32, %arg1: i32, %arg2: memref<819200xf32, #tpu.memory_space<hbm>>, %arg3: memref<800x128xi32, #tpu.memory_space<hbm>>, %arg4: memref<300000xf32, #tpu.memory_space<hbm>>, %arg5: memref<128xf32, #tpu.memory_space<hbm>>, %arg6: memref<4x3200xf32, #tpu.memory_space<vmem>>, %arg7: memref<4x3200xf32, #tpu.memory_space<vmem>>, %arg8: memref<9600xf32, #tpu.memory_space<vmem>>, %arg9: memref<25x128xf32, #tpu.memory_space<vmem>>, %arg10: memref<32x128xi32, #tpu.memory_space<vmem>>, %arg11: memref<64xf32, #tpu.memory_space<vmem>>, %arg12: memref<64xf32, #tpu.memory_space<vmem_shared>>) attributes {dimension_semantics = [#tpu.dimension_semantics<core_parallel>, #tpu.dimension_semantics<subcore_parallel>], iteration_bounds = array<i64: 2, 16>, scalar_prefetch = 0 : i64, scratch_operands = 7 : i64, tpu.core_type = #tpu.core_type<sc_vector_subcore>, window_params = [{transform_indices = #map}, {transform_indices = #map1}, {transform_indices = #map}, {transform_indices = #map}]} {
    %mul3A = arith.constant 16 : i32
    %mul3A_0 = arith.muli %arg0, %mul3A : i32
    %add3A = arith.addi %mul3A_0, %arg1 : i32
    %iota3A = tpu.iota {dimensions = array<i32: 0>} : vector<16xi32>
    %broadcast_in_dim3A = arith.constant 0.000000e+00 : f32
    %broadcast_in_dim3A_1 = vector.broadcast %broadcast_in_dim3A : f32 to vector<16xf32>
    %eq3A = arith.constant 0 : i32
    %eq3A_2 = arith.cmpi eq, %arg1, %eq3A : i32
    %convert_element_type3A = arith.extui %eq3A_2 : i1 to i32
    %cond3A = arith.constant 0 : i32
    %cond3A_3 = arith.cmpi ne, %convert_element_type3A, %cond3A : i32
    scf.if %cond3A_3 {
      %swap3A = arith.constant 0 : index
      %swap3A_155 = tpu.vector_load %arg11[%swap3A] {strides = array<i32>} : memref<64xf32, #tpu.memory_space<vmem>>, vector<16xf32>,
      tpu.vector_store %arg11[%swap3A], %broadcast_in_dim3A_1 {strides = array<i32>} : memref<64xf32, #tpu.memory_space<vmem>>, vector<16xf32>,
      %swap3A_156 = arith.constant 16 : index
      %swap3A_157 = tpu.vector_load %arg11[%swap3A_156] {strides = array<i32>} : memref<64xf32, #tpu.memory_space<vmem>>, vector<16xf32>,
      tpu.vector_store %arg11[%swap3A_156], %broadcast_in_dim3A_1 {strides = array<i32>} : memref<64xf32, #tpu.memory_space<vmem>>, vector<16xf32>,
      %swap3A_158 = arith.constant 32 : index
      %swap3A_159 = tpu.vector_load %arg11[%swap3A_158] {strides = array<i32>} : memref<64xf32, #tpu.memory_space<vmem>>, vector<16xf32>,
      tpu.vector_store %arg11[%swap3A_158], %broadcast_in_dim3A_1 {strides = array<i32>} : memref<64xf32, #tpu.memory_space<vmem>>, vector<16xf32>,
      %swap3A_160 = arith.constant 48 : index
      %swap3A_161 = tpu.vector_load %arg11[%swap3A_160] {strides = array<i32>} : memref<64xf32, #tpu.memory_space<vmem>>, vector<16xf32>,
      tpu.vector_store %arg11[%swap3A_160], %broadcast_in_dim3A_1 {strides = array<i32>} : memref<64xf32, #tpu.memory_space<vmem>>, vector<16xf32>,
      "tpu.region"() ({
        %run_scoped3A_162 = tpu.sem_alloc : memref<!tpu.dma_semaphore, #tpu.memory_space<semaphore_mem>>
        tpu.enqueue_dma source(%arg11 : memref<64xf32, #tpu.memory_space<vmem>>) target(%arg12 : memref<64xf32, #tpu.memory_space<vmem_shared>>) target_semaphore(%run_scoped3A_162 : memref<!tpu.dma_semaphore, #tpu.memory_space<semaphore_mem>>)
        tpu.wait_dma2 semaphore(%run_scoped3A_162 : memref<!tpu.dma_semaphore, #tpu.memory_space<semaphore_mem>>) src(%arg11 : memref<64xf32, #tpu.memory_space<vmem>>) dst(%arg12 : memref<64xf32, #tpu.memory_space<vmem_shared>>)
        tpu.yield
      }) : () -> ()
    } else {
    }
    %mul3A_4 = arith.constant 3200 : i32
    %mul3A_5 = arith.muli %add3A, %mul3A_4 : i32
    %add3A_6 = arith.constant 0 : i32
    %add3A_7 = arith.addi %add3A_6, %mul3A_5 : i32
    %run_scoped3A = arith.constant 0 : i32
    "tpu.region"() ({
      %run_scoped3A_155 = tpu.sem_alloc : memref<!tpu.dma_semaphore, #tpu.memory_space<semaphore_mem>>
      %dma_start3A = arith.constant 0 : i32
      %dma_start3A_156 = tpu.memref_slice %arg6[%run_scoped3A, %dma_start3A] : memref<4x3200xf32, #tpu.memory_space<vmem>> -> memref<1x3200xf32, #tpu.memory_space<vmem>>
      %dma_start3A_157 = tpu.memref_squeeze %dma_start3A_156 : memref<1x3200xf32, #tpu.memory_space<vmem>> -> memref<3200xf32, #tpu.memory_space<vmem>>
      %dma_start3A_158 = tpu.memref_slice %arg2[%add3A_7] : memref<819200xf32, #tpu.memory_space<hbm>> -> memref<3200xf32, #tpu.memory_space<hbm>>
      %dma_start3A_159 = arith.constant 0 : i32
      %dma_start3A_160 = tpu.memref_slice %arg6[%run_scoped3A, %dma_start3A_159] : memref<4x3200xf32, #tpu.memory_space<vmem>> -> memref<1x3200xf32, #tpu.memory_space<vmem>>
      %dma_start3A_161 = tpu.memref_squeeze %dma_start3A_160 : memref<1x3200xf32, #tpu.memory_space<vmem>> -> memref<3200xf32, #tpu.memory_space<vmem>>
      %dma_start3A_162 = tpu.memref_slice %arg2[%add3A_7] : memref<819200xf32, #tpu.memory_space<hbm>> -> memref<3200xf32, #tpu.memory_space<hbm>>
      tpu.enqueue_dma source(%dma_start3A_162 : memref<3200xf32, #tpu.memory_space<hbm>>) target(%dma_start3A_161 : memref<3200xf32, #tpu.memory_space<vmem>>) target_semaphore(%run_scoped3A_155 : memref<!tpu.dma_semaphore, #tpu.memory_space<semaphore_mem>>)
      %dma_wait3A = arith.constant 0 : i32
      %dma_wait3A_163 = tpu.memref_slice %arg6[%run_scoped3A, %dma_wait3A] : memref<4x3200xf32, #tpu.memory_space<vmem>> -> memref<1x3200xf32, #tpu.memory_space<vmem>>
      %dma_wait3A_164 = tpu.memref_squeeze %dma_wait3A_163 : memref<1x3200xf32, #tpu.memory_space<vmem>> -> memref<3200xf32, #tpu.memory_space<vmem>>
      %dma_wait3A_165 = tpu.memref_slice %arg2[%add3A_7] : memref<819200xf32, #tpu.memory_space<hbm>> -> memref<3200xf32, #tpu.memory_space<hbm>>
      %dma_wait3A_166 = arith.constant 0 : i32
      %dma_wait3A_167 = tpu.memref_slice %arg6[%run_scoped3A, %dma_wait3A_166] : memref<4x3200xf32, #tpu.memory_space<vmem>> -> memref<1x3200xf32, #tpu.memory_space<vmem>>
      %dma_wait3A_168 = tpu.memref_squeeze %dma_wait3A_167 : memref<1x3200xf32, #tpu.memory_space<vmem>> -> memref<3200xf32, #tpu.memory_space<vmem>>
      %dma_wait3A_169 = tpu.memref_slice %arg2[%add3A_7] : memref<819200xf32, #tpu.memory_space<hbm>> -> memref<3200xf32, #tpu.memory_space<hbm>>
      tpu.wait_dma2 semaphore(%run_scoped3A_155 : memref<!tpu.dma_semaphore, #tpu.memory_space<semaphore_mem>>) src(%dma_wait3A_169 : memref<3200xf32, #tpu.memory_space<hbm>>) dst(%dma_wait3A_168 : memref<3200xf32, #tpu.memory_space<vmem>>)
      tpu.yield
    }) : () -> ()
    %mul3A_8 = arith.constant 3200 : i32
    %mul3A_9 = arith.muli %add3A, %mul3A_8 : i32
    %add3A_10 = arith.constant 409600 : i32
    %add3A_11 = arith.addi %add3A_10, %mul3A_9 : i32
    %run_scoped3A_12 = arith.constant 0 : i32
    "tpu.region"() ({
      %run_scoped3A_155 = tpu.sem_alloc : memref<!tpu.dma_semaphore, #tpu.memory_space<semaphore_mem>>
      %dma_start3A = arith.constant 0 : i32
      %dma_start3A_156 = tpu.memref_slice %arg7[%run_scoped3A_12, %dma_start3A] : memref<4x3200xf32, #tpu.memory_space<vmem>> -> memref<1x3200xf32, #tpu.memory_space<vmem>>
      %dma_start3A_157 = tpu.memref_squeeze %dma_start3A_156 : memref<1x3200xf32, #tpu.memory_space<vmem>> -> memref<3200xf32, #tpu.memory_space<vmem>>
      %dma_start3A_158 = tpu.memref_slice %arg2[%add3A_11] : memref<819200xf32, #tpu.memory_space<hbm>> -> memref<3200xf32, #tpu.memory_space<hbm>>
      %dma_start3A_159 = arith.constant 0 : i32
      %dma_start3A_160 = tpu.memref_slice %arg7[%run_scoped3A_12, %dma_start3A_159] : memref<4x3200xf32, #tpu.memory_space<vmem>> -> memref<1x3200xf32, #tpu.memory_space<vmem>>
      %dma_start3A_161 = tpu.memref_squeeze %dma_start3A_160 : memref<1x3200xf32, #tpu.memory_space<vmem>> -> memref<3200xf32, #tpu.memory_space<vmem>>
      %dma_start3A_162 = tpu.memref_slice %arg2[%add3A_11] : memref<819200xf32, #tpu.memory_space<hbm>> -> memref<3200xf32, #tpu.memory_space<hbm>>
      tpu.enqueue_dma source(%dma_start3A_162 : memref<3200xf32, #tpu.memory_space<hbm>>) target(%dma_start3A_161 : memref<3200xf32, #tpu.memory_space<vmem>>) target_semaphore(%run_scoped3A_155 : memref<!tpu.dma_semaphore, #tpu.memory_space<semaphore_mem>>)
      %dma_wait3A = arith.constant 0 : i32
      %dma_wait3A_163 = tpu.memref_slice %arg7[%run_scoped3A_12, %dma_wait3A] : memref<4x3200xf32, #tpu.memory_space<vmem>> -> memref<1x3200xf32, #tpu.memory_space<vmem>>
      %dma_wait3A_164 = tpu.memref_squeeze %dma_wait3A_163 : memref<1x3200xf32, #tpu.memory_space<vmem>> -> memref<3200xf32, #tpu.memory_space<vmem>>
      %dma_wait3A_165 = tpu.memref_slice %arg2[%add3A_11] : memref<819200xf32, #tpu.memory_space<hbm>> -> memref<3200xf32, #tpu.memory_space<hbm>>
      %dma_wait3A_166 = arith.constant 0 : i32
      %dma_wait3A_167 = tpu.memref_slice %arg7[%run_scoped3A_12, %dma_wait3A_166] : memref<4x3200xf32, #tpu.memory_space<vmem>> -> memref<1x3200xf32, #tpu.memory_space<vmem>>
      %dma_wait3A_168 = tpu.memref_squeeze %dma_wait3A_167 : memref<1x3200xf32, #tpu.memory_space<vmem>> -> memref<3200xf32, #tpu.memory_space<vmem>>
      %dma_wait3A_169 = tpu.memref_slice %arg2[%add3A_11] : memref<819200xf32, #tpu.memory_space<hbm>> -> memref<3200xf32, #tpu.memory_space<hbm>>
      tpu.wait_dma2 semaphore(%run_scoped3A_155 : memref<!tpu.dma_semaphore, #tpu.memory_space<semaphore_mem>>) src(%dma_wait3A_169 : memref<3200xf32, #tpu.memory_space<hbm>>) dst(%dma_wait3A_168 : memref<3200xf32, #tpu.memory_space<vmem>>)
      tpu.yield
    }) : () -> ()
    %mul3A_13 = arith.constant 3200 : i32
    %mul3A_14 = arith.muli %add3A, %mul3A_13 : i32
    %add3A_15 = arith.constant 102400 : i32
    %add3A_16 = arith.addi %add3A_15, %mul3A_14 : i32
    %run_scoped3A_17 = arith.constant 1 : i32
    "tpu.region"() ({
      %run_scoped3A_155 = tpu.sem_alloc : memref<!tpu.dma_semaphore, #tpu.memory_space<semaphore_mem>>
      %dma_start3A = arith.constant 0 : i32
      %dma_start3A_156 = tpu.memref_slice %arg6[%run_scoped3A_17, %dma_start3A] : memref<4x3200xf32, #tpu.memory_space<vmem>> -> memref<1x3200xf32, #tpu.memory_space<vmem>>
      %dma_start3A_157 = tpu.memref_squeeze %dma_start3A_156 : memref<1x3200xf32, #tpu.memory_space<vmem>> -> memref<3200xf32, #tpu.memory_space<vmem>>
      %dma_start3A_158 = tpu.memref_slice %arg2[%add3A_16] : memref<819200xf32, #tpu.memory_space<hbm>> -> memref<3200xf32, #tpu.memory_space<hbm>>
      %dma_start3A_159 = arith.constant 0 : i32
      %dma_start3A_160 = tpu.memref_slice %arg6[%run_scoped3A_17, %dma_start3A_159] : memref<4x3200xf32, #tpu.memory_space<vmem>> -> memref<1x3200xf32, #tpu.memory_space<vmem>>
      %dma_start3A_161 = tpu.memref_squeeze %dma_start3A_160 : memref<1x3200xf32, #tpu.memory_space<vmem>> -> memref<3200xf32, #tpu.memory_space<vmem>>
      %dma_start3A_162 = tpu.memref_slice %arg2[%add3A_16] : memref<819200xf32, #tpu.memory_space<hbm>> -> memref<3200xf32, #tpu.memory_space<hbm>>
      tpu.enqueue_dma source(%dma_start3A_162 : memref<3200xf32, #tpu.memory_space<hbm>>) target(%dma_start3A_161 : memref<3200xf32, #tpu.memory_space<vmem>>) target_semaphore(%run_scoped3A_155 : memref<!tpu.dma_semaphore, #tpu.memory_space<semaphore_mem>>)
      %dma_wait3A = arith.constant 0 : i32
      %dma_wait3A_163 = tpu.memref_slice %arg6[%run_scoped3A_17, %dma_wait3A] : memref<4x3200xf32, #tpu.memory_space<vmem>> -> memref<1x3200xf32, #tpu.memory_space<vmem>>
      %dma_wait3A_164 = tpu.memref_squeeze %dma_wait3A_163 : memref<1x3200xf32, #tpu.memory_space<vmem>> -> memref<3200xf32, #tpu.memory_space<vmem>>
      %dma_wait3A_165 = tpu.memref_slice %arg2[%add3A_16] : memref<819200xf32, #tpu.memory_space<hbm>> -> memref<3200xf32, #tpu.memory_space<hbm>>
      %dma_wait3A_166 = arith.constant 0 : i32
      %dma_wait3A_167 = tpu.memref_slice %arg6[%run_scoped3A_17, %dma_wait3A_166] : memref<4x3200xf32, #tpu.memory_space<vmem>> -> memref<1x3200xf32, #tpu.memory_space<vmem>>
      %dma_wait3A_168 = tpu.memref_squeeze %dma_wait3A_167 : memref<1x3200xf32, #tpu.memory_space<vmem>> -> memref<3200xf32, #tpu.memory_space<vmem>>
      %dma_wait3A_169 = tpu.memref_slice %arg2[%add3A_16] : memref<819200xf32, #tpu.memory_space<hbm>> -> memref<3200xf32, #tpu.memory_space<hbm>>
      tpu.wait_dma2 semaphore(%run_scoped3A_155 : memref<!tpu.dma_semaphore, #tpu.memory_space<semaphore_mem>>) src(%dma_wait3A_169 : memref<3200xf32, #tpu.memory_space<hbm>>) dst(%dma_wait3A_168 : memref<3200xf32, #tpu.memory_space<vmem>>)
      tpu.yield
    }) : () -> ()
    %mul3A_18 = arith.constant 3200 : i32
    %mul3A_19 = arith.muli %add3A, %mul3A_18 : i32
    %add3A_20 = arith.constant 512000 : i32
    %add3A_21 = arith.addi %add3A_20, %mul3A_19 : i32
    %run_scoped3A_22 = arith.constant 1 : i32
    "tpu.region"() ({
      %run_scoped3A_155 = tpu.sem_alloc : memref<!tpu.dma_semaphore, #tpu.memory_space<semaphore_mem>>
      %dma_start3A = arith.constant 0 : i32
      %dma_start3A_156 = tpu.memref_slice %arg7[%run_scoped3A_22, %dma_start3A] : memref<4x3200xf32, #tpu.memory_space<vmem>> -> memref<1x3200xf32, #tpu.memory_space<vmem>>
      %dma_start3A_157 = tpu.memref_squeeze %dma_start3A_156 : memref<1x3200xf32, #tpu.memory_space<vmem>> -> memref<3200xf32, #tpu.memory_space<vmem>>
      %dma_start3A_158 = tpu.memref_slice %arg2[%add3A_21] : memref<819200xf32, #tpu.memory_space<hbm>> -> memref<3200xf32, #tpu.memory_space<hbm>>
      %dma_start3A_159 = arith.constant 0 : i32
      %dma_start3A_160 = tpu.memref_slice %arg7[%run_scoped3A_22, %dma_start3A_159] : memref<4x3200xf32, #tpu.memory_space<vmem>> -> memref<1x3200xf32, #tpu.memory_space<vmem>>
      %dma_start3A_161 = tpu.memref_squeeze %dma_start3A_160 : memref<1x3200xf32, #tpu.memory_space<vmem>> -> memref<3200xf32, #tpu.memory_space<vmem>>
      %dma_start3A_162 = tpu.memref_slice %arg2[%add3A_21] : memref<819200xf32, #tpu.memory_space<hbm>> -> memref<3200xf32, #tpu.memory_space<hbm>>
      tpu.enqueue_dma source(%dma_start3A_162 : memref<3200xf32, #tpu.memory_space<hbm>>) target(%dma_start3A_161 : memref<3200xf32, #tpu.memory_space<vmem>>) target_semaphore(%run_scoped3A_155 : memref<!tpu.dma_semaphore, #tpu.memory_space<semaphore_mem>>)
      %dma_wait3A = arith.constant 0 : i32
      %dma_wait3A_163 = tpu.memref_slice %arg7[%run_scoped3A_22, %dma_wait3A] : memref<4x3200xf32, #tpu.memory_space<vmem>> -> memref<1x3200xf32, #tpu.memory_space<vmem>>
      %dma_wait3A_164 = tpu.memref_squeeze %dma_wait3A_163 : memref<1x3200xf32, #tpu.memory_space<vmem>> -> memref<3200xf32, #tpu.memory_space<vmem>>
      %dma_wait3A_165 = tpu.memref_slice %arg2[%add3A_21] : memref<819200xf32, #tpu.memory_space<hbm>> -> memref<3200xf32, #tpu.memory_space<hbm>>
      %dma_wait3A_166 = arith.constant 0 : i32
      %dma_wait3A_167 = tpu.memref_slice %arg7[%run_scoped3A_22, %dma_wait3A_166] : memref<4x3200xf32, #tpu.memory_space<vmem>> -> memref<1x3200xf32, #tpu.memory_space<vmem>>
      %dma_wait3A_168 = tpu.memref_squeeze %dma_wait3A_167 : memref<1x3200xf32, #tpu.memory_space<vmem>> -> memref<3200xf32, #tpu.memory_space<vmem>>
      %dma_wait3A_169 = tpu.memref_slice %arg2[%add3A_21] : memref<819200xf32, #tpu.memory_space<hbm>> -> memref<3200xf32, #tpu.memory_space<hbm>>
      tpu.wait_dma2 semaphore(%run_scoped3A_155 : memref<!tpu.dma_semaphore, #tpu.memory_space<semaphore_mem>>) src(%dma_wait3A_169 : memref<3200xf32, #tpu.memory_space<hbm>>) dst(%dma_wait3A_168 : memref<3200xf32, #tpu.memory_space<vmem>>)
      tpu.yield
    }) : () -> ()
    %mul3A_23 = arith.constant 3200 : i32
    %mul3A_24 = arith.muli %add3A, %mul3A_23 : i32
    %add3A_25 = arith.constant 204800 : i32
    %add3A_26 = arith.addi %add3A_25, %mul3A_24 : i32
    %run_scoped3A_27 = arith.constant 2 : i32
    "tpu.region"() ({
      %run_scoped3A_155 = tpu.sem_alloc : memref<!tpu.dma_semaphore, #tpu.memory_space<semaphore_mem>>
      %dma_start3A = arith.constant 0 : i32
      %dma_start3A_156 = tpu.memref_slice %arg6[%run_scoped3A_27, %dma_start3A] : memref<4x3200xf32, #tpu.memory_space<vmem>> -> memref<1x3200xf32, #tpu.memory_space<vmem>>
      %dma_start3A_157 = tpu.memref_squeeze %dma_start3A_156 : memref<1x3200xf32, #tpu.memory_space<vmem>> -> memref<3200xf32, #tpu.memory_space<vmem>>
      %dma_start3A_158 = tpu.memref_slice %arg2[%add3A_26] : memref<819200xf32, #tpu.memory_space<hbm>> -> memref<3200xf32, #tpu.memory_space<hbm>>
      %dma_start3A_159 = arith.constant 0 : i32
      %dma_start3A_160 = tpu.memref_slice %arg6[%run_scoped3A_27, %dma_start3A_159] : memref<4x3200xf32, #tpu.memory_space<vmem>> -> memref<1x3200xf32, #tpu.memory_space<vmem>>
      %dma_start3A_161 = tpu.memref_squeeze %dma_start3A_160 : memref<1x3200xf32, #tpu.memory_space<vmem>> -> memref<3200xf32, #tpu.memory_space<vmem>>
      %dma_start3A_162 = tpu.memref_slice %arg2[%add3A_26] : memref<819200xf32, #tpu.memory_space<hbm>> -> memref<3200xf32, #tpu.memory_space<hbm>>
      tpu.enqueue_dma source(%dma_start3A_162 : memref<3200xf32, #tpu.memory_space<hbm>>) target(%dma_start3A_161 : memref<3200xf32, #tpu.memory_space<vmem>>) target_semaphore(%run_scoped3A_155 : memref<!tpu.dma_semaphore, #tpu.memory_space<semaphore_mem>>)
      %dma_wait3A = arith.constant 0 : i32
      %dma_wait3A_163 = tpu.memref_slice %arg6[%run_scoped3A_27, %dma_wait3A] : memref<4x3200xf32, #tpu.memory_space<vmem>> -> memref<1x3200xf32, #tpu.memory_space<vmem>>
      %dma_wait3A_164 = tpu.memref_squeeze %dma_wait3A_163 : memref<1x3200xf32, #tpu.memory_space<vmem>> -> memref<3200xf32, #tpu.memory_space<vmem>>
      %dma_wait3A_165 = tpu.memref_slice %arg2[%add3A_26] : memref<819200xf32, #tpu.memory_space<hbm>> -> memref<3200xf32, #tpu.memory_space<hbm>>
      %dma_wait3A_166 = arith.constant 0 : i32
      %dma_wait3A_167 = tpu.memref_slice %arg6[%run_scoped3A_27, %dma_wait3A_166] : memref<4x3200xf32, #tpu.memory_space<vmem>> -> memref<1x3200xf32, #tpu.memory_space<vmem>>
      %dma_wait3A_168 = tpu.memref_squeeze %dma_wait3A_167 : memref<1x3200xf32, #tpu.memory_space<vmem>> -> memref<3200xf32, #tpu.memory_space<vmem>>
      %dma_wait3A_169 = tpu.memref_slice %arg2[%add3A_26] : memref<819200xf32, #tpu.memory_space<hbm>> -> memref<3200xf32, #tpu.memory_space<hbm>>
      tpu.wait_dma2 semaphore(%run_scoped3A_155 : memref<!tpu.dma_semaphore, #tpu.memory_space<semaphore_mem>>) src(%dma_wait3A_169 : memref<3200xf32, #tpu.memory_space<hbm>>) dst(%dma_wait3A_168 : memref<3200xf32, #tpu.memory_space<vmem>>)
      tpu.yield
    }) : () -> ()
    %mul3A_28 = arith.constant 3200 : i32
    %mul3A_29 = arith.muli %add3A, %mul3A_28 : i32
    %add3A_30 = arith.constant 614400 : i32
    %add3A_31 = arith.addi %add3A_30, %mul3A_29 : i32
    %run_scoped3A_32 = arith.constant 2 : i32
    "tpu.region"() ({
      %run_scoped3A_155 = tpu.sem_alloc : memref<!tpu.dma_semaphore, #tpu.memory_space<semaphore_mem>>
      %dma_start3A = arith.constant 0 : i32
      %dma_start3A_156 = tpu.memref_slice %arg7[%run_scoped3A_32, %dma_start3A] : memref<4x3200xf32, #tpu.memory_space<vmem>> -> memref<1x3200xf32, #tpu.memory_space<vmem>>
      %dma_start3A_157 = tpu.memref_squeeze %dma_start3A_156 : memref<1x3200xf32, #tpu.memory_space<vmem>> -> memref<3200xf32, #tpu.memory_space<vmem>>
      %dma_start3A_158 = tpu.memref_slice %arg2[%add3A_31] : memref<819200xf32, #tpu.memory_space<hbm>> -> memref<3200xf32, #tpu.memory_space<hbm>>
      %dma_start3A_159 = arith.constant 0 : i32
      %dma_start3A_160 = tpu.memref_slice %arg7[%run_scoped3A_32, %dma_start3A_159] : memref<4x3200xf32, #tpu.memory_space<vmem>> -> memref<1x3200xf32, #tpu.memory_space<vmem>>
      %dma_start3A_161 = tpu.memref_squeeze %dma_start3A_160 : memref<1x3200xf32, #tpu.memory_space<vmem>> -> memref<3200xf32, #tpu.memory_space<vmem>>
      %dma_start3A_162 = tpu.memref_slice %arg2[%add3A_31] : memref<819200xf32, #tpu.memory_space<hbm>> -> memref<3200xf32, #tpu.memory_space<hbm>>
      tpu.enqueue_dma source(%dma_start3A_162 : memref<3200xf32, #tpu.memory_space<hbm>>) target(%dma_start3A_161 : memref<3200xf32, #tpu.memory_space<vmem>>) target_semaphore(%run_scoped3A_155 : memref<!tpu.dma_semaphore, #tpu.memory_space<semaphore_mem>>)
      %dma_wait3A = arith.constant 0 : i32
      %dma_wait3A_163 = tpu.memref_slice %arg7[%run_scoped3A_32, %dma_wait3A] : memref<4x3200xf32, #tpu.memory_space<vmem>> -> memref<1x3200xf32, #tpu.memory_space<vmem>>
      %dma_wait3A_164 = tpu.memref_squeeze %dma_wait3A_163 : memref<1x3200xf32, #tpu.memory_space<vmem>> -> memref<3200xf32, #tpu.memory_space<vmem>>
      %dma_wait3A_165 = tpu.memref_slice %arg2[%add3A_31] : memref<819200xf32, #tpu.memory_space<hbm>> -> memref<3200xf32, #tpu.memory_space<hbm>>
      %dma_wait3A_166 = arith.constant 0 : i32
      %dma_wait3A_167 = tpu.memref_slice %arg7[%run_scoped3A_32, %dma_wait3A_166] : memref<4x3200xf32, #tpu.memory_space<vmem>> -> memref<1x3200xf32, #tpu.memory_space<vmem>>
      %dma_wait3A_168 = tpu.memref_squeeze %dma_wait3A_167 : memref<1x3200xf32, #tpu.memory_space<vmem>> -> memref<3200xf32, #tpu.memory_space<vmem>>
      %dma_wait3A_169 = tpu.memref_slice %arg2[%add3A_31] : memref<819200xf32, #tpu.memory_space<hbm>> -> memref<3200xf32, #tpu.memory_space<hbm>>
      tpu.wait_dma2 semaphore(%run_scoped3A_155 : memref<!tpu.dma_semaphore, #tpu.memory_space<semaphore_mem>>) src(%dma_wait3A_169 : memref<3200xf32, #tpu.memory_space<hbm>>) dst(%dma_wait3A_168 : memref<3200xf32, #tpu.memory_space<vmem>>)
      tpu.yield
    }) : () -> ()
    %mul3A_33 = arith.constant 3200 : i32
    %mul3A_34 = arith.muli %add3A, %mul3A_33 : i32
    %add3A_35 = arith.constant 307200 : i32
    %add3A_36 = arith.addi %add3A_35, %mul3A_34 : i32
    %run_scoped3A_37 = arith.constant 3 : i32
    "tpu.region"() ({
      %run_scoped3A_155 = tpu.sem_alloc : memref<!tpu.dma_semaphore, #tpu.memory_space<semaphore_mem>>
      %dma_start3A = arith.constant 0 : i32
      %dma_start3A_156 = tpu.memref_slice %arg6[%run_scoped3A_37, %dma_start3A] : memref<4x3200xf32, #tpu.memory_space<vmem>> -> memref<1x3200xf32, #tpu.memory_space<vmem>>
      %dma_start3A_157 = tpu.memref_squeeze %dma_start3A_156 : memref<1x3200xf32, #tpu.memory_space<vmem>> -> memref<3200xf32, #tpu.memory_space<vmem>>
      %dma_start3A_158 = tpu.memref_slice %arg2[%add3A_36] : memref<819200xf32, #tpu.memory_space<hbm>> -> memref<3200xf32, #tpu.memory_space<hbm>>
      %dma_start3A_159 = arith.constant 0 : i32
      %dma_start3A_160 = tpu.memref_slice %arg6[%run_scoped3A_37, %dma_start3A_159] : memref<4x3200xf32, #tpu.memory_space<vmem>> -> memref<1x3200xf32, #tpu.memory_space<vmem>>
      %dma_start3A_161 = tpu.memref_squeeze %dma_start3A_160 : memref<1x3200xf32, #tpu.memory_space<vmem>> -> memref<3200xf32, #tpu.memory_space<vmem>>
      %dma_start3A_162 = tpu.memref_slice %arg2[%add3A_36] : memref<819200xf32, #tpu.memory_space<hbm>> -> memref<3200xf32, #tpu.memory_space<hbm>>
      tpu.enqueue_dma source(%dma_start3A_162 : memref<3200xf32, #tpu.memory_space<hbm>>) target(%dma_start3A_161 : memref<3200xf32, #tpu.memory_space<vmem>>) target_semaphore(%run_scoped3A_155 : memref<!tpu.dma_semaphore, #tpu.memory_space<semaphore_mem>>)
      %dma_wait3A = arith.constant 0 : i32
      %dma_wait3A_163 = tpu.memref_slice %arg6[%run_scoped3A_37, %dma_wait3A] : memref<4x3200xf32, #tpu.memory_space<vmem>> -> memref<1x3200xf32, #tpu.memory_space<vmem>>
      %dma_wait3A_164 = tpu.memref_squeeze %dma_wait3A_163 : memref<1x3200xf32, #tpu.memory_space<vmem>> -> memref<3200xf32, #tpu.memory_space<vmem>>
      %dma_wait3A_165 = tpu.memref_slice %arg2[%add3A_36] : memref<819200xf32, #tpu.memory_space<hbm>> -> memref<3200xf32, #tpu.memory_space<hbm>>
      %dma_wait3A_166 = arith.constant 0 : i32
      %dma_wait3A_167 = tpu.memref_slice %arg6[%run_scoped3A_37, %dma_wait3A_166] : memref<4x3200xf32, #tpu.memory_space<vmem>> -> memref<1x3200xf32, #tpu.memory_space<vmem>>
      %dma_wait3A_168 = tpu.memref_squeeze %dma_wait3A_167 : memref<1x3200xf32, #tpu.memory_space<vmem>> -> memref<3200xf32, #tpu.memory_space<vmem>>
      %dma_wait3A_169 = tpu.memref_slice %arg2[%add3A_36] : memref<819200xf32, #tpu.memory_space<hbm>> -> memref<3200xf32, #tpu.memory_space<hbm>>
      tpu.wait_dma2 semaphore(%run_scoped3A_155 : memref<!tpu.dma_semaphore, #tpu.memory_space<semaphore_mem>>) src(%dma_wait3A_169 : memref<3200xf32, #tpu.memory_space<hbm>>) dst(%dma_wait3A_168 : memref<3200xf32, #tpu.memory_space<vmem>>)
      tpu.yield
    }) : () -> ()
    %mul3A_38 = arith.constant 3200 : i32
    %mul3A_39 = arith.muli %add3A, %mul3A_38 : i32
    %add3A_40 = arith.constant 716800 : i32
    %add3A_41 = arith.addi %add3A_40, %mul3A_39 : i32
    %run_scoped3A_42 = arith.constant 3 : i32
    "tpu.region"() ({
      %run_scoped3A_155 = tpu.sem_alloc : memref<!tpu.dma_semaphore, #tpu.memory_space<semaphore_mem>>
      %dma_start3A = arith.constant 0 : i32
      %dma_start3A_156 = tpu.memref_slice %arg7[%run_scoped3A_42, %dma_start3A] : memref<4x3200xf32, #tpu.memory_space<vmem>> -> memref<1x3200xf32, #tpu.memory_space<vmem>>
      %dma_start3A_157 = tpu.memref_squeeze %dma_start3A_156 : memref<1x3200xf32, #tpu.memory_space<vmem>> -> memref<3200xf32, #tpu.memory_space<vmem>>
      %dma_start3A_158 = tpu.memref_slice %arg2[%add3A_41] : memref<819200xf32, #tpu.memory_space<hbm>> -> memref<3200xf32, #tpu.memory_space<hbm>>
      %dma_start3A_159 = arith.constant 0 : i32
      %dma_start3A_160 = tpu.memref_slice %arg7[%run_scoped3A_42, %dma_start3A_159] : memref<4x3200xf32, #tpu.memory_space<vmem>> -> memref<1x3200xf32, #tpu.memory_space<vmem>>
      %dma_start3A_161 = tpu.memref_squeeze %dma_start3A_160 : memref<1x3200xf32, #tpu.memory_space<vmem>> -> memref<3200xf32, #tpu.memory_space<vmem>>
      %dma_start3A_162 = tpu.memref_slice %arg2[%add3A_41] : memref<819200xf32, #tpu.memory_space<hbm>> -> memref<3200xf32, #tpu.memory_space<hbm>>
      tpu.enqueue_dma source(%dma_start3A_162 : memref<3200xf32, #tpu.memory_space<hbm>>) target(%dma_start3A_161 : memref<3200xf32, #tpu.memory_space<vmem>>) target_semaphore(%run_scoped3A_155 : memref<!tpu.dma_semaphore, #tpu.memory_space<semaphore_mem>>)
      %dma_wait3A = arith.constant 0 : i32
      %dma_wait3A_163 = tpu.memref_slice %arg7[%run_scoped3A_42, %dma_wait3A] : memref<4x3200xf32, #tpu.memory_space<vmem>> -> memref<1x3200xf32, #tpu.memory_space<vmem>>
      %dma_wait3A_164 = tpu.memref_squeeze %dma_wait3A_163 : memref<1x3200xf32, #tpu.memory_space<vmem>> -> memref<3200xf32, #tpu.memory_space<vmem>>
      %dma_wait3A_165 = tpu.memref_slice %arg2[%add3A_41] : memref<819200xf32, #tpu.memory_space<hbm>> -> memref<3200xf32, #tpu.memory_space<hbm>>
      %dma_wait3A_166 = arith.constant 0 : i32
      %dma_wait3A_167 = tpu.memref_slice %arg7[%run_scoped3A_42, %dma_wait3A_166] : memref<4x3200xf32, #tpu.memory_space<vmem>> -> memref<1x3200xf32, #tpu.memory_space<vmem>>
      %dma_wait3A_168 = tpu.memref_squeeze %dma_wait3A_167 : memref<1x3200xf32, #tpu.memory_space<vmem>> -> memref<3200xf32, #tpu.memory_space<vmem>>
      %dma_wait3A_169 = tpu.memref_slice %arg2[%add3A_41] : memref<819200xf32, #tpu.memory_space<hbm>> -> memref<3200xf32, #tpu.memory_space<hbm>>
      tpu.wait_dma2 semaphore(%run_scoped3A_155 : memref<!tpu.dma_semaphore, #tpu.memory_space<semaphore_mem>>) src(%dma_wait3A_169 : memref<3200xf32, #tpu.memory_space<hbm>>) dst(%dma_wait3A_168 : memref<3200xf32, #tpu.memory_space<vmem>>)
      tpu.yield
    }) : () -> ()
    %mul3A_43 = arith.constant 25 : i32
    %mul3A_44 = arith.muli %add3A, %mul3A_43 : i32
    %and3A = arith.constant -8 : i32
    %and3A_45 = arith.andi %mul3A_44, %and3A : i32
    %multiple_of3A = tpu.assume_multiple %and3A_45, 8 : i32
    %sub3A = arith.subi %mul3A_44, %multiple_of3A : i32
    "tpu.region"() ({
      %run_scoped3A_155 = tpu.sem_alloc : memref<!tpu.dma_semaphore, #tpu.memory_space<semaphore_mem>>
      %dma_start3A = arith.constant 0 : i32
      %dma_start3A_156 = tpu.memref_slice %arg3[%multiple_of3A, %dma_start3A] : memref<800x128xi32, #tpu.memory_space<hbm>> -> memref<32x128xi32, #tpu.memory_space<hbm>>
      %dma_start3A_157 = arith.constant 0 : i32
      %dma_start3A_158 = tpu.memref_slice %arg3[%multiple_of3A, %dma_start3A_157] : memref<800x128xi32, #tpu.memory_space<hbm>> -> memref<32x128xi32, #tpu.memory_space<hbm>>
      tpu.enqueue_dma source(%dma_start3A_158 : memref<32x128xi32, #tpu.memory_space<hbm>>) target(%arg10 : memref<32x128xi32, #tpu.memory_space<vmem>>) target_semaphore(%run_scoped3A_155 : memref<!tpu.dma_semaphore, #tpu.memory_space<semaphore_mem>>)
      %dma_wait3A = arith.constant 0 : i32
      %dma_wait3A_159 = tpu.memref_slice %arg3[%multiple_of3A, %dma_wait3A] : memref<800x128xi32, #tpu.memory_space<hbm>> -> memref<32x128xi32, #tpu.memory_space<hbm>>
      %dma_wait3A_160 = arith.constant 0 : i32
      %dma_wait3A_161 = tpu.memref_slice %arg3[%multiple_of3A, %dma_wait3A_160] : memref<800x128xi32, #tpu.memory_space<hbm>> -> memref<32x128xi32, #tpu.memory_space<hbm>>
      tpu.wait_dma2 semaphore(%run_scoped3A_155 : memref<!tpu.dma_semaphore, #tpu.memory_space<semaphore_mem>>) src(%dma_wait3A_161 : memref<32x128xi32, #tpu.memory_space<hbm>>) dst(%arg10 : memref<32x128xi32, #tpu.memory_space<vmem>>)
      tpu.yield
    }) : () -> ()
    %barrier3A = arith.constant 0 : index
    tpu.barrier barrier_id(%barrier3A)
    %scan3A = arith.constant 0 : i32
    %scan3A_46 = arith.constant 200 : i32
    %scan3A_47 = arith.addi %scan3A, %scan3A_46 : i32
    %scan3A_48 = arith.constant 1 : i32
    scf.for %scan3A_155 = %scan3A to %scan3A_47 step %scan3A_48  : i32 {
      %shift_right_logical3A = arith.constant 3 : i32
      %shift_right_logical3A_156 = arith.shrui %scan3A_155, %shift_right_logical3A : i32
      %and3A_157 = arith.constant 7 : i32
      %and3A_158 = arith.andi %scan3A_155, %and3A_157 : i32
      %mul3A_159 = arith.constant 16 : i32
      %mul3A_160 = arith.muli %and3A_158, %mul3A_159 : i32
      %mul3A_161 = arith.constant 16 : i32
      %mul3A_162 = arith.muli %scan3A_155, %mul3A_161 : i32
      %get3A = arith.constant 0 : i32
      %get3A_163 = arith.index_cast %get3A : i32 to index
      %get3A_164 = arith.index_cast %mul3A_162 : i32 to index
      %get3A_165 = tpu.vector_load %arg6[%get3A_163, %get3A_164] {strides = array<i32>} : memref<4x3200xf32, #tpu.memory_space<vmem>>, vector<16xf32>,
      %get3A_166 = arith.constant 0 : i32
      %get3A_167 = arith.index_cast %get3A_166 : i32 to index
      %get3A_168 = arith.index_cast %mul3A_162 : i32 to index
      %get3A_169 = tpu.vector_load %arg7[%get3A_167, %get3A_168] {strides = array<i32>} : memref<4x3200xf32, #tpu.memory_space<vmem>>, vector<16xf32>,
      %add3A_170 = arith.addf %get3A_165, %get3A_169 : vector<16xf32>
      %swap3A = arith.index_cast %shift_right_logical3A_156 : i32 to index
      %swap3A_171 = arith.index_cast %mul3A_160 : i32 to index
      %swap3A_172 = tpu.vector_load %arg9[%swap3A, %swap3A_171] {strides = array<i32>} : memref<25x128xf32, #tpu.memory_space<vmem>>, vector<16xf32>,
      tpu.vector_store %arg9[%swap3A, %swap3A_171], %add3A_170 {strides = array<i32>} : memref<25x128xf32, #tpu.memory_space<vmem>>, vector<16xf32>,
    }
    %scan3A_49 = arith.constant 200 : i32
    %scan3A_50 = arith.constant 0 : i32
    %scan3A_51 = arith.constant 200 : i32
    %scan3A_52 = arith.addi %scan3A_50, %scan3A_51 : i32
    %scan3A_53 = arith.constant 1 : i32
    scf.for %scan3A_155 = %scan3A_50 to %scan3A_52 step %scan3A_53  : i32 {
      %mul3A_156 = arith.constant 16 : i32
      %mul3A_157 = arith.muli %scan3A_155, %mul3A_156 : i32
      %get3A = arith.constant 1 : i32
      %get3A_158 = arith.index_cast %get3A : i32 to index
      %get3A_159 = arith.index_cast %mul3A_157 : i32 to index
      %get3A_160 = tpu.vector_load %arg6[%get3A_158, %get3A_159] {strides = array<i32>} : memref<4x3200xf32, #tpu.memory_space<vmem>>, vector<16xf32>,
      %get3A_161 = arith.constant 1 : i32
      %get3A_162 = arith.index_cast %get3A_161 : i32 to index
      %get3A_163 = arith.index_cast %mul3A_157 : i32 to index
      %get3A_164 = tpu.vector_load %arg7[%get3A_162, %get3A_163] {strides = array<i32>} : memref<4x3200xf32, #tpu.memory_space<vmem>>, vector<16xf32>,
      %add3A_165 = arith.addf %get3A_160, %get3A_164 : vector<16xf32>
      %add3A_166 = vector.broadcast %mul3A_157 : i32 to vector<16xi32>
      %add3A_167 = arith.addi %add3A_166, %iota3A : vector<16xi32>
      %mul3A_168 = arith.constant 3 : i32
      %mul3A_169 = vector.broadcast %mul3A_168 : i32 to vector<16xi32>
      %mul3A_170 = arith.muli %add3A_167, %mul3A_169 : vector<16xi32>
      %add3A_171 = arith.constant 0 : i32
      %add3A_172 = vector.broadcast %add3A_171 : i32 to vector<16xi32>
      %add3A_173 = arith.addi %mul3A_170, %add3A_172 : vector<16xi32>
      tpu.vector_store_idx %arg8[%add3A_173], %add3A_165 : memref<9600xf32, #tpu.memory_space<vmem>>[vector<16xi32>], vector<16xf32>,
    }
    %scan3A_54 = arith.constant 200 : i32
    %scan3A_55 = arith.constant 0 : i32
    %scan3A_56 = arith.constant 200 : i32
    %scan3A_57 = arith.addi %scan3A_55, %scan3A_56 : i32
    %scan3A_58 = arith.constant 1 : i32
    scf.for %scan3A_155 = %scan3A_55 to %scan3A_57 step %scan3A_58  : i32 {
      %mul3A_156 = arith.constant 16 : i32
      %mul3A_157 = arith.muli %scan3A_155, %mul3A_156 : i32
      %get3A = arith.constant 2 : i32
      %get3A_158 = arith.index_cast %get3A : i32 to index
      %get3A_159 = arith.index_cast %mul3A_157 : i32 to index
      %get3A_160 = tpu.vector_load %arg6[%get3A_158, %get3A_159] {strides = array<i32>} : memref<4x3200xf32, #tpu.memory_space<vmem>>, vector<16xf32>,
      %get3A_161 = arith.constant 2 : i32
      %get3A_162 = arith.index_cast %get3A_161 : i32 to index
      %get3A_163 = arith.index_cast %mul3A_157 : i32 to index
      %get3A_164 = tpu.vector_load %arg7[%get3A_162, %get3A_163] {strides = array<i32>} : memref<4x3200xf32, #tpu.memory_space<vmem>>, vector<16xf32>,
      %add3A_165 = arith.addf %get3A_160, %get3A_164 : vector<16xf32>
      %add3A_166 = vector.broadcast %mul3A_157 : i32 to vector<16xi32>
      %add3A_167 = arith.addi %add3A_166, %iota3A : vector<16xi32>
      %mul3A_168 = arith.constant 3 : i32
      %mul3A_169 = vector.broadcast %mul3A_168 : i32 to vector<16xi32>
      %mul3A_170 = arith.muli %add3A_167, %mul3A_169 : vector<16xi32>
      %add3A_171 = arith.constant 1 : i32
      %add3A_172 = vector.broadcast %add3A_171 : i32 to vector<16xi32>
      %add3A_173 = arith.addi %mul3A_170, %add3A_172 : vector<16xi32>
      tpu.vector_store_idx %arg8[%add3A_173], %add3A_165 : memref<9600xf32, #tpu.memory_space<vmem>>[vector<16xi32>], vector<16xf32>,
    }
    %scan3A_59 = arith.constant 200 : i32
    %scan3A_60 = arith.constant 0 : i32
    %scan3A_61 = arith.constant 200 : i32
    %scan3A_62 = arith.addi %scan3A_60, %scan3A_61 : i32
    %scan3A_63 = arith.constant 1 : i32
    scf.for %scan3A_155 = %scan3A_60 to %scan3A_62 step %scan3A_63  : i32 {
      %mul3A_156 = arith.constant 16 : i32
      %mul3A_157 = arith.muli %scan3A_155, %mul3A_156 : i32
      %get3A = arith.constant 3 : i32
      %get3A_158 = arith.index_cast %get3A : i32 to index
      %get3A_159 = arith.index_cast %mul3A_157 : i32 to index
      %get3A_160 = tpu.vector_load %arg6[%get3A_158, %get3A_159] {strides = array<i32>} : memref<4x3200xf32, #tpu.memory_space<vmem>>, vector<16xf32>,
      %get3A_161 = arith.constant 3 : i32
      %get3A_162 = arith.index_cast %get3A_161 : i32 to index
      %get3A_163 = arith.index_cast %mul3A_157 : i32 to index
      %get3A_164 = tpu.vector_load %arg7[%get3A_162, %get3A_163] {strides = array<i32>} : memref<4x3200xf32, #tpu.memory_space<vmem>>, vector<16xf32>,
      %add3A_165 = arith.addf %get3A_160, %get3A_164 : vector<16xf32>
      %add3A_166 = vector.broadcast %mul3A_157 : i32 to vector<16xi32>
      %add3A_167 = arith.addi %add3A_166, %iota3A : vector<16xi32>
      %mul3A_168 = arith.constant 3 : i32
      %mul3A_169 = vector.broadcast %mul3A_168 : i32 to vector<16xi32>
      %mul3A_170 = arith.muli %add3A_167, %mul3A_169 : vector<16xi32>
      %add3A_171 = arith.constant 2 : i32
      %add3A_172 = vector.broadcast %add3A_171 : i32 to vector<16xi32>
      %add3A_173 = arith.addi %mul3A_170, %add3A_172 : vector<16xi32>
      tpu.vector_store_idx %arg8[%add3A_173], %add3A_165 : memref<9600xf32, #tpu.memory_space<vmem>>[vector<16xi32>], vector<16xf32>,
    }
    %scan3A_64 = arith.constant 200 : i32
    %add3A_65 = arith.constant 0 : i32
    %add3A_66 = arith.addi %sub3A, %add3A_65 : i32
    %run_scoped3A_67 = arith.constant 0 : i32
    "tpu.region"() ({
      %run_scoped3A_155 = tpu.sem_alloc : memref<!tpu.dma_semaphore, #tpu.memory_space<semaphore_mem>>
      %dma_start3A = arith.constant 0 : i32
      %dma_start3A_156 = tpu.memref_slice %arg9[%run_scoped3A_67, %dma_start3A] : memref<25x128xf32, #tpu.memory_space<vmem>> -> memref<1x128xf32, #tpu.memory_space<vmem>>
      %dma_start3A_157 = tpu.memref_squeeze %dma_start3A_156 : memref<1x128xf32, #tpu.memory_space<vmem>> -> memref<128xf32, #tpu.memory_space<vmem>>
      %dma_start3A_158 = arith.constant 0 : i32
      %dma_start3A_159 = tpu.memref_slice %arg10[%add3A_66, %dma_start3A_158] : memref<32x128xi32, #tpu.memory_space<vmem>> -> memref<1x128xi32, #tpu.memory_space<vmem>>
      %dma_start3A_160 = tpu.memref_squeeze %dma_start3A_159 : memref<1x128xi32, #tpu.memory_space<vmem>> -> memref<128xi32, #tpu.memory_space<vmem>>
      %dma_start3A_161 = arith.constant 0 : i32
      %dma_start3A_162 = tpu.memref_slice %arg12[%dma_start3A_161] : memref<64xf32, #tpu.memory_space<vmem_shared>> -> memref<64xf32, #tpu.memory_space<vmem_shared>>
      tpu.enqueue_indirect_dma source(%dma_start3A_157 : memref<128xf32, #tpu.memory_space<vmem>>) target(%dma_start3A_162 : memref<64xf32, #tpu.memory_space<vmem_shared>>) offsets(%dma_start3A_160 : memref<128xi32, #tpu.memory_space<vmem>>) semaphore(%run_scoped3A_155 : memref<!tpu.dma_semaphore, #tpu.memory_space<semaphore_mem>>) {add = true}
      %dma_wait3A = arith.constant 0 : i32
      %dma_wait3A_163 = tpu.memref_slice %arg9[%run_scoped3A_67, %dma_wait3A] : memref<25x128xf32, #tpu.memory_space<vmem>> -> memref<1x128xf32, #tpu.memory_space<vmem>>
      %dma_wait3A_164 = tpu.memref_squeeze %dma_wait3A_163 : memref<1x128xf32, #tpu.memory_space<vmem>> -> memref<128xf32, #tpu.memory_space<vmem>>
      %dma_wait3A_165 = arith.constant 0 : i32
      %dma_wait3A_166 = tpu.memref_slice %arg10[%add3A_66, %dma_wait3A_165] : memref<32x128xi32, #tpu.memory_space<vmem>> -> memref<1x128xi32, #tpu.memory_space<vmem>>
      %dma_wait3A_167 = tpu.memref_squeeze %dma_wait3A_166 : memref<1x128xi32, #tpu.memory_space<vmem>> -> memref<128xi32, #tpu.memory_space<vmem>>
      %dma_wait3A_168 = arith.constant 0 : i32
      %dma_wait3A_169 = tpu.memref_slice %arg12[%dma_wait3A_168] : memref<64xf32, #tpu.memory_space<vmem_shared>> -> memref<64xf32, #tpu.memory_space<vmem_shared>>
      tpu.wait_indirect_dma semaphore(%run_scoped3A_155 : memref<!tpu.dma_semaphore, #tpu.memory_space<semaphore_mem>>) src(%dma_wait3A_164 : memref<128xf32, #tpu.memory_space<vmem>>) dst(%dma_wait3A_169 : memref<64xf32, #tpu.memory_space<vmem_shared>>)
      tpu.yield
    }) : () -> ()
    %add3A_68 = arith.constant 1 : i32
    %add3A_69 = arith.addi %sub3A, %add3A_68 : i32
    %run_scoped3A_70 = arith.constant 1 : i32
    "tpu.region"() ({
      %run_scoped3A_155 = tpu.sem_alloc : memref<!tpu.dma_semaphore, #tpu.memory_space<semaphore_mem>>
      %dma_start3A = arith.constant 0 : i32
      %dma_start3A_156 = tpu.memref_slice %arg9[%run_scoped3A_70, %dma_start3A] : memref<25x128xf32, #tpu.memory_space<vmem>> -> memref<1x128xf32, #tpu.memory_space<vmem>>
      %dma_start3A_157 = tpu.memref_squeeze %dma_start3A_156 : memref<1x128xf32, #tpu.memory_space<vmem>> -> memref<128xf32, #tpu.memory_space<vmem>>
      %dma_start3A_158 = arith.constant 0 : i32
      %dma_start3A_159 = tpu.memref_slice %arg10[%add3A_69, %dma_start3A_158] : memref<32x128xi32, #tpu.memory_space<vmem>> -> memref<1x128xi32, #tpu.memory_space<vmem>>
      %dma_start3A_160 = tpu.memref_squeeze %dma_start3A_159 : memref<1x128xi32, #tpu.memory_space<vmem>> -> memref<128xi32, #tpu.memory_space<vmem>>
      %dma_start3A_161 = arith.constant 0 : i32
      %dma_start3A_162 = tpu.memref_slice %arg12[%dma_start3A_161] : memref<64xf32, #tpu.memory_space<vmem_shared>> -> memref<64xf32, #tpu.memory_space<vmem_shared>>
      tpu.enqueue_indirect_dma source(%dma_start3A_157 : memref<128xf32, #tpu.memory_space<vmem>>) target(%dma_start3A_162 : memref<64xf32, #tpu.memory_space<vmem_shared>>) offsets(%dma_start3A_160 : memref<128xi32, #tpu.memory_space<vmem>>) semaphore(%run_scoped3A_155 : memref<!tpu.dma_semaphore, #tpu.memory_space<semaphore_mem>>) {add = true}
      %dma_wait3A = arith.constant 0 : i32
      %dma_wait3A_163 = tpu.memref_slice %arg9[%run_scoped3A_70, %dma_wait3A] : memref<25x128xf32, #tpu.memory_space<vmem>> -> memref<1x128xf32, #tpu.memory_space<vmem>>
      %dma_wait3A_164 = tpu.memref_squeeze %dma_wait3A_163 : memref<1x128xf32, #tpu.memory_space<vmem>> -> memref<128xf32, #tpu.memory_space<vmem>>
      %dma_wait3A_165 = arith.constant 0 : i32
      %dma_wait3A_166 = tpu.memref_slice %arg10[%add3A_69, %dma_wait3A_165] : memref<32x128xi32, #tpu.memory_space<vmem>> -> memref<1x128xi32, #tpu.memory_space<vmem>>
      %dma_wait3A_167 = tpu.memref_squeeze %dma_wait3A_166 : memref<1x128xi32, #tpu.memory_space<vmem>> -> memref<128xi32, #tpu.memory_space<vmem>>
      %dma_wait3A_168 = arith.constant 0 : i32
      %dma_wait3A_169 = tpu.memref_slice %arg12[%dma_wait3A_168] : memref<64xf32, #tpu.memory_space<vmem_shared>> -> memref<64xf32, #tpu.memory_space<vmem_shared>>
      tpu.wait_indirect_dma semaphore(%run_scoped3A_155 : memref<!tpu.dma_semaphore, #tpu.memory_space<semaphore_mem>>) src(%dma_wait3A_164 : memref<128xf32, #tpu.memory_space<vmem>>) dst(%dma_wait3A_169 : memref<64xf32, #tpu.memory_space<vmem_shared>>)
      tpu.yield
    }) : () -> ()
    %add3A_71 = arith.constant 2 : i32
    %add3A_72 = arith.addi %sub3A, %add3A_71 : i32
    %run_scoped3A_73 = arith.constant 2 : i32
    "tpu.region"() ({
      %run_scoped3A_155 = tpu.sem_alloc : memref<!tpu.dma_semaphore, #tpu.memory_space<semaphore_mem>>
      %dma_start3A = arith.constant 0 : i32
      %dma_start3A_156 = tpu.memref_slice %arg9[%run_scoped3A_73, %dma_start3A] : memref<25x128xf32, #tpu.memory_space<vmem>> -> memref<1x128xf32, #tpu.memory_space<vmem>>
      %dma_start3A_157 = tpu.memref_squeeze %dma_start3A_156 : memref<1x128xf32, #tpu.memory_space<vmem>> -> memref<128xf32, #tpu.memory_space<vmem>>
      %dma_start3A_158 = arith.constant 0 : i32
      %dma_start3A_159 = tpu.memref_slice %arg10[%add3A_72, %dma_start3A_158] : memref<32x128xi32, #tpu.memory_space<vmem>> -> memref<1x128xi32, #tpu.memory_space<vmem>>
      %dma_start3A_160 = tpu.memref_squeeze %dma_start3A_159 : memref<1x128xi32, #tpu.memory_space<vmem>> -> memref<128xi32, #tpu.memory_space<vmem>>
      %dma_start3A_161 = arith.constant 0 : i32
      %dma_start3A_162 = tpu.memref_slice %arg12[%dma_start3A_161] : memref<64xf32, #tpu.memory_space<vmem_shared>> -> memref<64xf32, #tpu.memory_space<vmem_shared>>
      tpu.enqueue_indirect_dma source(%dma_start3A_157 : memref<128xf32, #tpu.memory_space<vmem>>) target(%dma_start3A_162 : memref<64xf32, #tpu.memory_space<vmem_shared>>) offsets(%dma_start3A_160 : memref<128xi32, #tpu.memory_space<vmem>>) semaphore(%run_scoped3A_155 : memref<!tpu.dma_semaphore, #tpu.memory_space<semaphore_mem>>) {add = true}
      %dma_wait3A = arith.constant 0 : i32
      %dma_wait3A_163 = tpu.memref_slice %arg9[%run_scoped3A_73, %dma_wait3A] : memref<25x128xf32, #tpu.memory_space<vmem>> -> memref<1x128xf32, #tpu.memory_space<vmem>>
      %dma_wait3A_164 = tpu.memref_squeeze %dma_wait3A_163 : memref<1x128xf32, #tpu.memory_space<vmem>> -> memref<128xf32, #tpu.memory_space<vmem>>
      %dma_wait3A_165 = arith.constant 0 : i32
      %dma_wait3A_166 = tpu.memref_slice %arg10[%add3A_72, %dma_wait3A_165] : memref<32x128xi32, #tpu.memory_space<vmem>> -> memref<1x128xi32, #tpu.memory_space<vmem>>
      %dma_wait3A_167 = tpu.memref_squeeze %dma_wait3A_166 : memref<1x128xi32, #tpu.memory_space<vmem>> -> memref<128xi32, #tpu.memory_space<vmem>>
      %dma_wait3A_168 = arith.constant 0 : i32
      %dma_wait3A_169 = tpu.memref_slice %arg12[%dma_wait3A_168] : memref<64xf32, #tpu.memory_space<vmem_shared>> -> memref<64xf32, #tpu.memory_space<vmem_shared>>
      tpu.wait_indirect_dma semaphore(%run_scoped3A_155 : memref<!tpu.dma_semaphore, #tpu.memory_space<semaphore_mem>>) src(%dma_wait3A_164 : memref<128xf32, #tpu.memory_space<vmem>>) dst(%dma_wait3A_169 : memref<64xf32, #tpu.memory_space<vmem_shared>>)
      tpu.yield
    }) : () -> ()
    %add3A_74 = arith.constant 3 : i32
    %add3A_75 = arith.addi %sub3A, %add3A_74 : i32
    %run_scoped3A_76 = arith.constant 3 : i32
    "tpu.region"() ({
      %run_scoped3A_155 = tpu.sem_alloc : memref<!tpu.dma_semaphore, #tpu.memory_space<semaphore_mem>>
      %dma_start3A = arith.constant 0 : i32
      %dma_start3A_156 = tpu.memref_slice %arg9[%run_scoped3A_76, %dma_start3A] : memref<25x128xf32, #tpu.memory_space<vmem>> -> memref<1x128xf32, #tpu.memory_space<vmem>>
      %dma_start3A_157 = tpu.memref_squeeze %dma_start3A_156 : memref<1x128xf32, #tpu.memory_space<vmem>> -> memref<128xf32, #tpu.memory_space<vmem>>
      %dma_start3A_158 = arith.constant 0 : i32
      %dma_start3A_159 = tpu.memref_slice %arg10[%add3A_75, %dma_start3A_158] : memref<32x128xi32, #tpu.memory_space<vmem>> -> memref<1x128xi32, #tpu.memory_space<vmem>>
      %dma_start3A_160 = tpu.memref_squeeze %dma_start3A_159 : memref<1x128xi32, #tpu.memory_space<vmem>> -> memref<128xi32, #tpu.memory_space<vmem>>
      %dma_start3A_161 = arith.constant 0 : i32
      %dma_start3A_162 = tpu.memref_slice %arg12[%dma_start3A_161] : memref<64xf32, #tpu.memory_space<vmem_shared>> -> memref<64xf32, #tpu.memory_space<vmem_shared>>
      tpu.enqueue_indirect_dma source(%dma_start3A_157 : memref<128xf32, #tpu.memory_space<vmem>>) target(%dma_start3A_162 : memref<64xf32, #tpu.memory_space<vmem_shared>>) offsets(%dma_start3A_160 : memref<128xi32, #tpu.memory_space<vmem>>) semaphore(%run_scoped3A_155 : memref<!tpu.dma_semaphore, #tpu.memory_space<semaphore_mem>>) {add = true}
      %dma_wait3A = arith.constant 0 : i32
      %dma_wait3A_163 = tpu.memref_slice %arg9[%run_scoped3A_76, %dma_wait3A] : memref<25x128xf32, #tpu.memory_space<vmem>> -> memref<1x128xf32, #tpu.memory_space<vmem>>
      %dma_wait3A_164 = tpu.memref_squeeze %dma_wait3A_163 : memref<1x128xf32, #tpu.memory_space<vmem>> -> memref<128xf32, #tpu.memory_space<vmem>>
      %dma_wait3A_165 = arith.constant 0 : i32
      %dma_wait3A_166 = tpu.memref_slice %arg10[%add3A_75, %dma_wait3A_165] : memref<32x128xi32, #tpu.memory_space<vmem>> -> memref<1x128xi32, #tpu.memory_space<vmem>>
      %dma_wait3A_167 = tpu.memref_squeeze %dma_wait3A_166 : memref<1x128xi32, #tpu.memory_space<vmem>> -> memref<128xi32, #tpu.memory_space<vmem>>
      %dma_wait3A_168 = arith.constant 0 : i32
      %dma_wait3A_169 = tpu.memref_slice %arg12[%dma_wait3A_168] : memref<64xf32, #tpu.memory_space<vmem_shared>> -> memref<64xf32, #tpu.memory_space<vmem_shared>>
      tpu.wait_indirect_dma semaphore(%run_scoped3A_155 : memref<!tpu.dma_semaphore, #tpu.memory_space<semaphore_mem>>) src(%dma_wait3A_164 : memref<128xf32, #tpu.memory_space<vmem>>) dst(%dma_wait3A_169 : memref<64xf32, #tpu.memory_space<vmem_shared>>)
      tpu.yield
    }) : () -> ()
    %add3A_77 = arith.constant 4 : i32
    %add3A_78 = arith.addi %sub3A, %add3A_77 : i32
    %run_scoped3A_79 = arith.constant 4 : i32
    "tpu.region"() ({
      %run_scoped3A_155 = tpu.sem_alloc : memref<!tpu.dma_semaphore, #tpu.memory_space<semaphore_mem>>
      %dma_start3A = arith.constant 0 : i32
      %dma_start3A_156 = tpu.memref_slice %arg9[%run_scoped3A_79, %dma_start3A] : memref<25x128xf32, #tpu.memory_space<vmem>> -> memref<1x128xf32, #tpu.memory_space<vmem>>
      %dma_start3A_157 = tpu.memref_squeeze %dma_start3A_156 : memref<1x128xf32, #tpu.memory_space<vmem>> -> memref<128xf32, #tpu.memory_space<vmem>>
      %dma_start3A_158 = arith.constant 0 : i32
      %dma_start3A_159 = tpu.memref_slice %arg10[%add3A_78, %dma_start3A_158] : memref<32x128xi32, #tpu.memory_space<vmem>> -> memref<1x128xi32, #tpu.memory_space<vmem>>
      %dma_start3A_160 = tpu.memref_squeeze %dma_start3A_159 : memref<1x128xi32, #tpu.memory_space<vmem>> -> memref<128xi32, #tpu.memory_space<vmem>>
      %dma_start3A_161 = arith.constant 0 : i32
      %dma_start3A_162 = tpu.memref_slice %arg12[%dma_start3A_161] : memref<64xf32, #tpu.memory_space<vmem_shared>> -> memref<64xf32, #tpu.memory_space<vmem_shared>>
      tpu.enqueue_indirect_dma source(%dma_start3A_157 : memref<128xf32, #tpu.memory_space<vmem>>) target(%dma_start3A_162 : memref<64xf32, #tpu.memory_space<vmem_shared>>) offsets(%dma_start3A_160 : memref<128xi32, #tpu.memory_space<vmem>>) semaphore(%run_scoped3A_155 : memref<!tpu.dma_semaphore, #tpu.memory_space<semaphore_mem>>) {add = true}
      %dma_wait3A = arith.constant 0 : i32
      %dma_wait3A_163 = tpu.memref_slice %arg9[%run_scoped3A_79, %dma_wait3A] : memref<25x128xf32, #tpu.memory_space<vmem>> -> memref<1x128xf32, #tpu.memory_space<vmem>>
      %dma_wait3A_164 = tpu.memref_squeeze %dma_wait3A_163 : memref<1x128xf32, #tpu.memory_space<vmem>> -> memref<128xf32, #tpu.memory_space<vmem>>
      %dma_wait3A_165 = arith.constant 0 : i32
      %dma_wait3A_166 = tpu.memref_slice %arg10[%add3A_78, %dma_wait3A_165] : memref<32x128xi32, #tpu.memory_space<vmem>> -> memref<1x128xi32, #tpu.memory_space<vmem>>
      %dma_wait3A_167 = tpu.memref_squeeze %dma_wait3A_166 : memref<1x128xi32, #tpu.memory_space<vmem>> -> memref<128xi32, #tpu.memory_space<vmem>>
      %dma_wait3A_168 = arith.constant 0 : i32
      %dma_wait3A_169 = tpu.memref_slice %arg12[%dma_wait3A_168] : memref<64xf32, #tpu.memory_space<vmem_shared>> -> memref<64xf32, #tpu.memory_space<vmem_shared>>
      tpu.wait_indirect_dma semaphore(%run_scoped3A_155 : memref<!tpu.dma_semaphore, #tpu.memory_space<semaphore_mem>>) src(%dma_wait3A_164 : memref<128xf32, #tpu.memory_space<vmem>>) dst(%dma_wait3A_169 : memref<64xf32, #tpu.memory_space<vmem_shared>>)
      tpu.yield
    }) : () -> ()
    %add3A_80 = arith.constant 5 : i32
    %add3A_81 = arith.addi %sub3A, %add3A_80 : i32
    %run_scoped3A_82 = arith.constant 5 : i32
    "tpu.region"() ({
      %run_scoped3A_155 = tpu.sem_alloc : memref<!tpu.dma_semaphore, #tpu.memory_space<semaphore_mem>>
      %dma_start3A = arith.constant 0 : i32
      %dma_start3A_156 = tpu.memref_slice %arg9[%run_scoped3A_82, %dma_start3A] : memref<25x128xf32, #tpu.memory_space<vmem>> -> memref<1x128xf32, #tpu.memory_space<vmem>>
      %dma_start3A_157 = tpu.memref_squeeze %dma_start3A_156 : memref<1x128xf32, #tpu.memory_space<vmem>> -> memref<128xf32, #tpu.memory_space<vmem>>
      %dma_start3A_158 = arith.constant 0 : i32
      %dma_start3A_159 = tpu.memref_slice %arg10[%add3A_81, %dma_start3A_158] : memref<32x128xi32, #tpu.memory_space<vmem>> -> memref<1x128xi32, #tpu.memory_space<vmem>>
      %dma_start3A_160 = tpu.memref_squeeze %dma_start3A_159 : memref<1x128xi32, #tpu.memory_space<vmem>> -> memref<128xi32, #tpu.memory_space<vmem>>
      %dma_start3A_161 = arith.constant 0 : i32
      %dma_start3A_162 = tpu.memref_slice %arg12[%dma_start3A_161] : memref<64xf32, #tpu.memory_space<vmem_shared>> -> memref<64xf32, #tpu.memory_space<vmem_shared>>
      tpu.enqueue_indirect_dma source(%dma_start3A_157 : memref<128xf32, #tpu.memory_space<vmem>>) target(%dma_start3A_162 : memref<64xf32, #tpu.memory_space<vmem_shared>>) offsets(%dma_start3A_160 : memref<128xi32, #tpu.memory_space<vmem>>) semaphore(%run_scoped3A_155 : memref<!tpu.dma_semaphore, #tpu.memory_space<semaphore_mem>>) {add = true}
      %dma_wait3A = arith.constant 0 : i32
      %dma_wait3A_163 = tpu.memref_slice %arg9[%run_scoped3A_82, %dma_wait3A] : memref<25x128xf32, #tpu.memory_space<vmem>> -> memref<1x128xf32, #tpu.memory_space<vmem>>
      %dma_wait3A_164 = tpu.memref_squeeze %dma_wait3A_163 : memref<1x128xf32, #tpu.memory_space<vmem>> -> memref<128xf32, #tpu.memory_space<vmem>>
      %dma_wait3A_165 = arith.constant 0 : i32
      %dma_wait3A_166 = tpu.memref_slice %arg10[%add3A_81, %dma_wait3A_165] : memref<32x128xi32, #tpu.memory_space<vmem>> -> memref<1x128xi32, #tpu.memory_space<vmem>>
      %dma_wait3A_167 = tpu.memref_squeeze %dma_wait3A_166 : memref<1x128xi32, #tpu.memory_space<vmem>> -> memref<128xi32, #tpu.memory_space<vmem>>
      %dma_wait3A_168 = arith.constant 0 : i32
      %dma_wait3A_169 = tpu.memref_slice %arg12[%dma_wait3A_168] : memref<64xf32, #tpu.memory_space<vmem_shared>> -> memref<64xf32, #tpu.memory_space<vmem_shared>>
      tpu.wait_indirect_dma semaphore(%run_scoped3A_155 : memref<!tpu.dma_semaphore, #tpu.memory_space<semaphore_mem>>) src(%dma_wait3A_164 : memref<128xf32, #tpu.memory_space<vmem>>) dst(%dma_wait3A_169 : memref<64xf32, #tpu.memory_space<vmem_shared>>)
      tpu.yield
    }) : () -> ()
    %add3A_83 = arith.constant 6 : i32
    %add3A_84 = arith.addi %sub3A, %add3A_83 : i32
    %run_scoped3A_85 = arith.constant 6 : i32
    "tpu.region"() ({
      %run_scoped3A_155 = tpu.sem_alloc : memref<!tpu.dma_semaphore, #tpu.memory_space<semaphore_mem>>
      %dma_start3A = arith.constant 0 : i32
      %dma_start3A_156 = tpu.memref_slice %arg9[%run_scoped3A_85, %dma_start3A] : memref<25x128xf32, #tpu.memory_space<vmem>> -> memref<1x128xf32, #tpu.memory_space<vmem>>
      %dma_start3A_157 = tpu.memref_squeeze %dma_start3A_156 : memref<1x128xf32, #tpu.memory_space<vmem>> -> memref<128xf32, #tpu.memory_space<vmem>>
      %dma_start3A_158 = arith.constant 0 : i32
      %dma_start3A_159 = tpu.memref_slice %arg10[%add3A_84, %dma_start3A_158] : memref<32x128xi32, #tpu.memory_space<vmem>> -> memref<1x128xi32, #tpu.memory_space<vmem>>
      %dma_start3A_160 = tpu.memref_squeeze %dma_start3A_159 : memref<1x128xi32, #tpu.memory_space<vmem>> -> memref<128xi32, #tpu.memory_space<vmem>>
      %dma_start3A_161 = arith.constant 0 : i32
      %dma_start3A_162 = tpu.memref_slice %arg12[%dma_start3A_161] : memref<64xf32, #tpu.memory_space<vmem_shared>> -> memref<64xf32, #tpu.memory_space<vmem_shared>>
      tpu.enqueue_indirect_dma source(%dma_start3A_157 : memref<128xf32, #tpu.memory_space<vmem>>) target(%dma_start3A_162 : memref<64xf32, #tpu.memory_space<vmem_shared>>) offsets(%dma_start3A_160 : memref<128xi32, #tpu.memory_space<vmem>>) semaphore(%run_scoped3A_155 : memref<!tpu.dma_semaphore, #tpu.memory_space<semaphore_mem>>) {add = true}
      %dma_wait3A = arith.constant 0 : i32
      %dma_wait3A_163 = tpu.memref_slice %arg9[%run_scoped3A_85, %dma_wait3A] : memref<25x128xf32, #tpu.memory_space<vmem>> -> memref<1x128xf32, #tpu.memory_space<vmem>>
      %dma_wait3A_164 = tpu.memref_squeeze %dma_wait3A_163 : memref<1x128xf32, #tpu.memory_space<vmem>> -> memref<128xf32, #tpu.memory_space<vmem>>
      %dma_wait3A_165 = arith.constant 0 : i32
      %dma_wait3A_166 = tpu.memref_slice %arg10[%add3A_84, %dma_wait3A_165] : memref<32x128xi32, #tpu.memory_space<vmem>> -> memref<1x128xi32, #tpu.memory_space<vmem>>
      %dma_wait3A_167 = tpu.memref_squeeze %dma_wait3A_166 : memref<1x128xi32, #tpu.memory_space<vmem>> -> memref<128xi32, #tpu.memory_space<vmem>>
      %dma_wait3A_168 = arith.constant 0 : i32
      %dma_wait3A_169 = tpu.memref_slice %arg12[%dma_wait3A_168] : memref<64xf32, #tpu.memory_space<vmem_shared>> -> memref<64xf32, #tpu.memory_space<vmem_shared>>
      tpu.wait_indirect_dma semaphore(%run_scoped3A_155 : memref<!tpu.dma_semaphore, #tpu.memory_space<semaphore_mem>>) src(%dma_wait3A_164 : memref<128xf32, #tpu.memory_space<vmem>>) dst(%dma_wait3A_169 : memref<64xf32, #tpu.memory_space<vmem_shared>>)
      tpu.yield
    }) : () -> ()
    %add3A_86 = arith.constant 7 : i32
    %add3A_87 = arith.addi %sub3A, %add3A_86 : i32
    %run_scoped3A_88 = arith.constant 7 : i32
    "tpu.region"() ({
      %run_scoped3A_155 = tpu.sem_alloc : memref<!tpu.dma_semaphore, #tpu.memory_space<semaphore_mem>>
      %dma_start3A = arith.constant 0 : i32
      %dma_start3A_156 = tpu.memref_slice %arg9[%run_scoped3A_88, %dma_start3A] : memref<25x128xf32, #tpu.memory_space<vmem>> -> memref<1x128xf32, #tpu.memory_space<vmem>>
      %dma_start3A_157 = tpu.memref_squeeze %dma_start3A_156 : memref<1x128xf32, #tpu.memory_space<vmem>> -> memref<128xf32, #tpu.memory_space<vmem>>
      %dma_start3A_158 = arith.constant 0 : i32
      %dma_start3A_159 = tpu.memref_slice %arg10[%add3A_87, %dma_start3A_158] : memref<32x128xi32, #tpu.memory_space<vmem>> -> memref<1x128xi32, #tpu.memory_space<vmem>>
      %dma_start3A_160 = tpu.memref_squeeze %dma_start3A_159 : memref<1x128xi32, #tpu.memory_space<vmem>> -> memref<128xi32, #tpu.memory_space<vmem>>
      %dma_start3A_161 = arith.constant 0 : i32
      %dma_start3A_162 = tpu.memref_slice %arg12[%dma_start3A_161] : memref<64xf32, #tpu.memory_space<vmem_shared>> -> memref<64xf32, #tpu.memory_space<vmem_shared>>
      tpu.enqueue_indirect_dma source(%dma_start3A_157 : memref<128xf32, #tpu.memory_space<vmem>>) target(%dma_start3A_162 : memref<64xf32, #tpu.memory_space<vmem_shared>>) offsets(%dma_start3A_160 : memref<128xi32, #tpu.memory_space<vmem>>) semaphore(%run_scoped3A_155 : memref<!tpu.dma_semaphore, #tpu.memory_space<semaphore_mem>>) {add = true}
      %dma_wait3A = arith.constant 0 : i32
      %dma_wait3A_163 = tpu.memref_slice %arg9[%run_scoped3A_88, %dma_wait3A] : memref<25x128xf32, #tpu.memory_space<vmem>> -> memref<1x128xf32, #tpu.memory_space<vmem>>
      %dma_wait3A_164 = tpu.memref_squeeze %dma_wait3A_163 : memref<1x128xf32, #tpu.memory_space<vmem>> -> memref<128xf32, #tpu.memory_space<vmem>>
      %dma_wait3A_165 = arith.constant 0 : i32
      %dma_wait3A_166 = tpu.memref_slice %arg10[%add3A_87, %dma_wait3A_165] : memref<32x128xi32, #tpu.memory_space<vmem>> -> memref<1x128xi32, #tpu.memory_space<vmem>>
      %dma_wait3A_167 = tpu.memref_squeeze %dma_wait3A_166 : memref<1x128xi32, #tpu.memory_space<vmem>> -> memref<128xi32, #tpu.memory_space<vmem>>
      %dma_wait3A_168 = arith.constant 0 : i32
      %dma_wait3A_169 = tpu.memref_slice %arg12[%dma_wait3A_168] : memref<64xf32, #tpu.memory_space<vmem_shared>> -> memref<64xf32, #tpu.memory_space<vmem_shared>>
      tpu.wait_indirect_dma semaphore(%run_scoped3A_155 : memref<!tpu.dma_semaphore, #tpu.memory_space<semaphore_mem>>) src(%dma_wait3A_164 : memref<128xf32, #tpu.memory_space<vmem>>) dst(%dma_wait3A_169 : memref<64xf32, #tpu.memory_space<vmem_shared>>)
      tpu.yield
    }) : () -> ()
    %add3A_89 = arith.constant 8 : i32
    %add3A_90 = arith.addi %sub3A, %add3A_89 : i32
    %run_scoped3A_91 = arith.constant 8 : i32
    "tpu.region"() ({
      %run_scoped3A_155 = tpu.sem_alloc : memref<!tpu.dma_semaphore, #tpu.memory_space<semaphore_mem>>
      %dma_start3A = arith.constant 0 : i32
      %dma_start3A_156 = tpu.memref_slice %arg9[%run_scoped3A_91, %dma_start3A] : memref<25x128xf32, #tpu.memory_space<vmem>> -> memref<1x128xf32, #tpu.memory_space<vmem>>
      %dma_start3A_157 = tpu.memref_squeeze %dma_start3A_156 : memref<1x128xf32, #tpu.memory_space<vmem>> -> memref<128xf32, #tpu.memory_space<vmem>>
      %dma_start3A_158 = arith.constant 0 : i32
      %dma_start3A_159 = tpu.memref_slice %arg10[%add3A_90, %dma_start3A_158] : memref<32x128xi32, #tpu.memory_space<vmem>> -> memref<1x128xi32, #tpu.memory_space<vmem>>
      %dma_start3A_160 = tpu.memref_squeeze %dma_start3A_159 : memref<1x128xi32, #tpu.memory_space<vmem>> -> memref<128xi32, #tpu.memory_space<vmem>>
      %dma_start3A_161 = arith.constant 0 : i32
      %dma_start3A_162 = tpu.memref_slice %arg12[%dma_start3A_161] : memref<64xf32, #tpu.memory_space<vmem_shared>> -> memref<64xf32, #tpu.memory_space<vmem_shared>>
      tpu.enqueue_indirect_dma source(%dma_start3A_157 : memref<128xf32, #tpu.memory_space<vmem>>) target(%dma_start3A_162 : memref<64xf32, #tpu.memory_space<vmem_shared>>) offsets(%dma_start3A_160 : memref<128xi32, #tpu.memory_space<vmem>>) semaphore(%run_scoped3A_155 : memref<!tpu.dma_semaphore, #tpu.memory_space<semaphore_mem>>) {add = true}
      %dma_wait3A = arith.constant 0 : i32
      %dma_wait3A_163 = tpu.memref_slice %arg9[%run_scoped3A_91, %dma_wait3A] : memref<25x128xf32, #tpu.memory_space<vmem>> -> memref<1x128xf32, #tpu.memory_space<vmem>>
      %dma_wait3A_164 = tpu.memref_squeeze %dma_wait3A_163 : memref<1x128xf32, #tpu.memory_space<vmem>> -> memref<128xf32, #tpu.memory_space<vmem>>
      %dma_wait3A_165 = arith.constant 0 : i32
      %dma_wait3A_166 = tpu.memref_slice %arg10[%add3A_90, %dma_wait3A_165] : memref<32x128xi32, #tpu.memory_space<vmem>> -> memref<1x128xi32, #tpu.memory_space<vmem>>
      %dma_wait3A_167 = tpu.memref_squeeze %dma_wait3A_166 : memref<1x128xi32, #tpu.memory_space<vmem>> -> memref<128xi32, #tpu.memory_space<vmem>>
      %dma_wait3A_168 = arith.constant 0 : i32
      %dma_wait3A_169 = tpu.memref_slice %arg12[%dma_wait3A_168] : memref<64xf32, #tpu.memory_space<vmem_shared>> -> memref<64xf32, #tpu.memory_space<vmem_shared>>
      tpu.wait_indirect_dma semaphore(%run_scoped3A_155 : memref<!tpu.dma_semaphore, #tpu.memory_space<semaphore_mem>>) src(%dma_wait3A_164 : memref<128xf32, #tpu.memory_space<vmem>>) dst(%dma_wait3A_169 : memref<64xf32, #tpu.memory_space<vmem_shared>>)
      tpu.yield
    }) : () -> ()
    %add3A_92 = arith.constant 9 : i32
    %add3A_93 = arith.addi %sub3A, %add3A_92 : i32
    %run_scoped3A_94 = arith.constant 9 : i32
    "tpu.region"() ({
      %run_scoped3A_155 = tpu.sem_alloc : memref<!tpu.dma_semaphore, #tpu.memory_space<semaphore_mem>>
      %dma_start3A = arith.constant 0 : i32
      %dma_start3A_156 = tpu.memref_slice %arg9[%run_scoped3A_94, %dma_start3A] : memref<25x128xf32, #tpu.memory_space<vmem>> -> memref<1x128xf32, #tpu.memory_space<vmem>>
      %dma_start3A_157 = tpu.memref_squeeze %dma_start3A_156 : memref<1x128xf32, #tpu.memory_space<vmem>> -> memref<128xf32, #tpu.memory_space<vmem>>
      %dma_start3A_158 = arith.constant 0 : i32
      %dma_start3A_159 = tpu.memref_slice %arg10[%add3A_93, %dma_start3A_158] : memref<32x128xi32, #tpu.memory_space<vmem>> -> memref<1x128xi32, #tpu.memory_space<vmem>>
      %dma_start3A_160 = tpu.memref_squeeze %dma_start3A_159 : memref<1x128xi32, #tpu.memory_space<vmem>> -> memref<128xi32, #tpu.memory_space<vmem>>
      %dma_start3A_161 = arith.constant 0 : i32
      %dma_start3A_162 = tpu.memref_slice %arg12[%dma_start3A_161] : memref<64xf32, #tpu.memory_space<vmem_shared>> -> memref<64xf32, #tpu.memory_space<vmem_shared>>
      tpu.enqueue_indirect_dma source(%dma_start3A_157 : memref<128xf32, #tpu.memory_space<vmem>>) target(%dma_start3A_162 : memref<64xf32, #tpu.memory_space<vmem_shared>>) offsets(%dma_start3A_160 : memref<128xi32, #tpu.memory_space<vmem>>) semaphore(%run_scoped3A_155 : memref<!tpu.dma_semaphore, #tpu.memory_space<semaphore_mem>>) {add = true}
      %dma_wait3A = arith.constant 0 : i32
      %dma_wait3A_163 = tpu.memref_slice %arg9[%run_scoped3A_94, %dma_wait3A] : memref<25x128xf32, #tpu.memory_space<vmem>> -> memref<1x128xf32, #tpu.memory_space<vmem>>
      %dma_wait3A_164 = tpu.memref_squeeze %dma_wait3A_163 : memref<1x128xf32, #tpu.memory_space<vmem>> -> memref<128xf32, #tpu.memory_space<vmem>>
      %dma_wait3A_165 = arith.constant 0 : i32
      %dma_wait3A_166 = tpu.memref_slice %arg10[%add3A_93, %dma_wait3A_165] : memref<32x128xi32, #tpu.memory_space<vmem>> -> memref<1x128xi32, #tpu.memory_space<vmem>>
      %dma_wait3A_167 = tpu.memref_squeeze %dma_wait3A_166 : memref<1x128xi32, #tpu.memory_space<vmem>> -> memref<128xi32, #tpu.memory_space<vmem>>
      %dma_wait3A_168 = arith.constant 0 : i32
      %dma_wait3A_169 = tpu.memref_slice %arg12[%dma_wait3A_168] : memref<64xf32, #tpu.memory_space<vmem_shared>> -> memref<64xf32, #tpu.memory_space<vmem_shared>>
      tpu.wait_indirect_dma semaphore(%run_scoped3A_155 : memref<!tpu.dma_semaphore, #tpu.memory_space<semaphore_mem>>) src(%dma_wait3A_164 : memref<128xf32, #tpu.memory_space<vmem>>) dst(%dma_wait3A_169 : memref<64xf32, #tpu.memory_space<vmem_shared>>)
      tpu.yield
    }) : () -> ()
    %add3A_95 = arith.constant 10 : i32
    %add3A_96 = arith.addi %sub3A, %add3A_95 : i32
    %run_scoped3A_97 = arith.constant 10 : i32
    "tpu.region"() ({
      %run_scoped3A_155 = tpu.sem_alloc : memref<!tpu.dma_semaphore, #tpu.memory_space<semaphore_mem>>
      %dma_start3A = arith.constant 0 : i32
      %dma_start3A_156 = tpu.memref_slice %arg9[%run_scoped3A_97, %dma_start3A] : memref<25x128xf32, #tpu.memory_space<vmem>> -> memref<1x128xf32, #tpu.memory_space<vmem>>
      %dma_start3A_157 = tpu.memref_squeeze %dma_start3A_156 : memref<1x128xf32, #tpu.memory_space<vmem>> -> memref<128xf32, #tpu.memory_space<vmem>>
      %dma_start3A_158 = arith.constant 0 : i32
      %dma_start3A_159 = tpu.memref_slice %arg10[%add3A_96, %dma_start3A_158] : memref<32x128xi32, #tpu.memory_space<vmem>> -> memref<1x128xi32, #tpu.memory_space<vmem>>
      %dma_start3A_160 = tpu.memref_squeeze %dma_start3A_159 : memref<1x128xi32, #tpu.memory_space<vmem>> -> memref<128xi32, #tpu.memory_space<vmem>>
      %dma_start3A_161 = arith.constant 0 : i32
      %dma_start3A_162 = tpu.memref_slice %arg12[%dma_start3A_161] : memref<64xf32, #tpu.memory_space<vmem_shared>> -> memref<64xf32, #tpu.memory_space<vmem_shared>>
      tpu.enqueue_indirect_dma source(%dma_start3A_157 : memref<128xf32, #tpu.memory_space<vmem>>) target(%dma_start3A_162 : memref<64xf32, #tpu.memory_space<vmem_shared>>) offsets(%dma_start3A_160 : memref<128xi32, #tpu.memory_space<vmem>>) semaphore(%run_scoped3A_155 : memref<!tpu.dma_semaphore, #tpu.memory_space<semaphore_mem>>) {add = true}
      %dma_wait3A = arith.constant 0 : i32
      %dma_wait3A_163 = tpu.memref_slice %arg9[%run_scoped3A_97, %dma_wait3A] : memref<25x128xf32, #tpu.memory_space<vmem>> -> memref<1x128xf32, #tpu.memory_space<vmem>>
      %dma_wait3A_164 = tpu.memref_squeeze %dma_wait3A_163 : memref<1x128xf32, #tpu.memory_space<vmem>> -> memref<128xf32, #tpu.memory_space<vmem>>
      %dma_wait3A_165 = arith.constant 0 : i32
      %dma_wait3A_166 = tpu.memref_slice %arg10[%add3A_96, %dma_wait3A_165] : memref<32x128xi32, #tpu.memory_space<vmem>> -> memref<1x128xi32, #tpu.memory_space<vmem>>
      %dma_wait3A_167 = tpu.memref_squeeze %dma_wait3A_166 : memref<1x128xi32, #tpu.memory_space<vmem>> -> memref<128xi32, #tpu.memory_space<vmem>>
      %dma_wait3A_168 = arith.constant 0 : i32
      %dma_wait3A_169 = tpu.memref_slice %arg12[%dma_wait3A_168] : memref<64xf32, #tpu.memory_space<vmem_shared>> -> memref<64xf32, #tpu.memory_space<vmem_shared>>
      tpu.wait_indirect_dma semaphore(%run_scoped3A_155 : memref<!tpu.dma_semaphore, #tpu.memory_space<semaphore_mem>>) src(%dma_wait3A_164 : memref<128xf32, #tpu.memory_space<vmem>>) dst(%dma_wait3A_169 : memref<64xf32, #tpu.memory_space<vmem_shared>>)
      tpu.yield
    }) : () -> ()
    %add3A_98 = arith.constant 11 : i32
    %add3A_99 = arith.addi %sub3A, %add3A_98 : i32
    %run_scoped3A_100 = arith.constant 11 : i32
    "tpu.region"() ({
      %run_scoped3A_155 = tpu.sem_alloc : memref<!tpu.dma_semaphore, #tpu.memory_space<semaphore_mem>>
      %dma_start3A = arith.constant 0 : i32
      %dma_start3A_156 = tpu.memref_slice %arg9[%run_scoped3A_100, %dma_start3A] : memref<25x128xf32, #tpu.memory_space<vmem>> -> memref<1x128xf32, #tpu.memory_space<vmem>>
      %dma_start3A_157 = tpu.memref_squeeze %dma_start3A_156 : memref<1x128xf32, #tpu.memory_space<vmem>> -> memref<128xf32, #tpu.memory_space<vmem>>
      %dma_start3A_158 = arith.constant 0 : i32
      %dma_start3A_159 = tpu.memref_slice %arg10[%add3A_99, %dma_start3A_158] : memref<32x128xi32, #tpu.memory_space<vmem>> -> memref<1x128xi32, #tpu.memory_space<vmem>>
      %dma_start3A_160 = tpu.memref_squeeze %dma_start3A_159 : memref<1x128xi32, #tpu.memory_space<vmem>> -> memref<128xi32, #tpu.memory_space<vmem>>
      %dma_start3A_161 = arith.constant 0 : i32
      %dma_start3A_162 = tpu.memref_slice %arg12[%dma_start3A_161] : memref<64xf32, #tpu.memory_space<vmem_shared>> -> memref<64xf32, #tpu.memory_space<vmem_shared>>
      tpu.enqueue_indirect_dma source(%dma_start3A_157 : memref<128xf32, #tpu.memory_space<vmem>>) target(%dma_start3A_162 : memref<64xf32, #tpu.memory_space<vmem_shared>>) offsets(%dma_start3A_160 : memref<128xi32, #tpu.memory_space<vmem>>) semaphore(%run_scoped3A_155 : memref<!tpu.dma_semaphore, #tpu.memory_space<semaphore_mem>>) {add = true}
      %dma_wait3A = arith.constant 0 : i32
      %dma_wait3A_163 = tpu.memref_slice %arg9[%run_scoped3A_100, %dma_wait3A] : memref<25x128xf32, #tpu.memory_space<vmem>> -> memref<1x128xf32, #tpu.memory_space<vmem>>
      %dma_wait3A_164 = tpu.memref_squeeze %dma_wait3A_163 : memref<1x128xf32, #tpu.memory_space<vmem>> -> memref<128xf32, #tpu.memory_space<vmem>>
      %dma_wait3A_165 = arith.constant 0 : i32
      %dma_wait3A_166 = tpu.memref_slice %arg10[%add3A_99, %dma_wait3A_165] : memref<32x128xi32, #tpu.memory_space<vmem>> -> memref<1x128xi32, #tpu.memory_space<vmem>>
      %dma_wait3A_167 = tpu.memref_squeeze %dma_wait3A_166 : memref<1x128xi32, #tpu.memory_space<vmem>> -> memref<128xi32, #tpu.memory_space<vmem>>
      %dma_wait3A_168 = arith.constant 0 : i32
      %dma_wait3A_169 = tpu.memref_slice %arg12[%dma_wait3A_168] : memref<64xf32, #tpu.memory_space<vmem_shared>> -> memref<64xf32, #tpu.memory_space<vmem_shared>>
      tpu.wait_indirect_dma semaphore(%run_scoped3A_155 : memref<!tpu.dma_semaphore, #tpu.memory_space<semaphore_mem>>) src(%dma_wait3A_164 : memref<128xf32, #tpu.memory_space<vmem>>) dst(%dma_wait3A_169 : memref<64xf32, #tpu.memory_space<vmem_shared>>)
      tpu.yield
    }) : () -> ()
    %add3A_101 = arith.constant 12 : i32
    %add3A_102 = arith.addi %sub3A, %add3A_101 : i32
    %run_scoped3A_103 = arith.constant 12 : i32
    "tpu.region"() ({
      %run_scoped3A_155 = tpu.sem_alloc : memref<!tpu.dma_semaphore, #tpu.memory_space<semaphore_mem>>
      %dma_start3A = arith.constant 0 : i32
      %dma_start3A_156 = tpu.memref_slice %arg9[%run_scoped3A_103, %dma_start3A] : memref<25x128xf32, #tpu.memory_space<vmem>> -> memref<1x128xf32, #tpu.memory_space<vmem>>
      %dma_start3A_157 = tpu.memref_squeeze %dma_start3A_156 : memref<1x128xf32, #tpu.memory_space<vmem>> -> memref<128xf32, #tpu.memory_space<vmem>>
      %dma_start3A_158 = arith.constant 0 : i32
      %dma_start3A_159 = tpu.memref_slice %arg10[%add3A_102, %dma_start3A_158] : memref<32x128xi32, #tpu.memory_space<vmem>> -> memref<1x128xi32, #tpu.memory_space<vmem>>
      %dma_start3A_160 = tpu.memref_squeeze %dma_start3A_159 : memref<1x128xi32, #tpu.memory_space<vmem>> -> memref<128xi32, #tpu.memory_space<vmem>>
      %dma_start3A_161 = arith.constant 0 : i32
      %dma_start3A_162 = tpu.memref_slice %arg12[%dma_start3A_161] : memref<64xf32, #tpu.memory_space<vmem_shared>> -> memref<64xf32, #tpu.memory_space<vmem_shared>>
      tpu.enqueue_indirect_dma source(%dma_start3A_157 : memref<128xf32, #tpu.memory_space<vmem>>) target(%dma_start3A_162 : memref<64xf32, #tpu.memory_space<vmem_shared>>) offsets(%dma_start3A_160 : memref<128xi32, #tpu.memory_space<vmem>>) semaphore(%run_scoped3A_155 : memref<!tpu.dma_semaphore, #tpu.memory_space<semaphore_mem>>) {add = true}
      %dma_wait3A = arith.constant 0 : i32
      %dma_wait3A_163 = tpu.memref_slice %arg9[%run_scoped3A_103, %dma_wait3A] : memref<25x128xf32, #tpu.memory_space<vmem>> -> memref<1x128xf32, #tpu.memory_space<vmem>>
      %dma_wait3A_164 = tpu.memref_squeeze %dma_wait3A_163 : memref<1x128xf32, #tpu.memory_space<vmem>> -> memref<128xf32, #tpu.memory_space<vmem>>
      %dma_wait3A_165 = arith.constant 0 : i32
      %dma_wait3A_166 = tpu.memref_slice %arg10[%add3A_102, %dma_wait3A_165] : memref<32x128xi32, #tpu.memory_space<vmem>> -> memref<1x128xi32, #tpu.memory_space<vmem>>
      %dma_wait3A_167 = tpu.memref_squeeze %dma_wait3A_166 : memref<1x128xi32, #tpu.memory_space<vmem>> -> memref<128xi32, #tpu.memory_space<vmem>>
      %dma_wait3A_168 = arith.constant 0 : i32
      %dma_wait3A_169 = tpu.memref_slice %arg12[%dma_wait3A_168] : memref<64xf32, #tpu.memory_space<vmem_shared>> -> memref<64xf32, #tpu.memory_space<vmem_shared>>
      tpu.wait_indirect_dma semaphore(%run_scoped3A_155 : memref<!tpu.dma_semaphore, #tpu.memory_space<semaphore_mem>>) src(%dma_wait3A_164 : memref<128xf32, #tpu.memory_space<vmem>>) dst(%dma_wait3A_169 : memref<64xf32, #tpu.memory_space<vmem_shared>>)
      tpu.yield
    }) : () -> ()
    %add3A_104 = arith.constant 13 : i32
    %add3A_105 = arith.addi %sub3A, %add3A_104 : i32
    %run_scoped3A_106 = arith.constant 13 : i32
    "tpu.region"() ({
      %run_scoped3A_155 = tpu.sem_alloc : memref<!tpu.dma_semaphore, #tpu.memory_space<semaphore_mem>>
      %dma_start3A = arith.constant 0 : i32
      %dma_start3A_156 = tpu.memref_slice %arg9[%run_scoped3A_106, %dma_start3A] : memref<25x128xf32, #tpu.memory_space<vmem>> -> memref<1x128xf32, #tpu.memory_space<vmem>>
      %dma_start3A_157 = tpu.memref_squeeze %dma_start3A_156 : memref<1x128xf32, #tpu.memory_space<vmem>> -> memref<128xf32, #tpu.memory_space<vmem>>
      %dma_start3A_158 = arith.constant 0 : i32
      %dma_start3A_159 = tpu.memref_slice %arg10[%add3A_105, %dma_start3A_158] : memref<32x128xi32, #tpu.memory_space<vmem>> -> memref<1x128xi32, #tpu.memory_space<vmem>>
      %dma_start3A_160 = tpu.memref_squeeze %dma_start3A_159 : memref<1x128xi32, #tpu.memory_space<vmem>> -> memref<128xi32, #tpu.memory_space<vmem>>
      %dma_start3A_161 = arith.constant 0 : i32
      %dma_start3A_162 = tpu.memref_slice %arg12[%dma_start3A_161] : memref<64xf32, #tpu.memory_space<vmem_shared>> -> memref<64xf32, #tpu.memory_space<vmem_shared>>
      tpu.enqueue_indirect_dma source(%dma_start3A_157 : memref<128xf32, #tpu.memory_space<vmem>>) target(%dma_start3A_162 : memref<64xf32, #tpu.memory_space<vmem_shared>>) offsets(%dma_start3A_160 : memref<128xi32, #tpu.memory_space<vmem>>) semaphore(%run_scoped3A_155 : memref<!tpu.dma_semaphore, #tpu.memory_space<semaphore_mem>>) {add = true}
      %dma_wait3A = arith.constant 0 : i32
      %dma_wait3A_163 = tpu.memref_slice %arg9[%run_scoped3A_106, %dma_wait3A] : memref<25x128xf32, #tpu.memory_space<vmem>> -> memref<1x128xf32, #tpu.memory_space<vmem>>
      %dma_wait3A_164 = tpu.memref_squeeze %dma_wait3A_163 : memref<1x128xf32, #tpu.memory_space<vmem>> -> memref<128xf32, #tpu.memory_space<vmem>>
      %dma_wait3A_165 = arith.constant 0 : i32
      %dma_wait3A_166 = tpu.memref_slice %arg10[%add3A_105, %dma_wait3A_165] : memref<32x128xi32, #tpu.memory_space<vmem>> -> memref<1x128xi32, #tpu.memory_space<vmem>>
      %dma_wait3A_167 = tpu.memref_squeeze %dma_wait3A_166 : memref<1x128xi32, #tpu.memory_space<vmem>> -> memref<128xi32, #tpu.memory_space<vmem>>
      %dma_wait3A_168 = arith.constant 0 : i32
      %dma_wait3A_169 = tpu.memref_slice %arg12[%dma_wait3A_168] : memref<64xf32, #tpu.memory_space<vmem_shared>> -> memref<64xf32, #tpu.memory_space<vmem_shared>>
      tpu.wait_indirect_dma semaphore(%run_scoped3A_155 : memref<!tpu.dma_semaphore, #tpu.memory_space<semaphore_mem>>) src(%dma_wait3A_164 : memref<128xf32, #tpu.memory_space<vmem>>) dst(%dma_wait3A_169 : memref<64xf32, #tpu.memory_space<vmem_shared>>)
      tpu.yield
    }) : () -> ()
    %add3A_107 = arith.constant 14 : i32
    %add3A_108 = arith.addi %sub3A, %add3A_107 : i32
    %run_scoped3A_109 = arith.constant 14 : i32
    "tpu.region"() ({
      %run_scoped3A_155 = tpu.sem_alloc : memref<!tpu.dma_semaphore, #tpu.memory_space<semaphore_mem>>
      %dma_start3A = arith.constant 0 : i32
      %dma_start3A_156 = tpu.memref_slice %arg9[%run_scoped3A_109, %dma_start3A] : memref<25x128xf32, #tpu.memory_space<vmem>> -> memref<1x128xf32, #tpu.memory_space<vmem>>
      %dma_start3A_157 = tpu.memref_squeeze %dma_start3A_156 : memref<1x128xf32, #tpu.memory_space<vmem>> -> memref<128xf32, #tpu.memory_space<vmem>>
      %dma_start3A_158 = arith.constant 0 : i32
      %dma_start3A_159 = tpu.memref_slice %arg10[%add3A_108, %dma_start3A_158] : memref<32x128xi32, #tpu.memory_space<vmem>> -> memref<1x128xi32, #tpu.memory_space<vmem>>
      %dma_start3A_160 = tpu.memref_squeeze %dma_start3A_159 : memref<1x128xi32, #tpu.memory_space<vmem>> -> memref<128xi32, #tpu.memory_space<vmem>>
      %dma_start3A_161 = arith.constant 0 : i32
      %dma_start3A_162 = tpu.memref_slice %arg12[%dma_start3A_161] : memref<64xf32, #tpu.memory_space<vmem_shared>> -> memref<64xf32, #tpu.memory_space<vmem_shared>>
      tpu.enqueue_indirect_dma source(%dma_start3A_157 : memref<128xf32, #tpu.memory_space<vmem>>) target(%dma_start3A_162 : memref<64xf32, #tpu.memory_space<vmem_shared>>) offsets(%dma_start3A_160 : memref<128xi32, #tpu.memory_space<vmem>>) semaphore(%run_scoped3A_155 : memref<!tpu.dma_semaphore, #tpu.memory_space<semaphore_mem>>) {add = true}
      %dma_wait3A = arith.constant 0 : i32
      %dma_wait3A_163 = tpu.memref_slice %arg9[%run_scoped3A_109, %dma_wait3A] : memref<25x128xf32, #tpu.memory_space<vmem>> -> memref<1x128xf32, #tpu.memory_space<vmem>>
      %dma_wait3A_164 = tpu.memref_squeeze %dma_wait3A_163 : memref<1x128xf32, #tpu.memory_space<vmem>> -> memref<128xf32, #tpu.memory_space<vmem>>
      %dma_wait3A_165 = arith.constant 0 : i32
      %dma_wait3A_166 = tpu.memref_slice %arg10[%add3A_108, %dma_wait3A_165] : memref<32x128xi32, #tpu.memory_space<vmem>> -> memref<1x128xi32, #tpu.memory_space<vmem>>
      %dma_wait3A_167 = tpu.memref_squeeze %dma_wait3A_166 : memref<1x128xi32, #tpu.memory_space<vmem>> -> memref<128xi32, #tpu.memory_space<vmem>>
      %dma_wait3A_168 = arith.constant 0 : i32
      %dma_wait3A_169 = tpu.memref_slice %arg12[%dma_wait3A_168] : memref<64xf32, #tpu.memory_space<vmem_shared>> -> memref<64xf32, #tpu.memory_space<vmem_shared>>
      tpu.wait_indirect_dma semaphore(%run_scoped3A_155 : memref<!tpu.dma_semaphore, #tpu.memory_space<semaphore_mem>>) src(%dma_wait3A_164 : memref<128xf32, #tpu.memory_space<vmem>>) dst(%dma_wait3A_169 : memref<64xf32, #tpu.memory_space<vmem_shared>>)
      tpu.yield
    }) : () -> ()
    %add3A_110 = arith.constant 15 : i32
    %add3A_111 = arith.addi %sub3A, %add3A_110 : i32
    %run_scoped3A_112 = arith.constant 15 : i32
    "tpu.region"() ({
      %run_scoped3A_155 = tpu.sem_alloc : memref<!tpu.dma_semaphore, #tpu.memory_space<semaphore_mem>>
      %dma_start3A = arith.constant 0 : i32
      %dma_start3A_156 = tpu.memref_slice %arg9[%run_scoped3A_112, %dma_start3A] : memref<25x128xf32, #tpu.memory_space<vmem>> -> memref<1x128xf32, #tpu.memory_space<vmem>>
      %dma_start3A_157 = tpu.memref_squeeze %dma_start3A_156 : memref<1x128xf32, #tpu.memory_space<vmem>> -> memref<128xf32, #tpu.memory_space<vmem>>
      %dma_start3A_158 = arith.constant 0 : i32
      %dma_start3A_159 = tpu.memref_slice %arg10[%add3A_111, %dma_start3A_158] : memref<32x128xi32, #tpu.memory_space<vmem>> -> memref<1x128xi32, #tpu.memory_space<vmem>>
      %dma_start3A_160 = tpu.memref_squeeze %dma_start3A_159 : memref<1x128xi32, #tpu.memory_space<vmem>> -> memref<128xi32, #tpu.memory_space<vmem>>
      %dma_start3A_161 = arith.constant 0 : i32
      %dma_start3A_162 = tpu.memref_slice %arg12[%dma_start3A_161] : memref<64xf32, #tpu.memory_space<vmem_shared>> -> memref<64xf32, #tpu.memory_space<vmem_shared>>
      tpu.enqueue_indirect_dma source(%dma_start3A_157 : memref<128xf32, #tpu.memory_space<vmem>>) target(%dma_start3A_162 : memref<64xf32, #tpu.memory_space<vmem_shared>>) offsets(%dma_start3A_160 : memref<128xi32, #tpu.memory_space<vmem>>) semaphore(%run_scoped3A_155 : memref<!tpu.dma_semaphore, #tpu.memory_space<semaphore_mem>>) {add = true}
      %dma_wait3A = arith.constant 0 : i32
      %dma_wait3A_163 = tpu.memref_slice %arg9[%run_scoped3A_112, %dma_wait3A] : memref<25x128xf32, #tpu.memory_space<vmem>> -> memref<1x128xf32, #tpu.memory_space<vmem>>
      %dma_wait3A_164 = tpu.memref_squeeze %dma_wait3A_163 : memref<1x128xf32, #tpu.memory_space<vmem>> -> memref<128xf32, #tpu.memory_space<vmem>>
      %dma_wait3A_165 = arith.constant 0 : i32
      %dma_wait3A_166 = tpu.memref_slice %arg10[%add3A_111, %dma_wait3A_165] : memref<32x128xi32, #tpu.memory_space<vmem>> -> memref<1x128xi32, #tpu.memory_space<vmem>>
      %dma_wait3A_167 = tpu.memref_squeeze %dma_wait3A_166 : memref<1x128xi32, #tpu.memory_space<vmem>> -> memref<128xi32, #tpu.memory_space<vmem>>
      %dma_wait3A_168 = arith.constant 0 : i32
      %dma_wait3A_169 = tpu.memref_slice %arg12[%dma_wait3A_168] : memref<64xf32, #tpu.memory_space<vmem_shared>> -> memref<64xf32, #tpu.memory_space<vmem_shared>>
      tpu.wait_indirect_dma semaphore(%run_scoped3A_155 : memref<!tpu.dma_semaphore, #tpu.memory_space<semaphore_mem>>) src(%dma_wait3A_164 : memref<128xf32, #tpu.memory_space<vmem>>) dst(%dma_wait3A_169 : memref<64xf32, #tpu.memory_space<vmem_shared>>)
      tpu.yield
    }) : () -> ()
    %add3A_113 = arith.constant 16 : i32
    %add3A_114 = arith.addi %sub3A, %add3A_113 : i32
    %run_scoped3A_115 = arith.constant 16 : i32
    "tpu.region"() ({
      %run_scoped3A_155 = tpu.sem_alloc : memref<!tpu.dma_semaphore, #tpu.memory_space<semaphore_mem>>
      %dma_start3A = arith.constant 0 : i32
      %dma_start3A_156 = tpu.memref_slice %arg9[%run_scoped3A_115, %dma_start3A] : memref<25x128xf32, #tpu.memory_space<vmem>> -> memref<1x128xf32, #tpu.memory_space<vmem>>
      %dma_start3A_157 = tpu.memref_squeeze %dma_start3A_156 : memref<1x128xf32, #tpu.memory_space<vmem>> -> memref<128xf32, #tpu.memory_space<vmem>>
      %dma_start3A_158 = arith.constant 0 : i32
      %dma_start3A_159 = tpu.memref_slice %arg10[%add3A_114, %dma_start3A_158] : memref<32x128xi32, #tpu.memory_space<vmem>> -> memref<1x128xi32, #tpu.memory_space<vmem>>
      %dma_start3A_160 = tpu.memref_squeeze %dma_start3A_159 : memref<1x128xi32, #tpu.memory_space<vmem>> -> memref<128xi32, #tpu.memory_space<vmem>>
      %dma_start3A_161 = arith.constant 0 : i32
      %dma_start3A_162 = tpu.memref_slice %arg12[%dma_start3A_161] : memref<64xf32, #tpu.memory_space<vmem_shared>> -> memref<64xf32, #tpu.memory_space<vmem_shared>>
      tpu.enqueue_indirect_dma source(%dma_start3A_157 : memref<128xf32, #tpu.memory_space<vmem>>) target(%dma_start3A_162 : memref<64xf32, #tpu.memory_space<vmem_shared>>) offsets(%dma_start3A_160 : memref<128xi32, #tpu.memory_space<vmem>>) semaphore(%run_scoped3A_155 : memref<!tpu.dma_semaphore, #tpu.memory_space<semaphore_mem>>) {add = true}
      %dma_wait3A = arith.constant 0 : i32
      %dma_wait3A_163 = tpu.memref_slice %arg9[%run_scoped3A_115, %dma_wait3A] : memref<25x128xf32, #tpu.memory_space<vmem>> -> memref<1x128xf32, #tpu.memory_space<vmem>>
      %dma_wait3A_164 = tpu.memref_squeeze %dma_wait3A_163 : memref<1x128xf32, #tpu.memory_space<vmem>> -> memref<128xf32, #tpu.memory_space<vmem>>
      %dma_wait3A_165 = arith.constant 0 : i32
      %dma_wait3A_166 = tpu.memref_slice %arg10[%add3A_114, %dma_wait3A_165] : memref<32x128xi32, #tpu.memory_space<vmem>> -> memref<1x128xi32, #tpu.memory_space<vmem>>
      %dma_wait3A_167 = tpu.memref_squeeze %dma_wait3A_166 : memref<1x128xi32, #tpu.memory_space<vmem>> -> memref<128xi32, #tpu.memory_space<vmem>>
      %dma_wait3A_168 = arith.constant 0 : i32
      %dma_wait3A_169 = tpu.memref_slice %arg12[%dma_wait3A_168] : memref<64xf32, #tpu.memory_space<vmem_shared>> -> memref<64xf32, #tpu.memory_space<vmem_shared>>
      tpu.wait_indirect_dma semaphore(%run_scoped3A_155 : memref<!tpu.dma_semaphore, #tpu.memory_space<semaphore_mem>>) src(%dma_wait3A_164 : memref<128xf32, #tpu.memory_space<vmem>>) dst(%dma_wait3A_169 : memref<64xf32, #tpu.memory_space<vmem_shared>>)
      tpu.yield
    }) : () -> ()
    %add3A_116 = arith.constant 17 : i32
    %add3A_117 = arith.addi %sub3A, %add3A_116 : i32
    %run_scoped3A_118 = arith.constant 17 : i32
    "tpu.region"() ({
      %run_scoped3A_155 = tpu.sem_alloc : memref<!tpu.dma_semaphore, #tpu.memory_space<semaphore_mem>>
      %dma_start3A = arith.constant 0 : i32
      %dma_start3A_156 = tpu.memref_slice %arg9[%run_scoped3A_118, %dma_start3A] : memref<25x128xf32, #tpu.memory_space<vmem>> -> memref<1x128xf32, #tpu.memory_space<vmem>>
      %dma_start3A_157 = tpu.memref_squeeze %dma_start3A_156 : memref<1x128xf32, #tpu.memory_space<vmem>> -> memref<128xf32, #tpu.memory_space<vmem>>
      %dma_start3A_158 = arith.constant 0 : i32
      %dma_start3A_159 = tpu.memref_slice %arg10[%add3A_117, %dma_start3A_158] : memref<32x128xi32, #tpu.memory_space<vmem>> -> memref<1x128xi32, #tpu.memory_space<vmem>>
      %dma_start3A_160 = tpu.memref_squeeze %dma_start3A_159 : memref<1x128xi32, #tpu.memory_space<vmem>> -> memref<128xi32, #tpu.memory_space<vmem>>
      %dma_start3A_161 = arith.constant 0 : i32
      %dma_start3A_162 = tpu.memref_slice %arg12[%dma_start3A_161] : memref<64xf32, #tpu.memory_space<vmem_shared>> -> memref<64xf32, #tpu.memory_space<vmem_shared>>
      tpu.enqueue_indirect_dma source(%dma_start3A_157 : memref<128xf32, #tpu.memory_space<vmem>>) target(%dma_start3A_162 : memref<64xf32, #tpu.memory_space<vmem_shared>>) offsets(%dma_start3A_160 : memref<128xi32, #tpu.memory_space<vmem>>) semaphore(%run_scoped3A_155 : memref<!tpu.dma_semaphore, #tpu.memory_space<semaphore_mem>>) {add = true}
      %dma_wait3A = arith.constant 0 : i32
      %dma_wait3A_163 = tpu.memref_slice %arg9[%run_scoped3A_118, %dma_wait3A] : memref<25x128xf32, #tpu.memory_space<vmem>> -> memref<1x128xf32, #tpu.memory_space<vmem>>
      %dma_wait3A_164 = tpu.memref_squeeze %dma_wait3A_163 : memref<1x128xf32, #tpu.memory_space<vmem>> -> memref<128xf32, #tpu.memory_space<vmem>>
      %dma_wait3A_165 = arith.constant 0 : i32
      %dma_wait3A_166 = tpu.memref_slice %arg10[%add3A_117, %dma_wait3A_165] : memref<32x128xi32, #tpu.memory_space<vmem>> -> memref<1x128xi32, #tpu.memory_space<vmem>>
      %dma_wait3A_167 = tpu.memref_squeeze %dma_wait3A_166 : memref<1x128xi32, #tpu.memory_space<vmem>> -> memref<128xi32, #tpu.memory_space<vmem>>
      %dma_wait3A_168 = arith.constant 0 : i32
      %dma_wait3A_169 = tpu.memref_slice %arg12[%dma_wait3A_168] : memref<64xf32, #tpu.memory_space<vmem_shared>> -> memref<64xf32, #tpu.memory_space<vmem_shared>>
      tpu.wait_indirect_dma semaphore(%run_scoped3A_155 : memref<!tpu.dma_semaphore, #tpu.memory_space<semaphore_mem>>) src(%dma_wait3A_164 : memref<128xf32, #tpu.memory_space<vmem>>) dst(%dma_wait3A_169 : memref<64xf32, #tpu.memory_space<vmem_shared>>)
      tpu.yield
    }) : () -> ()
    %add3A_119 = arith.constant 18 : i32
    %add3A_120 = arith.addi %sub3A, %add3A_119 : i32
    %run_scoped3A_121 = arith.constant 18 : i32
    "tpu.region"() ({
      %run_scoped3A_155 = tpu.sem_alloc : memref<!tpu.dma_semaphore, #tpu.memory_space<semaphore_mem>>
      %dma_start3A = arith.constant 0 : i32
      %dma_start3A_156 = tpu.memref_slice %arg9[%run_scoped3A_121, %dma_start3A] : memref<25x128xf32, #tpu.memory_space<vmem>> -> memref<1x128xf32, #tpu.memory_space<vmem>>
      %dma_start3A_157 = tpu.memref_squeeze %dma_start3A_156 : memref<1x128xf32, #tpu.memory_space<vmem>> -> memref<128xf32, #tpu.memory_space<vmem>>
      %dma_start3A_158 = arith.constant 0 : i32
      %dma_start3A_159 = tpu.memref_slice %arg10[%add3A_120, %dma_start3A_158] : memref<32x128xi32, #tpu.memory_space<vmem>> -> memref<1x128xi32, #tpu.memory_space<vmem>>
      %dma_start3A_160 = tpu.memref_squeeze %dma_start3A_159 : memref<1x128xi32, #tpu.memory_space<vmem>> -> memref<128xi32, #tpu.memory_space<vmem>>
      %dma_start3A_161 = arith.constant 0 : i32
      %dma_start3A_162 = tpu.memref_slice %arg12[%dma_start3A_161] : memref<64xf32, #tpu.memory_space<vmem_shared>> -> memref<64xf32, #tpu.memory_space<vmem_shared>>
      tpu.enqueue_indirect_dma source(%dma_start3A_157 : memref<128xf32, #tpu.memory_space<vmem>>) target(%dma_start3A_162 : memref<64xf32, #tpu.memory_space<vmem_shared>>) offsets(%dma_start3A_160 : memref<128xi32, #tpu.memory_space<vmem>>) semaphore(%run_scoped3A_155 : memref<!tpu.dma_semaphore, #tpu.memory_space<semaphore_mem>>) {add = true}
      %dma_wait3A = arith.constant 0 : i32
      %dma_wait3A_163 = tpu.memref_slice %arg9[%run_scoped3A_121, %dma_wait3A] : memref<25x128xf32, #tpu.memory_space<vmem>> -> memref<1x128xf32, #tpu.memory_space<vmem>>
      %dma_wait3A_164 = tpu.memref_squeeze %dma_wait3A_163 : memref<1x128xf32, #tpu.memory_space<vmem>> -> memref<128xf32, #tpu.memory_space<vmem>>
      %dma_wait3A_165 = arith.constant 0 : i32
      %dma_wait3A_166 = tpu.memref_slice %arg10[%add3A_120, %dma_wait3A_165] : memref<32x128xi32, #tpu.memory_space<vmem>> -> memref<1x128xi32, #tpu.memory_space<vmem>>
      %dma_wait3A_167 = tpu.memref_squeeze %dma_wait3A_166 : memref<1x128xi32, #tpu.memory_space<vmem>> -> memref<128xi32, #tpu.memory_space<vmem>>
      %dma_wait3A_168 = arith.constant 0 : i32
      %dma_wait3A_169 = tpu.memref_slice %arg12[%dma_wait3A_168] : memref<64xf32, #tpu.memory_space<vmem_shared>> -> memref<64xf32, #tpu.memory_space<vmem_shared>>
      tpu.wait_indirect_dma semaphore(%run_scoped3A_155 : memref<!tpu.dma_semaphore, #tpu.memory_space<semaphore_mem>>) src(%dma_wait3A_164 : memref<128xf32, #tpu.memory_space<vmem>>) dst(%dma_wait3A_169 : memref<64xf32, #tpu.memory_space<vmem_shared>>)
      tpu.yield
    }) : () -> ()
    %add3A_122 = arith.constant 19 : i32
    %add3A_123 = arith.addi %sub3A, %add3A_122 : i32
    %run_scoped3A_124 = arith.constant 19 : i32
    "tpu.region"() ({
      %run_scoped3A_155 = tpu.sem_alloc : memref<!tpu.dma_semaphore, #tpu.memory_space<semaphore_mem>>
      %dma_start3A = arith.constant 0 : i32
      %dma_start3A_156 = tpu.memref_slice %arg9[%run_scoped3A_124, %dma_start3A] : memref<25x128xf32, #tpu.memory_space<vmem>> -> memref<1x128xf32, #tpu.memory_space<vmem>>
      %dma_start3A_157 = tpu.memref_squeeze %dma_start3A_156 : memref<1x128xf32, #tpu.memory_space<vmem>> -> memref<128xf32, #tpu.memory_space<vmem>>
      %dma_start3A_158 = arith.constant 0 : i32
      %dma_start3A_159 = tpu.memref_slice %arg10[%add3A_123, %dma_start3A_158] : memref<32x128xi32, #tpu.memory_space<vmem>> -> memref<1x128xi32, #tpu.memory_space<vmem>>
      %dma_start3A_160 = tpu.memref_squeeze %dma_start3A_159 : memref<1x128xi32, #tpu.memory_space<vmem>> -> memref<128xi32, #tpu.memory_space<vmem>>
      %dma_start3A_161 = arith.constant 0 : i32
      %dma_start3A_162 = tpu.memref_slice %arg12[%dma_start3A_161] : memref<64xf32, #tpu.memory_space<vmem_shared>> -> memref<64xf32, #tpu.memory_space<vmem_shared>>
      tpu.enqueue_indirect_dma source(%dma_start3A_157 : memref<128xf32, #tpu.memory_space<vmem>>) target(%dma_start3A_162 : memref<64xf32, #tpu.memory_space<vmem_shared>>) offsets(%dma_start3A_160 : memref<128xi32, #tpu.memory_space<vmem>>) semaphore(%run_scoped3A_155 : memref<!tpu.dma_semaphore, #tpu.memory_space<semaphore_mem>>) {add = true}
      %dma_wait3A = arith.constant 0 : i32
      %dma_wait3A_163 = tpu.memref_slice %arg9[%run_scoped3A_124, %dma_wait3A] : memref<25x128xf32, #tpu.memory_space<vmem>> -> memref<1x128xf32, #tpu.memory_space<vmem>>
      %dma_wait3A_164 = tpu.memref_squeeze %dma_wait3A_163 : memref<1x128xf32, #tpu.memory_space<vmem>> -> memref<128xf32, #tpu.memory_space<vmem>>
      %dma_wait3A_165 = arith.constant 0 : i32
      %dma_wait3A_166 = tpu.memref_slice %arg10[%add3A_123, %dma_wait3A_165] : memref<32x128xi32, #tpu.memory_space<vmem>> -> memref<1x128xi32, #tpu.memory_space<vmem>>
      %dma_wait3A_167 = tpu.memref_squeeze %dma_wait3A_166 : memref<1x128xi32, #tpu.memory_space<vmem>> -> memref<128xi32, #tpu.memory_space<vmem>>
      %dma_wait3A_168 = arith.constant 0 : i32
      %dma_wait3A_169 = tpu.memref_slice %arg12[%dma_wait3A_168] : memref<64xf32, #tpu.memory_space<vmem_shared>> -> memref<64xf32, #tpu.memory_space<vmem_shared>>
      tpu.wait_indirect_dma semaphore(%run_scoped3A_155 : memref<!tpu.dma_semaphore, #tpu.memory_space<semaphore_mem>>) src(%dma_wait3A_164 : memref<128xf32, #tpu.memory_space<vmem>>) dst(%dma_wait3A_169 : memref<64xf32, #tpu.memory_space<vmem_shared>>)
      tpu.yield
    }) : () -> ()
    %add3A_125 = arith.constant 20 : i32
    %add3A_126 = arith.addi %sub3A, %add3A_125 : i32
    %run_scoped3A_127 = arith.constant 20 : i32
    "tpu.region"() ({
      %run_scoped3A_155 = tpu.sem_alloc : memref<!tpu.dma_semaphore, #tpu.memory_space<semaphore_mem>>
      %dma_start3A = arith.constant 0 : i32
      %dma_start3A_156 = tpu.memref_slice %arg9[%run_scoped3A_127, %dma_start3A] : memref<25x128xf32, #tpu.memory_space<vmem>> -> memref<1x128xf32, #tpu.memory_space<vmem>>
      %dma_start3A_157 = tpu.memref_squeeze %dma_start3A_156 : memref<1x128xf32, #tpu.memory_space<vmem>> -> memref<128xf32, #tpu.memory_space<vmem>>
      %dma_start3A_158 = arith.constant 0 : i32
      %dma_start3A_159 = tpu.memref_slice %arg10[%add3A_126, %dma_start3A_158] : memref<32x128xi32, #tpu.memory_space<vmem>> -> memref<1x128xi32, #tpu.memory_space<vmem>>
      %dma_start3A_160 = tpu.memref_squeeze %dma_start3A_159 : memref<1x128xi32, #tpu.memory_space<vmem>> -> memref<128xi32, #tpu.memory_space<vmem>>
      %dma_start3A_161 = arith.constant 0 : i32
      %dma_start3A_162 = tpu.memref_slice %arg12[%dma_start3A_161] : memref<64xf32, #tpu.memory_space<vmem_shared>> -> memref<64xf32, #tpu.memory_space<vmem_shared>>
      tpu.enqueue_indirect_dma source(%dma_start3A_157 : memref<128xf32, #tpu.memory_space<vmem>>) target(%dma_start3A_162 : memref<64xf32, #tpu.memory_space<vmem_shared>>) offsets(%dma_start3A_160 : memref<128xi32, #tpu.memory_space<vmem>>) semaphore(%run_scoped3A_155 : memref<!tpu.dma_semaphore, #tpu.memory_space<semaphore_mem>>) {add = true}
      %dma_wait3A = arith.constant 0 : i32
      %dma_wait3A_163 = tpu.memref_slice %arg9[%run_scoped3A_127, %dma_wait3A] : memref<25x128xf32, #tpu.memory_space<vmem>> -> memref<1x128xf32, #tpu.memory_space<vmem>>
      %dma_wait3A_164 = tpu.memref_squeeze %dma_wait3A_163 : memref<1x128xf32, #tpu.memory_space<vmem>> -> memref<128xf32, #tpu.memory_space<vmem>>
      %dma_wait3A_165 = arith.constant 0 : i32
      %dma_wait3A_166 = tpu.memref_slice %arg10[%add3A_126, %dma_wait3A_165] : memref<32x128xi32, #tpu.memory_space<vmem>> -> memref<1x128xi32, #tpu.memory_space<vmem>>
      %dma_wait3A_167 = tpu.memref_squeeze %dma_wait3A_166 : memref<1x128xi32, #tpu.memory_space<vmem>> -> memref<128xi32, #tpu.memory_space<vmem>>
      %dma_wait3A_168 = arith.constant 0 : i32
      %dma_wait3A_169 = tpu.memref_slice %arg12[%dma_wait3A_168] : memref<64xf32, #tpu.memory_space<vmem_shared>> -> memref<64xf32, #tpu.memory_space<vmem_shared>>
      tpu.wait_indirect_dma semaphore(%run_scoped3A_155 : memref<!tpu.dma_semaphore, #tpu.memory_space<semaphore_mem>>) src(%dma_wait3A_164 : memref<128xf32, #tpu.memory_space<vmem>>) dst(%dma_wait3A_169 : memref<64xf32, #tpu.memory_space<vmem_shared>>)
      tpu.yield
    }) : () -> ()
    %add3A_128 = arith.constant 21 : i32
    %add3A_129 = arith.addi %sub3A, %add3A_128 : i32
    %run_scoped3A_130 = arith.constant 21 : i32
    "tpu.region"() ({
      %run_scoped3A_155 = tpu.sem_alloc : memref<!tpu.dma_semaphore, #tpu.memory_space<semaphore_mem>>
      %dma_start3A = arith.constant 0 : i32
      %dma_start3A_156 = tpu.memref_slice %arg9[%run_scoped3A_130, %dma_start3A] : memref<25x128xf32, #tpu.memory_space<vmem>> -> memref<1x128xf32, #tpu.memory_space<vmem>>
      %dma_start3A_157 = tpu.memref_squeeze %dma_start3A_156 : memref<1x128xf32, #tpu.memory_space<vmem>> -> memref<128xf32, #tpu.memory_space<vmem>>
      %dma_start3A_158 = arith.constant 0 : i32
      %dma_start3A_159 = tpu.memref_slice %arg10[%add3A_129, %dma_start3A_158] : memref<32x128xi32, #tpu.memory_space<vmem>> -> memref<1x128xi32, #tpu.memory_space<vmem>>
      %dma_start3A_160 = tpu.memref_squeeze %dma_start3A_159 : memref<1x128xi32, #tpu.memory_space<vmem>> -> memref<128xi32, #tpu.memory_space<vmem>>
      %dma_start3A_161 = arith.constant 0 : i32
      %dma_start3A_162 = tpu.memref_slice %arg12[%dma_start3A_161] : memref<64xf32, #tpu.memory_space<vmem_shared>> -> memref<64xf32, #tpu.memory_space<vmem_shared>>
      tpu.enqueue_indirect_dma source(%dma_start3A_157 : memref<128xf32, #tpu.memory_space<vmem>>) target(%dma_start3A_162 : memref<64xf32, #tpu.memory_space<vmem_shared>>) offsets(%dma_start3A_160 : memref<128xi32, #tpu.memory_space<vmem>>) semaphore(%run_scoped3A_155 : memref<!tpu.dma_semaphore, #tpu.memory_space<semaphore_mem>>) {add = true}
      %dma_wait3A = arith.constant 0 : i32
      %dma_wait3A_163 = tpu.memref_slice %arg9[%run_scoped3A_130, %dma_wait3A] : memref<25x128xf32, #tpu.memory_space<vmem>> -> memref<1x128xf32, #tpu.memory_space<vmem>>
      %dma_wait3A_164 = tpu.memref_squeeze %dma_wait3A_163 : memref<1x128xf32, #tpu.memory_space<vmem>> -> memref<128xf32, #tpu.memory_space<vmem>>
      %dma_wait3A_165 = arith.constant 0 : i32
      %dma_wait3A_166 = tpu.memref_slice %arg10[%add3A_129, %dma_wait3A_165] : memref<32x128xi32, #tpu.memory_space<vmem>> -> memref<1x128xi32, #tpu.memory_space<vmem>>
      %dma_wait3A_167 = tpu.memref_squeeze %dma_wait3A_166 : memref<1x128xi32, #tpu.memory_space<vmem>> -> memref<128xi32, #tpu.memory_space<vmem>>
      %dma_wait3A_168 = arith.constant 0 : i32
      %dma_wait3A_169 = tpu.memref_slice %arg12[%dma_wait3A_168] : memref<64xf32, #tpu.memory_space<vmem_shared>> -> memref<64xf32, #tpu.memory_space<vmem_shared>>
      tpu.wait_indirect_dma semaphore(%run_scoped3A_155 : memref<!tpu.dma_semaphore, #tpu.memory_space<semaphore_mem>>) src(%dma_wait3A_164 : memref<128xf32, #tpu.memory_space<vmem>>) dst(%dma_wait3A_169 : memref<64xf32, #tpu.memory_space<vmem_shared>>)
      tpu.yield
    }) : () -> ()
    %add3A_131 = arith.constant 22 : i32
    %add3A_132 = arith.addi %sub3A, %add3A_131 : i32
    %run_scoped3A_133 = arith.constant 22 : i32
    "tpu.region"() ({
      %run_scoped3A_155 = tpu.sem_alloc : memref<!tpu.dma_semaphore, #tpu.memory_space<semaphore_mem>>
      %dma_start3A = arith.constant 0 : i32
      %dma_start3A_156 = tpu.memref_slice %arg9[%run_scoped3A_133, %dma_start3A] : memref<25x128xf32, #tpu.memory_space<vmem>> -> memref<1x128xf32, #tpu.memory_space<vmem>>
      %dma_start3A_157 = tpu.memref_squeeze %dma_start3A_156 : memref<1x128xf32, #tpu.memory_space<vmem>> -> memref<128xf32, #tpu.memory_space<vmem>>
      %dma_start3A_158 = arith.constant 0 : i32
      %dma_start3A_159 = tpu.memref_slice %arg10[%add3A_132, %dma_start3A_158] : memref<32x128xi32, #tpu.memory_space<vmem>> -> memref<1x128xi32, #tpu.memory_space<vmem>>
      %dma_start3A_160 = tpu.memref_squeeze %dma_start3A_159 : memref<1x128xi32, #tpu.memory_space<vmem>> -> memref<128xi32, #tpu.memory_space<vmem>>
      %dma_start3A_161 = arith.constant 0 : i32
      %dma_start3A_162 = tpu.memref_slice %arg12[%dma_start3A_161] : memref<64xf32, #tpu.memory_space<vmem_shared>> -> memref<64xf32, #tpu.memory_space<vmem_shared>>
      tpu.enqueue_indirect_dma source(%dma_start3A_157 : memref<128xf32, #tpu.memory_space<vmem>>) target(%dma_start3A_162 : memref<64xf32, #tpu.memory_space<vmem_shared>>) offsets(%dma_start3A_160 : memref<128xi32, #tpu.memory_space<vmem>>) semaphore(%run_scoped3A_155 : memref<!tpu.dma_semaphore, #tpu.memory_space<semaphore_mem>>) {add = true}
      %dma_wait3A = arith.constant 0 : i32
      %dma_wait3A_163 = tpu.memref_slice %arg9[%run_scoped3A_133, %dma_wait3A] : memref<25x128xf32, #tpu.memory_space<vmem>> -> memref<1x128xf32, #tpu.memory_space<vmem>>
      %dma_wait3A_164 = tpu.memref_squeeze %dma_wait3A_163 : memref<1x128xf32, #tpu.memory_space<vmem>> -> memref<128xf32, #tpu.memory_space<vmem>>
      %dma_wait3A_165 = arith.constant 0 : i32
      %dma_wait3A_166 = tpu.memref_slice %arg10[%add3A_132, %dma_wait3A_165] : memref<32x128xi32, #tpu.memory_space<vmem>> -> memref<1x128xi32, #tpu.memory_space<vmem>>
      %dma_wait3A_167 = tpu.memref_squeeze %dma_wait3A_166 : memref<1x128xi32, #tpu.memory_space<vmem>> -> memref<128xi32, #tpu.memory_space<vmem>>
      %dma_wait3A_168 = arith.constant 0 : i32
      %dma_wait3A_169 = tpu.memref_slice %arg12[%dma_wait3A_168] : memref<64xf32, #tpu.memory_space<vmem_shared>> -> memref<64xf32, #tpu.memory_space<vmem_shared>>
      tpu.wait_indirect_dma semaphore(%run_scoped3A_155 : memref<!tpu.dma_semaphore, #tpu.memory_space<semaphore_mem>>) src(%dma_wait3A_164 : memref<128xf32, #tpu.memory_space<vmem>>) dst(%dma_wait3A_169 : memref<64xf32, #tpu.memory_space<vmem_shared>>)
      tpu.yield
    }) : () -> ()
    %add3A_134 = arith.constant 23 : i32
    %add3A_135 = arith.addi %sub3A, %add3A_134 : i32
    %run_scoped3A_136 = arith.constant 23 : i32
    "tpu.region"() ({
      %run_scoped3A_155 = tpu.sem_alloc : memref<!tpu.dma_semaphore, #tpu.memory_space<semaphore_mem>>
      %dma_start3A = arith.constant 0 : i32
      %dma_start3A_156 = tpu.memref_slice %arg9[%run_scoped3A_136, %dma_start3A] : memref<25x128xf32, #tpu.memory_space<vmem>> -> memref<1x128xf32, #tpu.memory_space<vmem>>
      %dma_start3A_157 = tpu.memref_squeeze %dma_start3A_156 : memref<1x128xf32, #tpu.memory_space<vmem>> -> memref<128xf32, #tpu.memory_space<vmem>>
      %dma_start3A_158 = arith.constant 0 : i32
      %dma_start3A_159 = tpu.memref_slice %arg10[%add3A_135, %dma_start3A_158] : memref<32x128xi32, #tpu.memory_space<vmem>> -> memref<1x128xi32, #tpu.memory_space<vmem>>
      %dma_start3A_160 = tpu.memref_squeeze %dma_start3A_159 : memref<1x128xi32, #tpu.memory_space<vmem>> -> memref<128xi32, #tpu.memory_space<vmem>>
      %dma_start3A_161 = arith.constant 0 : i32
      %dma_start3A_162 = tpu.memref_slice %arg12[%dma_start3A_161] : memref<64xf32, #tpu.memory_space<vmem_shared>> -> memref<64xf32, #tpu.memory_space<vmem_shared>>
      tpu.enqueue_indirect_dma source(%dma_start3A_157 : memref<128xf32, #tpu.memory_space<vmem>>) target(%dma_start3A_162 : memref<64xf32, #tpu.memory_space<vmem_shared>>) offsets(%dma_start3A_160 : memref<128xi32, #tpu.memory_space<vmem>>) semaphore(%run_scoped3A_155 : memref<!tpu.dma_semaphore, #tpu.memory_space<semaphore_mem>>) {add = true}
      %dma_wait3A = arith.constant 0 : i32
      %dma_wait3A_163 = tpu.memref_slice %arg9[%run_scoped3A_136, %dma_wait3A] : memref<25x128xf32, #tpu.memory_space<vmem>> -> memref<1x128xf32, #tpu.memory_space<vmem>>
      %dma_wait3A_164 = tpu.memref_squeeze %dma_wait3A_163 : memref<1x128xf32, #tpu.memory_space<vmem>> -> memref<128xf32, #tpu.memory_space<vmem>>
      %dma_wait3A_165 = arith.constant 0 : i32
      %dma_wait3A_166 = tpu.memref_slice %arg10[%add3A_135, %dma_wait3A_165] : memref<32x128xi32, #tpu.memory_space<vmem>> -> memref<1x128xi32, #tpu.memory_space<vmem>>
      %dma_wait3A_167 = tpu.memref_squeeze %dma_wait3A_166 : memref<1x128xi32, #tpu.memory_space<vmem>> -> memref<128xi32, #tpu.memory_space<vmem>>
      %dma_wait3A_168 = arith.constant 0 : i32
      %dma_wait3A_169 = tpu.memref_slice %arg12[%dma_wait3A_168] : memref<64xf32, #tpu.memory_space<vmem_shared>> -> memref<64xf32, #tpu.memory_space<vmem_shared>>
      tpu.wait_indirect_dma semaphore(%run_scoped3A_155 : memref<!tpu.dma_semaphore, #tpu.memory_space<semaphore_mem>>) src(%dma_wait3A_164 : memref<128xf32, #tpu.memory_space<vmem>>) dst(%dma_wait3A_169 : memref<64xf32, #tpu.memory_space<vmem_shared>>)
      tpu.yield
    }) : () -> ()
    %add3A_137 = arith.constant 24 : i32
    %add3A_138 = arith.addi %sub3A, %add3A_137 : i32
    %run_scoped3A_139 = arith.constant 24 : i32
    "tpu.region"() ({
      %run_scoped3A_155 = tpu.sem_alloc : memref<!tpu.dma_semaphore, #tpu.memory_space<semaphore_mem>>
      %dma_start3A = arith.constant 0 : i32
      %dma_start3A_156 = tpu.memref_slice %arg9[%run_scoped3A_139, %dma_start3A] : memref<25x128xf32, #tpu.memory_space<vmem>> -> memref<1x128xf32, #tpu.memory_space<vmem>>
      %dma_start3A_157 = tpu.memref_squeeze %dma_start3A_156 : memref<1x128xf32, #tpu.memory_space<vmem>> -> memref<128xf32, #tpu.memory_space<vmem>>
      %dma_start3A_158 = arith.constant 0 : i32
      %dma_start3A_159 = tpu.memref_slice %arg10[%add3A_138, %dma_start3A_158] : memref<32x128xi32, #tpu.memory_space<vmem>> -> memref<1x128xi32, #tpu.memory_space<vmem>>
      %dma_start3A_160 = tpu.memref_squeeze %dma_start3A_159 : memref<1x128xi32, #tpu.memory_space<vmem>> -> memref<128xi32, #tpu.memory_space<vmem>>
      %dma_start3A_161 = arith.constant 0 : i32
      %dma_start3A_162 = tpu.memref_slice %arg12[%dma_start3A_161] : memref<64xf32, #tpu.memory_space<vmem_shared>> -> memref<64xf32, #tpu.memory_space<vmem_shared>>
      tpu.enqueue_indirect_dma source(%dma_start3A_157 : memref<128xf32, #tpu.memory_space<vmem>>) target(%dma_start3A_162 : memref<64xf32, #tpu.memory_space<vmem_shared>>) offsets(%dma_start3A_160 : memref<128xi32, #tpu.memory_space<vmem>>) semaphore(%run_scoped3A_155 : memref<!tpu.dma_semaphore, #tpu.memory_space<semaphore_mem>>) {add = true}
      %dma_wait3A = arith.constant 0 : i32
      %dma_wait3A_163 = tpu.memref_slice %arg9[%run_scoped3A_139, %dma_wait3A] : memref<25x128xf32, #tpu.memory_space<vmem>> -> memref<1x128xf32, #tpu.memory_space<vmem>>
      %dma_wait3A_164 = tpu.memref_squeeze %dma_wait3A_163 : memref<1x128xf32, #tpu.memory_space<vmem>> -> memref<128xf32, #tpu.memory_space<vmem>>
      %dma_wait3A_165 = arith.constant 0 : i32
      %dma_wait3A_166 = tpu.memref_slice %arg10[%add3A_138, %dma_wait3A_165] : memref<32x128xi32, #tpu.memory_space<vmem>> -> memref<1x128xi32, #tpu.memory_space<vmem>>
      %dma_wait3A_167 = tpu.memref_squeeze %dma_wait3A_166 : memref<1x128xi32, #tpu.memory_space<vmem>> -> memref<128xi32, #tpu.memory_space<vmem>>
      %dma_wait3A_168 = arith.constant 0 : i32
      %dma_wait3A_169 = tpu.memref_slice %arg12[%dma_wait3A_168] : memref<64xf32, #tpu.memory_space<vmem_shared>> -> memref<64xf32, #tpu.memory_space<vmem_shared>>
      tpu.wait_indirect_dma semaphore(%run_scoped3A_155 : memref<!tpu.dma_semaphore, #tpu.memory_space<semaphore_mem>>) src(%dma_wait3A_164 : memref<128xf32, #tpu.memory_space<vmem>>) dst(%dma_wait3A_169 : memref<64xf32, #tpu.memory_space<vmem_shared>>)
      tpu.yield
    }) : () -> ()
    %lt3A = arith.constant 31 : i32
    %lt3A_140 = arith.cmpi slt, %add3A, %lt3A : i32
    %convert_element_type3A_141 = arith.extui %lt3A_140 : i1 to i32
    %cond3A_142 = arith.constant 0 : i32
    %cond3A_143 = arith.cmpi ne, %convert_element_type3A_141, %cond3A_142 : i32
    scf.if %cond3A_143 {
      %mul3A_155 = arith.constant 9600 : i32
      %mul3A_156 = arith.muli %add3A, %mul3A_155 : i32
      "tpu.region"() ({
        %run_scoped3A_157 = tpu.sem_alloc : memref<!tpu.dma_semaphore, #tpu.memory_space<semaphore_mem>>
        %dma_start3A = tpu.memref_slice %arg4[%mul3A_156] : memref<300000xf32, #tpu.memory_space<hbm>> -> memref<9600xf32, #tpu.memory_space<hbm>>
        %dma_start3A_158 = tpu.memref_slice %arg4[%mul3A_156] : memref<300000xf32, #tpu.memory_space<hbm>> -> memref<9600xf32, #tpu.memory_space<hbm>>
        tpu.enqueue_dma source(%arg8 : memref<9600xf32, #tpu.memory_space<vmem>>) target(%dma_start3A_158 : memref<9600xf32, #tpu.memory_space<hbm>>) target_semaphore(%run_scoped3A_157 : memref<!tpu.dma_semaphore, #tpu.memory_space<semaphore_mem>>)
        %dma_wait3A = tpu.memref_slice %arg4[%mul3A_156] : memref<300000xf32, #tpu.memory_space<hbm>> -> memref<9600xf32, #tpu.memory_space<hbm>>
        %dma_wait3A_159 = tpu.memref_slice %arg4[%mul3A_156] : memref<300000xf32, #tpu.memory_space<hbm>> -> memref<9600xf32, #tpu.memory_space<hbm>>
        tpu.wait_dma2 semaphore(%run_scoped3A_157 : memref<!tpu.dma_semaphore, #tpu.memory_space<semaphore_mem>>) src(%arg8 : memref<9600xf32, #tpu.memory_space<vmem>>) dst(%dma_wait3A_159 : memref<9600xf32, #tpu.memory_space<hbm>>)
        tpu.yield
      }) : () -> ()
    } else {
    }
    %eq3A_144 = arith.constant 31 : i32
    %eq3A_145 = arith.cmpi eq, %add3A, %eq3A_144 : i32
    %convert_element_type3A_146 = arith.extui %eq3A_145 : i1 to i32
    %cond3A_147 = arith.constant 0 : i32
    %cond3A_148 = arith.cmpi ne, %convert_element_type3A_146, %cond3A_147 : i32
    scf.if %cond3A_148 {
      "tpu.region"() ({
        %run_scoped3A_155 = tpu.sem_alloc : memref<!tpu.dma_semaphore, #tpu.memory_space<semaphore_mem>>
        %dma_start3A = arith.constant 0 : i32
        %dma_start3A_156 = tpu.memref_slice %arg8[%dma_start3A] : memref<9600xf32, #tpu.memory_space<vmem>> -> memref<2400xf32, #tpu.memory_space<vmem>>
        %dma_start3A_157 = arith.constant 297600 : i32
        %dma_start3A_158 = tpu.memref_slice %arg4[%dma_start3A_157] : memref<300000xf32, #tpu.memory_space<hbm>> -> memref<2400xf32, #tpu.memory_space<hbm>>
        %dma_start3A_159 = arith.constant 297600 : i32
        %dma_start3A_160 = tpu.memref_slice %arg4[%dma_start3A_159] : memref<300000xf32, #tpu.memory_space<hbm>> -> memref<2400xf32, #tpu.memory_space<hbm>>
        %dma_start3A_161 = arith.constant 0 : i32
        %dma_start3A_162 = tpu.memref_slice %arg8[%dma_start3A_161] : memref<9600xf32, #tpu.memory_space<vmem>> -> memref<2400xf32, #tpu.memory_space<vmem>>
        tpu.enqueue_dma source(%dma_start3A_162 : memref<2400xf32, #tpu.memory_space<vmem>>) target(%dma_start3A_160 : memref<2400xf32, #tpu.memory_space<hbm>>) target_semaphore(%run_scoped3A_155 : memref<!tpu.dma_semaphore, #tpu.memory_space<semaphore_mem>>)
        %dma_wait3A = arith.constant 0 : i32
        %dma_wait3A_163 = tpu.memref_slice %arg8[%dma_wait3A] : memref<9600xf32, #tpu.memory_space<vmem>> -> memref<2400xf32, #tpu.memory_space<vmem>>
        %dma_wait3A_164 = arith.constant 297600 : i32
        %dma_wait3A_165 = tpu.memref_slice %arg4[%dma_wait3A_164] : memref<300000xf32, #tpu.memory_space<hbm>> -> memref<2400xf32, #tpu.memory_space<hbm>>
        %dma_wait3A_166 = arith.constant 297600 : i32
        %dma_wait3A_167 = tpu.memref_slice %arg4[%dma_wait3A_166] : memref<300000xf32, #tpu.memory_space<hbm>> -> memref<2400xf32, #tpu.memory_space<hbm>>
        %dma_wait3A_168 = arith.constant 0 : i32
        %dma_wait3A_169 = tpu.memref_slice %arg8[%dma_wait3A_168] : memref<9600xf32, #tpu.memory_space<vmem>> -> memref<2400xf32, #tpu.memory_space<vmem>>
        tpu.wait_dma2 semaphore(%run_scoped3A_155 : memref<!tpu.dma_semaphore, #tpu.memory_space<semaphore_mem>>) src(%dma_wait3A_169 : memref<2400xf32, #tpu.memory_space<vmem>>) dst(%dma_wait3A_167 : memref<2400xf32, #tpu.memory_space<hbm>>)
        tpu.yield
      }) : () -> ()
    } else {
    }
    %barrier3A_149 = arith.constant 0 : index
    tpu.barrier barrier_id(%barrier3A_149)
    %eq3A_150 = arith.constant 0 : i32
    %eq3A_151 = arith.cmpi eq, %arg1, %eq3A_150 : i32
    %convert_element_type3A_152 = arith.extui %eq3A_151 : i1 to i32
    %cond3A_153 = arith.constant 0 : i32
    %cond3A_154 = arith.cmpi ne, %convert_element_type3A_152, %cond3A_153 : i32
    scf.if %cond3A_154 {
      "tpu.region"() ({
        %run_scoped3A_157 = tpu.sem_alloc : memref<!tpu.dma_semaphore, #tpu.memory_space<semaphore_mem>>
        tpu.enqueue_dma source(%arg12 : memref<64xf32, #tpu.memory_space<vmem_shared>>) target(%arg11 : memref<64xf32, #tpu.memory_space<vmem>>) target_semaphore(%run_scoped3A_157 : memref<!tpu.dma_semaphore, #tpu.memory_space<semaphore_mem>>)
        tpu.wait_dma2 semaphore(%run_scoped3A_157 : memref<!tpu.dma_semaphore, #tpu.memory_space<semaphore_mem>>) src(%arg12 : memref<64xf32, #tpu.memory_space<vmem_shared>>) dst(%arg11 : memref<64xf32, #tpu.memory_space<vmem>>)
        tpu.yield
      }) : () -> ()
      %mul3A_155 = arith.constant 64 : i32
      %mul3A_156 = arith.muli %arg0, %mul3A_155 : i32
      "tpu.region"() ({
        %run_scoped3A_157 = tpu.sem_alloc : memref<!tpu.dma_semaphore, #tpu.memory_space<semaphore_mem>>
        %dma_start3A = tpu.memref_slice %arg5[%mul3A_156] : memref<128xf32, #tpu.memory_space<hbm>> -> memref<64xf32, #tpu.memory_space<hbm>>
        %dma_start3A_158 = tpu.memref_slice %arg5[%mul3A_156] : memref<128xf32, #tpu.memory_space<hbm>> -> memref<64xf32, #tpu.memory_space<hbm>>
        tpu.enqueue_dma source(%arg11 : memref<64xf32, #tpu.memory_space<vmem>>) target(%dma_start3A_158 : memref<64xf32, #tpu.memory_space<hbm>>) target_semaphore(%run_scoped3A_157 : memref<!tpu.dma_semaphore, #tpu.memory_space<semaphore_mem>>)
        %dma_wait3A = tpu.memref_slice %arg5[%mul3A_156] : memref<128xf32, #tpu.memory_space<hbm>> -> memref<64xf32, #tpu.memory_space<hbm>>
        %dma_wait3A_159 = tpu.memref_slice %arg5[%mul3A_156] : memref<128xf32, #tpu.memory_space<hbm>> -> memref<64xf32, #tpu.memory_space<hbm>>
        tpu.wait_dma2 semaphore(%run_scoped3A_157 : memref<!tpu.dma_semaphore, #tpu.memory_space<semaphore_mem>>) src(%arg11 : memref<64xf32, #tpu.memory_space<vmem>>) dst(%dma_wait3A_159 : memref<64xf32, #tpu.memory_space<hbm>>)
        tpu.yield
      }) : () -> ()
    } else {
    }
    return
  }
}

#map = affine_map<(d0, d1) -> (0)>
module attributes {stable_mosaic.version = 14 : i64} {
  func.func @_edge_phase(%arg0: i32, %arg1: i32, %arg2: memref<3200000xf32, #tpu.memory_space<hbm>>, %arg3: memref<3200000xf32, #tpu.memory_space<hbm>>, %arg4: memref<3200000xf32, #tpu.memory_space<hbm>>, %arg5: memref<50000xi32, #tpu.memory_space<hbm>>, %arg6: memref<3200000xi32, #tpu.memory_space<hbm>>, %arg7: memref<3200000xi32, #tpu.memory_space<hbm>>, %arg8: memref<6400xf32, #tpu.memory_space<hbm>>, %arg9: memref<819200xf32, #tpu.memory_space<hbm>>, %arg10: memref<2000xf32, #tpu.memory_space<vmem>>, %arg11: memref<2000xf32, #tpu.memory_space<vmem>>, %arg12: memref<2000xf32, #tpu.memory_space<vmem>>, %arg13: memref<2000xi32, #tpu.memory_space<vmem>>, %arg14: memref<2000xi32, #tpu.memory_space<vmem>>, %arg15: memref<2000xf32, #tpu.memory_space<vmem>>, %arg16: memref<2000xf32, #tpu.memory_space<vmem>>, %arg17: memref<2000xf32, #tpu.memory_space<vmem>>, %arg18: memref<2000xf32, #tpu.memory_space<vmem>>, %arg19: memref<2000xf32, #tpu.memory_space<vmem>>, %arg20: memref<2000xf32, #tpu.memory_space<vmem>>, %arg21: memref<2000xf32, #tpu.memory_space<vmem>>, %arg22: memref<2000xf32, #tpu.memory_space<vmem>>, %arg23: memref<2000xf32, #tpu.memory_space<vmem>>, %arg24: memref<2000xf32, #tpu.memory_space<vmem>>, %arg25: memref<2000xi32, #tpu.memory_space<vmem>>, %arg26: memref<2000xi32, #tpu.memory_space<vmem>>, %arg27: memref<2000xf32, #tpu.memory_space<vmem>>, %arg28: memref<2000xf32, #tpu.memory_space<vmem>>, %arg29: memref<2000xf32, #tpu.memory_space<vmem>>, %arg30: memref<2000xf32, #tpu.memory_space<vmem>>, %arg31: memref<2000xf32, #tpu.memory_space<vmem>>, %arg32: memref<2000xf32, #tpu.memory_space<vmem>>, %arg33: memref<2000xf32, #tpu.memory_space<vmem>>, %arg34: memref<50000xi32, #tpu.memory_space<vmem>>, %arg35: memref<102400xf32, #tpu.memory_space<vmem_shared>>, %arg36: memref<102400xf32, #tpu.memory_space<vmem_shared>>, %arg37: memref<102400xf32, #tpu.memory_space<vmem_shared>>, %arg38: memref<102400xf32, #tpu.memory_space<vmem_shared>>, %arg39: memref<!tpu.dma_semaphore, #tpu.memory_space<semaphore_mem>>, %arg40: memref<!tpu.dma_semaphore, #tpu.memory_space<semaphore_mem>>, %arg41: memref<!tpu.dma_semaphore, #tpu.memory_space<semaphore_mem>>) attributes {dimension_semantics = [#tpu.dimension_semantics<core_parallel>, #tpu.dimension_semantics<subcore_parallel>], iteration_bounds = array<i64: 2, 16>, scalar_prefetch = 0 : i64, scratch_operands = 32 : i64, tpu.core_type = #tpu.core_type<sc_vector_subcore>, window_params = [{transform_indices = #map}, {transform_indices = #map}, {transform_indices = #map}, {transform_indices = #map}, {transform_indices = #map}, {transform_indices = #map}, {transform_indices = #map}, {transform_indices = #map}]} {
    %mul3A = arith.constant 2 : i32
    %mul3A_0 = arith.muli %arg1, %mul3A : i32
    %add3A = arith.addi %mul3A_0, %arg0 : i32
    %iota3A = tpu.iota {dimensions = array<i32: 0>} : vector<16xi32>
    "tpu.region"() ({
      %run_scoped3A = tpu.sem_alloc : memref<!tpu.dma_semaphore, #tpu.memory_space<semaphore_mem>>
      tpu.enqueue_dma source(%arg5 : memref<50000xi32, #tpu.memory_space<hbm>>) target(%arg34 : memref<50000xi32, #tpu.memory_space<vmem>>) target_semaphore(%run_scoped3A : memref<!tpu.dma_semaphore, #tpu.memory_space<semaphore_mem>>)
      tpu.wait_dma2 semaphore(%run_scoped3A : memref<!tpu.dma_semaphore, #tpu.memory_space<semaphore_mem>>) src(%arg5 : memref<50000xi32, #tpu.memory_space<hbm>>) dst(%arg34 : memref<50000xi32, #tpu.memory_space<vmem>>)
      tpu.yield
    }) : () -> ()
    %mul3A_1 = arith.constant 6400 : i32
    %mul3A_2 = arith.muli %arg1, %mul3A_1 : i32
    "tpu.region"() ({
      %run_scoped3A = tpu.sem_alloc : memref<!tpu.dma_semaphore, #tpu.memory_space<semaphore_mem>>
      %dma_start3A = tpu.memref_slice %arg35[%mul3A_2] : memref<102400xf32, #tpu.memory_space<vmem_shared>> -> memref<6400xf32, #tpu.memory_space<vmem_shared>>
      tpu.enqueue_dma source(%arg8 : memref<6400xf32, #tpu.memory_space<hbm>>) target(%dma_start3A : memref<6400xf32, #tpu.memory_space<vmem_shared>>) target_semaphore(%run_scoped3A : memref<!tpu.dma_semaphore, #tpu.memory_space<semaphore_mem>>)
      %dma_wait3A_77 = tpu.memref_slice %arg35[%mul3A_2] : memref<102400xf32, #tpu.memory_space<vmem_shared>> -> memref<6400xf32, #tpu.memory_space<vmem_shared>>
      tpu.wait_dma2 semaphore(%run_scoped3A : memref<!tpu.dma_semaphore, #tpu.memory_space<semaphore_mem>>) src(%arg8 : memref<6400xf32, #tpu.memory_space<hbm>>) dst(%dma_wait3A_77 : memref<6400xf32, #tpu.memory_space<vmem_shared>>)
      tpu.yield
    }) : () -> ()
    %mul3A_3 = arith.constant 6400 : i32
    %mul3A_4 = arith.muli %arg1, %mul3A_3 : i32
    "tpu.region"() ({
      %run_scoped3A = tpu.sem_alloc : memref<!tpu.dma_semaphore, #tpu.memory_space<semaphore_mem>>
      %dma_start3A = tpu.memref_slice %arg36[%mul3A_4] : memref<102400xf32, #tpu.memory_space<vmem_shared>> -> memref<6400xf32, #tpu.memory_space<vmem_shared>>
      tpu.enqueue_dma source(%arg8 : memref<6400xf32, #tpu.memory_space<hbm>>) target(%dma_start3A : memref<6400xf32, #tpu.memory_space<vmem_shared>>) target_semaphore(%run_scoped3A : memref<!tpu.dma_semaphore, #tpu.memory_space<semaphore_mem>>)
      %dma_wait3A_77 = tpu.memref_slice %arg36[%mul3A_4] : memref<102400xf32, #tpu.memory_space<vmem_shared>> -> memref<6400xf32, #tpu.memory_space<vmem_shared>>
      tpu.wait_dma2 semaphore(%run_scoped3A : memref<!tpu.dma_semaphore, #tpu.memory_space<semaphore_mem>>) src(%arg8 : memref<6400xf32, #tpu.memory_space<hbm>>) dst(%dma_wait3A_77 : memref<6400xf32, #tpu.memory_space<vmem_shared>>)
      tpu.yield
    }) : () -> ()
    %mul3A_5 = arith.constant 6400 : i32
    %mul3A_6 = arith.muli %arg1, %mul3A_5 : i32
    "tpu.region"() ({
      %run_scoped3A = tpu.sem_alloc : memref<!tpu.dma_semaphore, #tpu.memory_space<semaphore_mem>>
      %dma_start3A = tpu.memref_slice %arg37[%mul3A_6] : memref<102400xf32, #tpu.memory_space<vmem_shared>> -> memref<6400xf32, #tpu.memory_space<vmem_shared>>
      tpu.enqueue_dma source(%arg8 : memref<6400xf32, #tpu.memory_space<hbm>>) target(%dma_start3A : memref<6400xf32, #tpu.memory_space<vmem_shared>>) target_semaphore(%run_scoped3A : memref<!tpu.dma_semaphore, #tpu.memory_space<semaphore_mem>>)
      %dma_wait3A_77 = tpu.memref_slice %arg37[%mul3A_6] : memref<102400xf32, #tpu.memory_space<vmem_shared>> -> memref<6400xf32, #tpu.memory_space<vmem_shared>>
      tpu.wait_dma2 semaphore(%run_scoped3A : memref<!tpu.dma_semaphore, #tpu.memory_space<semaphore_mem>>) src(%arg8 : memref<6400xf32, #tpu.memory_space<hbm>>) dst(%dma_wait3A_77 : memref<6400xf32, #tpu.memory_space<vmem_shared>>)
      tpu.yield
    }) : () -> ()
    %mul3A_7 = arith.constant 6400 : i32
    %mul3A_8 = arith.muli %arg1, %mul3A_7 : i32
    "tpu.region"() ({
      %run_scoped3A = tpu.sem_alloc : memref<!tpu.dma_semaphore, #tpu.memory_space<semaphore_mem>>
      %dma_start3A = tpu.memref_slice %arg38[%mul3A_8] : memref<102400xf32, #tpu.memory_space<vmem_shared>> -> memref<6400xf32, #tpu.memory_space<vmem_shared>>
      tpu.enqueue_dma source(%arg8 : memref<6400xf32, #tpu.memory_space<hbm>>) target(%dma_start3A : memref<6400xf32, #tpu.memory_space<vmem_shared>>) target_semaphore(%run_scoped3A : memref<!tpu.dma_semaphore, #tpu.memory_space<semaphore_mem>>)
      %dma_wait3A_77 = tpu.memref_slice %arg38[%mul3A_8] : memref<102400xf32, #tpu.memory_space<vmem_shared>> -> memref<6400xf32, #tpu.memory_space<vmem_shared>>
      tpu.wait_dma2 semaphore(%run_scoped3A : memref<!tpu.dma_semaphore, #tpu.memory_space<semaphore_mem>>) src(%arg8 : memref<6400xf32, #tpu.memory_space<hbm>>) dst(%dma_wait3A_77 : memref<6400xf32, #tpu.memory_space<vmem_shared>>)
      tpu.yield
    }) : () -> ()
    %barrier3A = arith.constant 0 : index
    tpu.barrier barrier_id(%barrier3A)
    %scan3A = arith.constant 0 : i32
    %scan3A_9 = arith.constant 25 : i32
    %scan3A_10 = arith.addi %scan3A, %scan3A_9 : i32
    %scan3A_11 = arith.constant 1 : i32
    scf.for %scan3A_77 = %scan3A to %scan3A_10 step %scan3A_11  : i32 {
      %mul3A_78 = arith.constant 2 : i32
      %mul3A_79 = arith.muli %mul3A_78, %scan3A_77 : i32
      %add3A_80 = arith.constant 0 : i32
      %add3A_81 = arith.addi %mul3A_79, %add3A_80 : i32
      %mul3A_82 = arith.constant 32 : i32
      %mul3A_83 = arith.muli %mul3A_82, %add3A_81 : i32
      %add3A_84 = arith.addi %add3A, %mul3A_83 : i32
      %gt3A = arith.constant 0 : i32
      %gt3A_85 = arith.cmpi sgt, %scan3A_77, %gt3A : i32
      %convert_element_type3A = arith.extui %gt3A_85 : i1 to i32
      %cond3A = arith.constant 0 : i32
      %cond3A_86 = arith.cmpi ne, %convert_element_type3A, %cond3A : i32
      scf.if %cond3A_86 {
        %dma_wait3A_196 = arith.constant 0 : i32
        %dma_wait3A_197 = tpu.memref_slice %arg35[%dma_wait3A_196] : memref<102400xf32, #tpu.memory_space<vmem_shared>> -> memref<102400xf32, #tpu.memory_space<vmem_shared>>
        tpu.wait_indirect_dma semaphore(%arg40 : memref<!tpu.dma_semaphore, #tpu.memory_space<semaphore_mem>>) src(%arg15 : memref<2000xf32, #tpu.memory_space<vmem>>) dst(%dma_wait3A_197 : memref<102400xf32, #tpu.memory_space<vmem_shared>>)
        %dma_wait3A_198 = arith.constant 0 : i32
        %dma_wait3A_199 = tpu.memref_slice %arg36[%dma_wait3A_198] : memref<102400xf32, #tpu.memory_space<vmem_shared>> -> memref<102400xf32, #tpu.memory_space<vmem_shared>>
        tpu.wait_indirect_dma semaphore(%arg40 : memref<!tpu.dma_semaphore, #tpu.memory_space<semaphore_mem>>) src(%arg16 : memref<2000xf32, #tpu.memory_space<vmem>>) dst(%dma_wait3A_199 : memref<102400xf32, #tpu.memory_space<vmem_shared>>)
        %dma_wait3A_200 = arith.constant 0 : i32
        %dma_wait3A_201 = tpu.memref_slice %arg37[%dma_wait3A_200] : memref<102400xf32, #tpu.memory_space<vmem_shared>> -> memref<102400xf32, #tpu.memory_space<vmem_shared>>
        tpu.wait_indirect_dma semaphore(%arg40 : memref<!tpu.dma_semaphore, #tpu.memory_space<semaphore_mem>>) src(%arg17 : memref<2000xf32, #tpu.memory_space<vmem>>) dst(%dma_wait3A_201 : memref<102400xf32, #tpu.memory_space<vmem_shared>>)
        %dma_wait3A_202 = arith.constant 0 : i32
        %dma_wait3A_203 = tpu.memref_slice %arg38[%dma_wait3A_202] : memref<102400xf32, #tpu.memory_space<vmem_shared>> -> memref<102400xf32, #tpu.memory_space<vmem_shared>>
        tpu.wait_indirect_dma semaphore(%arg40 : memref<!tpu.dma_semaphore, #tpu.memory_space<semaphore_mem>>) src(%arg18 : memref<2000xf32, #tpu.memory_space<vmem>>) dst(%dma_wait3A_203 : memref<102400xf32, #tpu.memory_space<vmem_shared>>)
        %dma_wait3A_204 = arith.constant 0 : i32
        %dma_wait3A_205 = tpu.memref_slice %arg36[%dma_wait3A_204] : memref<102400xf32, #tpu.memory_space<vmem_shared>> -> memref<102400xf32, #tpu.memory_space<vmem_shared>>
        tpu.wait_indirect_dma semaphore(%arg40 : memref<!tpu.dma_semaphore, #tpu.memory_space<semaphore_mem>>) src(%arg19 : memref<2000xf32, #tpu.memory_space<vmem>>) dst(%dma_wait3A_205 : memref<102400xf32, #tpu.memory_space<vmem_shared>>)
        %dma_wait3A_206 = arith.constant 0 : i32
        %dma_wait3A_207 = tpu.memref_slice %arg37[%dma_wait3A_206] : memref<102400xf32, #tpu.memory_space<vmem_shared>> -> memref<102400xf32, #tpu.memory_space<vmem_shared>>
        tpu.wait_indirect_dma semaphore(%arg40 : memref<!tpu.dma_semaphore, #tpu.memory_space<semaphore_mem>>) src(%arg20 : memref<2000xf32, #tpu.memory_space<vmem>>) dst(%dma_wait3A_207 : memref<102400xf32, #tpu.memory_space<vmem_shared>>)
        %dma_wait3A_208 = arith.constant 0 : i32
        %dma_wait3A_209 = tpu.memref_slice %arg38[%dma_wait3A_208] : memref<102400xf32, #tpu.memory_space<vmem_shared>> -> memref<102400xf32, #tpu.memory_space<vmem_shared>>
        tpu.wait_indirect_dma semaphore(%arg40 : memref<!tpu.dma_semaphore, #tpu.memory_space<semaphore_mem>>) src(%arg21 : memref<2000xf32, #tpu.memory_space<vmem>>) dst(%dma_wait3A_209 : memref<102400xf32, #tpu.memory_space<vmem_shared>>)
      } else {
      }
      %mul3A_87 = arith.constant 2000 : i32
      %mul3A_88 = arith.muli %add3A_84, %mul3A_87 : i32
      %dma_start3A = tpu.memref_slice %arg6[%mul3A_88] : memref<3200000xi32, #tpu.memory_space<hbm>> -> memref<2000xi32, #tpu.memory_space<hbm>>
      %dma_start3A_89 = tpu.memref_slice %arg6[%mul3A_88] : memref<3200000xi32, #tpu.memory_space<hbm>> -> memref<2000xi32, #tpu.memory_space<hbm>>
      tpu.enqueue_dma source(%dma_start3A_89 : memref<2000xi32, #tpu.memory_space<hbm>>) target(%arg13 : memref<2000xi32, #tpu.memory_space<vmem>>) target_semaphore(%arg39 : memref<!tpu.dma_semaphore, #tpu.memory_space<semaphore_mem>>)
      %mul3A_90 = arith.constant 2000 : i32
      %mul3A_91 = arith.muli %add3A_84, %mul3A_90 : i32
      %dma_start3A_92 = tpu.memref_slice %arg7[%mul3A_91] : memref<3200000xi32, #tpu.memory_space<hbm>> -> memref<2000xi32, #tpu.memory_space<hbm>>
      %dma_start3A_93 = tpu.memref_slice %arg7[%mul3A_91] : memref<3200000xi32, #tpu.memory_space<hbm>> -> memref<2000xi32, #tpu.memory_space<hbm>>
      tpu.enqueue_dma source(%dma_start3A_93 : memref<2000xi32, #tpu.memory_space<hbm>>) target(%arg14 : memref<2000xi32, #tpu.memory_space<vmem>>) target_semaphore(%arg39 : memref<!tpu.dma_semaphore, #tpu.memory_space<semaphore_mem>>)
      %mul3A_94 = arith.constant 2000 : i32
      %mul3A_95 = arith.muli %add3A_84, %mul3A_94 : i32
      %dma_start3A_96 = tpu.memref_slice %arg2[%mul3A_95] : memref<3200000xf32, #tpu.memory_space<hbm>> -> memref<2000xf32, #tpu.memory_space<hbm>>
      %dma_start3A_97 = tpu.memref_slice %arg2[%mul3A_95] : memref<3200000xf32, #tpu.memory_space<hbm>> -> memref<2000xf32, #tpu.memory_space<hbm>>
      tpu.enqueue_dma source(%dma_start3A_97 : memref<2000xf32, #tpu.memory_space<hbm>>) target(%arg10 : memref<2000xf32, #tpu.memory_space<vmem>>) target_semaphore(%arg39 : memref<!tpu.dma_semaphore, #tpu.memory_space<semaphore_mem>>)
      %mul3A_98 = arith.constant 2000 : i32
      %mul3A_99 = arith.muli %add3A_84, %mul3A_98 : i32
      %dma_start3A_100 = tpu.memref_slice %arg3[%mul3A_99] : memref<3200000xf32, #tpu.memory_space<hbm>> -> memref<2000xf32, #tpu.memory_space<hbm>>
      %dma_start3A_101 = tpu.memref_slice %arg3[%mul3A_99] : memref<3200000xf32, #tpu.memory_space<hbm>> -> memref<2000xf32, #tpu.memory_space<hbm>>
      tpu.enqueue_dma source(%dma_start3A_101 : memref<2000xf32, #tpu.memory_space<hbm>>) target(%arg11 : memref<2000xf32, #tpu.memory_space<vmem>>) target_semaphore(%arg39 : memref<!tpu.dma_semaphore, #tpu.memory_space<semaphore_mem>>)
      %mul3A_102 = arith.constant 2000 : i32
      %mul3A_103 = arith.muli %add3A_84, %mul3A_102 : i32
      %dma_start3A_104 = tpu.memref_slice %arg4[%mul3A_103] : memref<3200000xf32, #tpu.memory_space<hbm>> -> memref<2000xf32, #tpu.memory_space<hbm>>
      %dma_start3A_105 = tpu.memref_slice %arg4[%mul3A_103] : memref<3200000xf32, #tpu.memory_space<hbm>> -> memref<2000xf32, #tpu.memory_space<hbm>>
      tpu.enqueue_dma source(%dma_start3A_105 : memref<2000xf32, #tpu.memory_space<hbm>>) target(%arg12 : memref<2000xf32, #tpu.memory_space<vmem>>) target_semaphore(%arg39 : memref<!tpu.dma_semaphore, #tpu.memory_space<semaphore_mem>>)
      %dma_wait3A_106 = tpu.memref_slice %arg6[%mul3A_88] : memref<3200000xi32, #tpu.memory_space<hbm>> -> memref<2000xi32, #tpu.memory_space<hbm>>
      %dma_wait3A_107 = tpu.memref_slice %arg6[%mul3A_88] : memref<3200000xi32, #tpu.memory_space<hbm>> -> memref<2000xi32, #tpu.memory_space<hbm>>
      tpu.wait_dma2 semaphore(%arg39 : memref<!tpu.dma_semaphore, #tpu.memory_space<semaphore_mem>>) src(%dma_wait3A_107 : memref<2000xi32, #tpu.memory_space<hbm>>) dst(%arg13 : memref<2000xi32, #tpu.memory_space<vmem>>)
      %dma_wait3A_108 = tpu.memref_slice %arg7[%mul3A_91] : memref<3200000xi32, #tpu.memory_space<hbm>> -> memref<2000xi32, #tpu.memory_space<hbm>>
      %dma_wait3A_109 = tpu.memref_slice %arg7[%mul3A_91] : memref<3200000xi32, #tpu.memory_space<hbm>> -> memref<2000xi32, #tpu.memory_space<hbm>>
      tpu.wait_dma2 semaphore(%arg39 : memref<!tpu.dma_semaphore, #tpu.memory_space<semaphore_mem>>) src(%dma_wait3A_109 : memref<2000xi32, #tpu.memory_space<hbm>>) dst(%arg14 : memref<2000xi32, #tpu.memory_space<vmem>>)
      %dma_wait3A_110 = tpu.memref_slice %arg2[%mul3A_95] : memref<3200000xf32, #tpu.memory_space<hbm>> -> memref<2000xf32, #tpu.memory_space<hbm>>
      %dma_wait3A_111 = tpu.memref_slice %arg2[%mul3A_95] : memref<3200000xf32, #tpu.memory_space<hbm>> -> memref<2000xf32, #tpu.memory_space<hbm>>
      tpu.wait_dma2 semaphore(%arg39 : memref<!tpu.dma_semaphore, #tpu.memory_space<semaphore_mem>>) src(%dma_wait3A_111 : memref<2000xf32, #tpu.memory_space<hbm>>) dst(%arg10 : memref<2000xf32, #tpu.memory_space<vmem>>)
      %dma_wait3A_112 = tpu.memref_slice %arg3[%mul3A_99] : memref<3200000xf32, #tpu.memory_space<hbm>> -> memref<2000xf32, #tpu.memory_space<hbm>>
      %dma_wait3A_113 = tpu.memref_slice %arg3[%mul3A_99] : memref<3200000xf32, #tpu.memory_space<hbm>> -> memref<2000xf32, #tpu.memory_space<hbm>>
      tpu.wait_dma2 semaphore(%arg39 : memref<!tpu.dma_semaphore, #tpu.memory_space<semaphore_mem>>) src(%dma_wait3A_113 : memref<2000xf32, #tpu.memory_space<hbm>>) dst(%arg11 : memref<2000xf32, #tpu.memory_space<vmem>>)
      %dma_wait3A_114 = tpu.memref_slice %arg4[%mul3A_103] : memref<3200000xf32, #tpu.memory_space<hbm>> -> memref<2000xf32, #tpu.memory_space<hbm>>
      %dma_wait3A_115 = tpu.memref_slice %arg4[%mul3A_103] : memref<3200000xf32, #tpu.memory_space<hbm>> -> memref<2000xf32, #tpu.memory_space<hbm>>
      tpu.wait_dma2 semaphore(%arg39 : memref<!tpu.dma_semaphore, #tpu.memory_space<semaphore_mem>>) src(%dma_wait3A_115 : memref<2000xf32, #tpu.memory_space<hbm>>) dst(%arg12 : memref<2000xf32, #tpu.memory_space<vmem>>)
      %scan3A_116 = arith.constant 0 : i32
      %scan3A_117 = arith.constant 125 : i32
      %scan3A_118 = arith.addi %scan3A_116, %scan3A_117 : i32
      %scan3A_119 = arith.constant 1 : i32
      scf.for %scan3A_196 = %scan3A_116 to %scan3A_118 step %scan3A_119  : i32 {
        %mul3A_197 = arith.constant 16 : i32
        %mul3A_198 = arith.muli %scan3A_196, %mul3A_197 : i32
        %get3A = arith.index_cast %mul3A_198 : i32 to index
        %get3A_199 = tpu.vector_load %arg13[%get3A] {strides = array<i32>} : memref<2000xi32, #tpu.memory_space<vmem>>, vector<16xi32>,
        %shift_right_logical3A = arith.constant 1 : i32
        %shift_right_logical3A_200 = vector.broadcast %shift_right_logical3A : i32 to vector<16xi32>
        %shift_right_logical3A_201 = arith.shrui %get3A_199, %shift_right_logical3A_200 : vector<16xi32>
        %gather3A = tpu.vector_load_idx %arg34[%shift_right_logical3A_201] : memref<50000xi32, #tpu.memory_space<vmem>>[vector<16xi32>], vector<16xi32>,
        %and3A = arith.constant 1 : i32
        %and3A_202 = vector.broadcast %and3A : i32 to vector<16xi32>
        %and3A_203 = arith.andi %get3A_199, %and3A_202 : vector<16xi32>
        %shift_left3A = arith.constant 4 : i32
        %shift_left3A_204 = vector.broadcast %shift_left3A : i32 to vector<16xi32>
        %shift_left3A_205 = arith.shli %and3A_203, %shift_left3A_204 : vector<16xi32>
        %shift_right_logical3A_206 = arith.shrui %gather3A, %shift_left3A_205 : vector<16xi32>
        %and3A_207 = arith.constant 65535 : i32
        %and3A_208 = vector.broadcast %and3A_207 : i32 to vector<16xi32>
        %and3A_209 = arith.andi %shift_right_logical3A_206, %and3A_208 : vector<16xi32>
        %shift_left3A_210 = arith.constant 16 : i32
        %shift_left3A_211 = vector.broadcast %shift_left3A_210 : i32 to vector<16xi32>
        %shift_left3A_212 = arith.shli %and3A_209, %shift_left3A_211 : vector<16xi32>
        %bitcast_convert_type3A = tpu.bitcast %shift_left3A_212 : vector<16xi32> -> vector<16xf32>
        %get3A_213 = arith.index_cast %mul3A_198 : i32 to index
        %get3A_214 = tpu.vector_load %arg14[%get3A_213] {strides = array<i32>} : memref<2000xi32, #tpu.memory_space<vmem>>, vector<16xi32>,
        %shift_right_logical3A_215 = arith.constant 1 : i32
        %shift_right_logical3A_216 = vector.broadcast %shift_right_logical3A_215 : i32 to vector<16xi32>
        %shift_right_logical3A_217 = arith.shrui %get3A_214, %shift_right_logical3A_216 : vector<16xi32>
        %gather3A_218 = tpu.vector_load_idx %arg34[%shift_right_logical3A_217] : memref<50000xi32, #tpu.memory_space<vmem>>[vector<16xi32>], vector<16xi32>,
        %and3A_219 = arith.constant 1 : i32
        %and3A_220 = vector.broadcast %and3A_219 : i32 to vector<16xi32>
        %and3A_221 = arith.andi %get3A_214, %and3A_220 : vector<16xi32>
        %shift_left3A_222 = arith.constant 4 : i32
        %shift_left3A_223 = vector.broadcast %shift_left3A_222 : i32 to vector<16xi32>
        %shift_left3A_224 = arith.shli %and3A_221, %shift_left3A_223 : vector<16xi32>
        %shift_right_logical3A_225 = arith.shrui %gather3A_218, %shift_left3A_224 : vector<16xi32>
        %and3A_226 = arith.constant 65535 : i32
        %and3A_227 = vector.broadcast %and3A_226 : i32 to vector<16xi32>
        %and3A_228 = arith.andi %shift_right_logical3A_225, %and3A_227 : vector<16xi32>
        %shift_left3A_229 = arith.constant 16 : i32
        %shift_left3A_230 = vector.broadcast %shift_left3A_229 : i32 to vector<16xi32>
        %shift_left3A_231 = arith.shli %and3A_228, %shift_left3A_230 : vector<16xi32>
        %bitcast_convert_type3A_232 = tpu.bitcast %shift_left3A_231 : vector<16xi32> -> vector<16xf32>
        %get3A_233 = arith.index_cast %mul3A_198 : i32 to index
        %get3A_234 = tpu.vector_load %arg10[%get3A_233] {strides = array<i32>} : memref<2000xf32, #tpu.memory_space<vmem>>, vector<16xf32>,
        %get3A_235 = arith.index_cast %mul3A_198 : i32 to index
        %get3A_236 = tpu.vector_load %arg11[%get3A_235] {strides = array<i32>} : memref<2000xf32, #tpu.memory_space<vmem>>, vector<16xf32>,
        %get3A_237 = arith.index_cast %mul3A_198 : i32 to index
        %get3A_238 = tpu.vector_load %arg12[%get3A_237] {strides = array<i32>} : memref<2000xf32, #tpu.memory_space<vmem>>, vector<16xf32>,
        %mul3A_239 = arith.mulf %get3A_234, %get3A_234 : vector<16xf32>
        %mul3A_240 = arith.mulf %get3A_236, %get3A_236 : vector<16xf32>
        %add3A_241 = arith.addf %mul3A_239, %mul3A_240 : vector<16xf32>
        %mul3A_242 = arith.mulf %get3A_238, %get3A_238 : vector<16xf32>
        %add3A_243 = arith.addf %add3A_241, %mul3A_242 : vector<16xf32>
        %bitcast_convert_type3A_244 = tpu.bitcast %add3A_243 : vector<16xf32> -> vector<16xi32>
        %shift_right_logical3A_245 = arith.constant 1 : i32
        %shift_right_logical3A_246 = vector.broadcast %shift_right_logical3A_245 : i32 to vector<16xi32>
        %shift_right_logical3A_247 = arith.shrui %bitcast_convert_type3A_244, %shift_right_logical3A_246 : vector<16xi32>
        %sub3A = arith.constant 1597463007 : i32
        %sub3A_248 = vector.broadcast %sub3A : i32 to vector<16xi32>
        %sub3A_249 = arith.subi %sub3A_248, %shift_right_logical3A_247 : vector<16xi32>
        %bitcast_convert_type3A_250 = tpu.bitcast %sub3A_249 : vector<16xi32> -> vector<16xf32>
        %mul3A_251 = arith.constant 5.000000e-01 : f32
        %mul3A_252 = vector.broadcast %mul3A_251 : f32 to vector<16xf32>
        %mul3A_253 = arith.mulf %mul3A_252, %add3A_243 : vector<16xf32>
        %mul3A_254 = arith.mulf %mul3A_253, %bitcast_convert_type3A_250 : vector<16xf32>
        %mul3A_255 = arith.mulf %mul3A_254, %bitcast_convert_type3A_250 : vector<16xf32>
        %sub3A_256 = arith.constant 1.500000e+00 : f32
        %sub3A_257 = vector.broadcast %sub3A_256 : f32 to vector<16xf32>
        %sub3A_258 = arith.subf %sub3A_257, %mul3A_255 : vector<16xf32>
        %mul3A_259 = arith.mulf %bitcast_convert_type3A_250, %sub3A_258 : vector<16xf32>
        %mul3A_260 = arith.mulf %mul3A_253, %mul3A_259 : vector<16xf32>
        %mul3A_261 = arith.mulf %mul3A_260, %mul3A_259 : vector<16xf32>
        %sub3A_262 = arith.constant 1.500000e+00 : f32
        %sub3A_263 = vector.broadcast %sub3A_262 : f32 to vector<16xf32>
        %sub3A_264 = arith.subf %sub3A_263, %mul3A_261 : vector<16xf32>
        %mul3A_265 = arith.mulf %mul3A_259, %sub3A_264 : vector<16xf32>
        %mul3A_266 = arith.mulf %add3A_243, %mul3A_265 : vector<16xf32>
        %lt3A = arith.constant 2.200000e+00 : f32
        %lt3A_267 = vector.broadcast %lt3A : f32 to vector<16xf32>
        %lt3A_268 = arith.cmpf olt, %mul3A_266, %lt3A_267 : vector<16xf32>
        %mul3A_269 = arith.constant 8.500000e+00 : f32
        %mul3A_270 = vector.broadcast %mul3A_269 : f32 to vector<16xf32>
        %mul3A_271 = arith.mulf %mul3A_270, %mul3A_266 : vector<16xf32>
        %sub3A_272 = arith.constant 1.870000e+01 : f32
        %sub3A_273 = vector.broadcast %sub3A_272 : f32 to vector<16xf32>
        %sub3A_274 = arith.subf %mul3A_271, %sub3A_273 : vector<16xf32>
        %exp3A = math.exp %sub3A_274 : vector<16xf32>
        %jit3A = arith.constant 1.000000e+00 : f32
        %broadcast_in_dim3A = vector.broadcast %jit3A : f32 to vector<16xf32>
        %select_n3A = arith.select %lt3A_268, %exp3A, %broadcast_in_dim3A : vector<16xi1>, vector<16xf32>
        %mul3A_275 = arith.mulf %bitcast_convert_type3A, %bitcast_convert_type3A_232 : vector<16xf32>
        %mul3A_276 = arith.constant 14.3996458 : f32
        %mul3A_277 = vector.broadcast %mul3A_276 : f32 to vector<16xf32>
        %mul3A_278 = arith.mulf %mul3A_277, %mul3A_275 : vector<16xf32>
        %mul3A_279 = arith.mulf %mul3A_278, %mul3A_265 : vector<16xf32>
        %mul3A_280 = arith.mulf %mul3A_279, %select_n3A : vector<16xf32>
        %mul3A_281 = arith.mulf %mul3A_265, %mul3A_265 : vector<16xf32>
        %mul3A_282 = arith.mulf %mul3A_280, %mul3A_281 : vector<16xf32>
        %mul3A_283 = arith.mulf %get3A_234, %mul3A_282 : vector<16xf32>
        %mul3A_284 = arith.mulf %get3A_236, %mul3A_282 : vector<16xf32>
        %mul3A_285 = arith.mulf %get3A_238, %mul3A_282 : vector<16xf32>
        %mul3A_286 = arith.constant 5.000000e-01 : f32
        %mul3A_287 = vector.broadcast %mul3A_286 : f32 to vector<16xf32>
        %mul3A_288 = arith.mulf %mul3A_287, %mul3A_280 : vector<16xf32>
        %swap3A = arith.index_cast %mul3A_198 : i32 to index
        %swap3A_289 = tpu.vector_load %arg15[%swap3A] {strides = array<i32>} : memref<2000xf32, #tpu.memory_space<vmem>>, vector<16xf32>,
        tpu.vector_store %arg15[%swap3A], %mul3A_288 {strides = array<i32>} : memref<2000xf32, #tpu.memory_space<vmem>>, vector<16xf32>,
        %swap3A_290 = arith.index_cast %mul3A_198 : i32 to index
        %swap3A_291 = tpu.vector_load %arg16[%swap3A_290] {strides = array<i32>} : memref<2000xf32, #tpu.memory_space<vmem>>, vector<16xf32>,
        tpu.vector_store %arg16[%swap3A_290], %mul3A_283 {strides = array<i32>} : memref<2000xf32, #tpu.memory_space<vmem>>, vector<16xf32>,
        %swap3A_292 = arith.index_cast %mul3A_198 : i32 to index
        %swap3A_293 = tpu.vector_load %arg17[%swap3A_292] {strides = array<i32>} : memref<2000xf32, #tpu.memory_space<vmem>>, vector<16xf32>,
        tpu.vector_store %arg17[%swap3A_292], %mul3A_284 {strides = array<i32>} : memref<2000xf32, #tpu.memory_space<vmem>>, vector<16xf32>,
        %swap3A_294 = arith.index_cast %mul3A_198 : i32 to index
        %swap3A_295 = tpu.vector_load %arg18[%swap3A_294] {strides = array<i32>} : memref<2000xf32, #tpu.memory_space<vmem>>, vector<16xf32>,
        tpu.vector_store %arg18[%swap3A_294], %mul3A_285 {strides = array<i32>} : memref<2000xf32, #tpu.memory_space<vmem>>, vector<16xf32>,
        %neg3A = arith.constant 0.000000e+00 : f32
        %neg3A_296 = vector.broadcast %neg3A : f32 to vector<16xf32>
        %neg3A_297 = arith.subf %neg3A_296, %mul3A_283 : vector<16xf32>
        %swap3A_298 = arith.index_cast %mul3A_198 : i32 to index
        %swap3A_299 = tpu.vector_load %arg19[%swap3A_298] {strides = array<i32>} : memref<2000xf32, #tpu.memory_space<vmem>>, vector<16xf32>,
        tpu.vector_store %arg19[%swap3A_298], %neg3A_297 {strides = array<i32>} : memref<2000xf32, #tpu.memory_space<vmem>>, vector<16xf32>,
        %neg3A_300 = arith.constant 0.000000e+00 : f32
        %neg3A_301 = vector.broadcast %neg3A_300 : f32 to vector<16xf32>
        %neg3A_302 = arith.subf %neg3A_301, %mul3A_284 : vector<16xf32>
        %swap3A_303 = arith.index_cast %mul3A_198 : i32 to index
        %swap3A_304 = tpu.vector_load %arg20[%swap3A_303] {strides = array<i32>} : memref<2000xf32, #tpu.memory_space<vmem>>, vector<16xf32>,
        tpu.vector_store %arg20[%swap3A_303], %neg3A_302 {strides = array<i32>} : memref<2000xf32, #tpu.memory_space<vmem>>, vector<16xf32>,
        %neg3A_305 = arith.constant 0.000000e+00 : f32
        %neg3A_306 = vector.broadcast %neg3A_305 : f32 to vector<16xf32>
        %neg3A_307 = arith.subf %neg3A_306, %mul3A_285 : vector<16xf32>
        %swap3A_308 = arith.index_cast %mul3A_198 : i32 to index
        %swap3A_309 = tpu.vector_load %arg21[%swap3A_308] {strides = array<i32>} : memref<2000xf32, #tpu.memory_space<vmem>>, vector<16xf32>,
        tpu.vector_store %arg21[%swap3A_308], %neg3A_307 {strides = array<i32>} : memref<2000xf32, #tpu.memory_space<vmem>>, vector<16xf32>,
      }
      %scan3A_120 = arith.constant 125 : i32
      %dma_start3A_121 = arith.constant 0 : i32
      %dma_start3A_122 = tpu.memref_slice %arg35[%dma_start3A_121] : memref<102400xf32, #tpu.memory_space<vmem_shared>> -> memref<102400xf32, #tpu.memory_space<vmem_shared>>
      tpu.enqueue_indirect_dma source(%arg15 : memref<2000xf32, #tpu.memory_space<vmem>>) target(%dma_start3A_122 : memref<102400xf32, #tpu.memory_space<vmem_shared>>) offsets(%arg13 : memref<2000xi32, #tpu.memory_space<vmem>>) semaphore(%arg40 : memref<!tpu.dma_semaphore, #tpu.memory_space<semaphore_mem>>) {add = true}
      %dma_start3A_123 = arith.constant 0 : i32
      %dma_start3A_124 = tpu.memref_slice %arg36[%dma_start3A_123] : memref<102400xf32, #tpu.memory_space<vmem_shared>> -> memref<102400xf32, #tpu.memory_space<vmem_shared>>
      tpu.enqueue_indirect_dma source(%arg16 : memref<2000xf32, #tpu.memory_space<vmem>>) target(%dma_start3A_124 : memref<102400xf32, #tpu.memory_space<vmem_shared>>) offsets(%arg13 : memref<2000xi32, #tpu.memory_space<vmem>>) semaphore(%arg40 : memref<!tpu.dma_semaphore, #tpu.memory_space<semaphore_mem>>) {add = true}
      %dma_start3A_125 = arith.constant 0 : i32
      %dma_start3A_126 = tpu.memref_slice %arg37[%dma_start3A_125] : memref<102400xf32, #tpu.memory_space<vmem_shared>> -> memref<102400xf32, #tpu.memory_space<vmem_shared>>
      tpu.enqueue_indirect_dma source(%arg17 : memref<2000xf32, #tpu.memory_space<vmem>>) target(%dma_start3A_126 : memref<102400xf32, #tpu.memory_space<vmem_shared>>) offsets(%arg13 : memref<2000xi32, #tpu.memory_space<vmem>>) semaphore(%arg40 : memref<!tpu.dma_semaphore, #tpu.memory_space<semaphore_mem>>) {add = true}
      %dma_start3A_127 = arith.constant 0 : i32
      %dma_start3A_128 = tpu.memref_slice %arg38[%dma_start3A_127] : memref<102400xf32, #tpu.memory_space<vmem_shared>> -> memref<102400xf32, #tpu.memory_space<vmem_shared>>
      tpu.enqueue_indirect_dma source(%arg18 : memref<2000xf32, #tpu.memory_space<vmem>>) target(%dma_start3A_128 : memref<102400xf32, #tpu.memory_space<vmem_shared>>) offsets(%arg13 : memref<2000xi32, #tpu.memory_space<vmem>>) semaphore(%arg40 : memref<!tpu.dma_semaphore, #tpu.memory_space<semaphore_mem>>) {add = true}
      %dma_start3A_129 = arith.constant 0 : i32
      %dma_start3A_130 = tpu.memref_slice %arg36[%dma_start3A_129] : memref<102400xf32, #tpu.memory_space<vmem_shared>> -> memref<102400xf32, #tpu.memory_space<vmem_shared>>
      tpu.enqueue_indirect_dma source(%arg19 : memref<2000xf32, #tpu.memory_space<vmem>>) target(%dma_start3A_130 : memref<102400xf32, #tpu.memory_space<vmem_shared>>) offsets(%arg14 : memref<2000xi32, #tpu.memory_space<vmem>>) semaphore(%arg40 : memref<!tpu.dma_semaphore, #tpu.memory_space<semaphore_mem>>) {add = true}
      %dma_start3A_131 = arith.constant 0 : i32
      %dma_start3A_132 = tpu.memref_slice %arg37[%dma_start3A_131] : memref<102400xf32, #tpu.memory_space<vmem_shared>> -> memref<102400xf32, #tpu.memory_space<vmem_shared>>
      tpu.enqueue_indirect_dma source(%arg20 : memref<2000xf32, #tpu.memory_space<vmem>>) target(%dma_start3A_132 : memref<102400xf32, #tpu.memory_space<vmem_shared>>) offsets(%arg14 : memref<2000xi32, #tpu.memory_space<vmem>>) semaphore(%arg40 : memref<!tpu.dma_semaphore, #tpu.memory_space<semaphore_mem>>) {add = true}
      %dma_start3A_133 = arith.constant 0 : i32
      %dma_start3A_134 = tpu.memref_slice %arg38[%dma_start3A_133] : memref<102400xf32, #tpu.memory_space<vmem_shared>> -> memref<102400xf32, #tpu.memory_space<vmem_shared>>
      tpu.enqueue_indirect_dma source(%arg21 : memref<2000xf32, #tpu.memory_space<vmem>>) target(%dma_start3A_134 : memref<102400xf32, #tpu.memory_space<vmem_shared>>) offsets(%arg14 : memref<2000xi32, #tpu.memory_space<vmem>>) semaphore(%arg40 : memref<!tpu.dma_semaphore, #tpu.memory_space<semaphore_mem>>) {add = true}
      %mul3A_135 = arith.constant 2 : i32
      %mul3A_136 = arith.muli %mul3A_135, %scan3A_77 : i32
      %add3A_137 = arith.constant 1 : i32
      %add3A_138 = arith.addi %mul3A_136, %add3A_137 : i32
      %mul3A_139 = arith.constant 32 : i32
      %mul3A_140 = arith.muli %mul3A_139, %add3A_138 : i32
      %add3A_141 = arith.addi %add3A, %mul3A_140 : i32
      %gt3A_142 = arith.constant 0 : i32
      %gt3A_143 = arith.cmpi sgt, %scan3A_77, %gt3A_142 : i32
      %convert_element_type3A_144 = arith.extui %gt3A_143 : i1 to i32
      %cond3A_145 = arith.constant 0 : i32
      %cond3A_146 = arith.cmpi ne, %convert_element_type3A_144, %cond3A_145 : i32
      scf.if %cond3A_146 {
        %dma_wait3A_196 = arith.constant 0 : i32
        %dma_wait3A_197 = tpu.memref_slice %arg35[%dma_wait3A_196] : memref<102400xf32, #tpu.memory_space<vmem_shared>> -> memref<102400xf32, #tpu.memory_space<vmem_shared>>
        tpu.wait_indirect_dma semaphore(%arg41 : memref<!tpu.dma_semaphore, #tpu.memory_space<semaphore_mem>>) src(%arg27 : memref<2000xf32, #tpu.memory_space<vmem>>) dst(%dma_wait3A_197 : memref<102400xf32, #tpu.memory_space<vmem_shared>>)
        %dma_wait3A_198 = arith.constant 0 : i32
        %dma_wait3A_199 = tpu.memref_slice %arg36[%dma_wait3A_198] : memref<102400xf32, #tpu.memory_space<vmem_shared>> -> memref<102400xf32, #tpu.memory_space<vmem_shared>>
        tpu.wait_indirect_dma semaphore(%arg41 : memref<!tpu.dma_semaphore, #tpu.memory_space<semaphore_mem>>) src(%arg28 : memref<2000xf32, #tpu.memory_space<vmem>>) dst(%dma_wait3A_199 : memref<102400xf32, #tpu.memory_space<vmem_shared>>)
        %dma_wait3A_200 = arith.constant 0 : i32
        %dma_wait3A_201 = tpu.memref_slice %arg37[%dma_wait3A_200] : memref<102400xf32, #tpu.memory_space<vmem_shared>> -> memref<102400xf32, #tpu.memory_space<vmem_shared>>
        tpu.wait_indirect_dma semaphore(%arg41 : memref<!tpu.dma_semaphore, #tpu.memory_space<semaphore_mem>>) src(%arg29 : memref<2000xf32, #tpu.memory_space<vmem>>) dst(%dma_wait3A_201 : memref<102400xf32, #tpu.memory_space<vmem_shared>>)
        %dma_wait3A_202 = arith.constant 0 : i32
        %dma_wait3A_203 = tpu.memref_slice %arg38[%dma_wait3A_202] : memref<102400xf32, #tpu.memory_space<vmem_shared>> -> memref<102400xf32, #tpu.memory_space<vmem_shared>>
        tpu.wait_indirect_dma semaphore(%arg41 : memref<!tpu.dma_semaphore, #tpu.memory_space<semaphore_mem>>) src(%arg30 : memref<2000xf32, #tpu.memory_space<vmem>>) dst(%dma_wait3A_203 : memref<102400xf32, #tpu.memory_space<vmem_shared>>)
        %dma_wait3A_204 = arith.constant 0 : i32
        %dma_wait3A_205 = tpu.memref_slice %arg36[%dma_wait3A_204] : memref<102400xf32, #tpu.memory_space<vmem_shared>> -> memref<102400xf32, #tpu.memory_space<vmem_shared>>
        tpu.wait_indirect_dma semaphore(%arg41 : memref<!tpu.dma_semaphore, #tpu.memory_space<semaphore_mem>>) src(%arg31 : memref<2000xf32, #tpu.memory_space<vmem>>) dst(%dma_wait3A_205 : memref<102400xf32, #tpu.memory_space<vmem_shared>>)
        %dma_wait3A_206 = arith.constant 0 : i32
        %dma_wait3A_207 = tpu.memref_slice %arg37[%dma_wait3A_206] : memref<102400xf32, #tpu.memory_space<vmem_shared>> -> memref<102400xf32, #tpu.memory_space<vmem_shared>>
        tpu.wait_indirect_dma semaphore(%arg41 : memref<!tpu.dma_semaphore, #tpu.memory_space<semaphore_mem>>) src(%arg32 : memref<2000xf32, #tpu.memory_space<vmem>>) dst(%dma_wait3A_207 : memref<102400xf32, #tpu.memory_space<vmem_shared>>)
        %dma_wait3A_208 = arith.constant 0 : i32
        %dma_wait3A_209 = tpu.memref_slice %arg38[%dma_wait3A_208] : memref<102400xf32, #tpu.memory_space<vmem_shared>> -> memref<102400xf32, #tpu.memory_space<vmem_shared>>
        tpu.wait_indirect_dma semaphore(%arg41 : memref<!tpu.dma_semaphore, #tpu.memory_space<semaphore_mem>>) src(%arg33 : memref<2000xf32, #tpu.memory_space<vmem>>) dst(%dma_wait3A_209 : memref<102400xf32, #tpu.memory_space<vmem_shared>>)
      } else {
      }
      %mul3A_147 = arith.constant 2000 : i32
      %mul3A_148 = arith.muli %add3A_141, %mul3A_147 : i32
      %dma_start3A_149 = tpu.memref_slice %arg6[%mul3A_148] : memref<3200000xi32, #tpu.memory_space<hbm>> -> memref<2000xi32, #tpu.memory_space<hbm>>
      %dma_start3A_150 = tpu.memref_slice %arg6[%mul3A_148] : memref<3200000xi32, #tpu.memory_space<hbm>> -> memref<2000xi32, #tpu.memory_space<hbm>>
      tpu.enqueue_dma source(%dma_start3A_150 : memref<2000xi32, #tpu.memory_space<hbm>>) target(%arg25 : memref<2000xi32, #tpu.memory_space<vmem>>) target_semaphore(%arg39 : memref<!tpu.dma_semaphore, #tpu.memory_space<semaphore_mem>>)
      %mul3A_151 = arith.constant 2000 : i32
      %mul3A_152 = arith.muli %add3A_141, %mul3A_151 : i32
      %dma_start3A_153 = tpu.memref_slice %arg7[%mul3A_152] : memref<3200000xi32, #tpu.memory_space<hbm>> -> memref<2000xi32, #tpu.memory_space<hbm>>
      %dma_start3A_154 = tpu.memref_slice %arg7[%mul3A_152] : memref<3200000xi32, #tpu.memory_space<hbm>> -> memref<2000xi32, #tpu.memory_space<hbm>>
      tpu.enqueue_dma source(%dma_start3A_154 : memref<2000xi32, #tpu.memory_space<hbm>>) target(%arg26 : memref<2000xi32, #tpu.memory_space<vmem>>) target_semaphore(%arg39 : memref<!tpu.dma_semaphore, #tpu.memory_space<semaphore_mem>>)
      %mul3A_155 = arith.constant 2000 : i32
      %mul3A_156 = arith.muli %add3A_141, %mul3A_155 : i32
      %dma_start3A_157 = tpu.memref_slice %arg2[%mul3A_156] : memref<3200000xf32, #tpu.memory_space<hbm>> -> memref<2000xf32, #tpu.memory_space<hbm>>
      %dma_start3A_158 = tpu.memref_slice %arg2[%mul3A_156] : memref<3200000xf32, #tpu.memory_space<hbm>> -> memref<2000xf32, #tpu.memory_space<hbm>>
      tpu.enqueue_dma source(%dma_start3A_158 : memref<2000xf32, #tpu.memory_space<hbm>>) target(%arg22 : memref<2000xf32, #tpu.memory_space<vmem>>) target_semaphore(%arg39 : memref<!tpu.dma_semaphore, #tpu.memory_space<semaphore_mem>>)
      %mul3A_159 = arith.constant 2000 : i32
      %mul3A_160 = arith.muli %add3A_141, %mul3A_159 : i32
      %dma_start3A_161 = tpu.memref_slice %arg3[%mul3A_160] : memref<3200000xf32, #tpu.memory_space<hbm>> -> memref<2000xf32, #tpu.memory_space<hbm>>
      %dma_start3A_162 = tpu.memref_slice %arg3[%mul3A_160] : memref<3200000xf32, #tpu.memory_space<hbm>> -> memref<2000xf32, #tpu.memory_space<hbm>>
      tpu.enqueue_dma source(%dma_start3A_162 : memref<2000xf32, #tpu.memory_space<hbm>>) target(%arg23 : memref<2000xf32, #tpu.memory_space<vmem>>) target_semaphore(%arg39 : memref<!tpu.dma_semaphore, #tpu.memory_space<semaphore_mem>>)
      %mul3A_163 = arith.constant 2000 : i32
      %mul3A_164 = arith.muli %add3A_141, %mul3A_163 : i32
      %dma_start3A_165 = tpu.memref_slice %arg4[%mul3A_164] : memref<3200000xf32, #tpu.memory_space<hbm>> -> memref<2000xf32, #tpu.memory_space<hbm>>
      %dma_start3A_166 = tpu.memref_slice %arg4[%mul3A_164] : memref<3200000xf32, #tpu.memory_space<hbm>> -> memref<2000xf32, #tpu.memory_space<hbm>>
      tpu.enqueue_dma source(%dma_start3A_166 : memref<2000xf32, #tpu.memory_space<hbm>>) target(%arg24 : memref<2000xf32, #tpu.memory_space<vmem>>) target_semaphore(%arg39 : memref<!tpu.dma_semaphore, #tpu.memory_space<semaphore_mem>>)
      %dma_wait3A_167 = tpu.memref_slice %arg6[%mul3A_148] : memref<3200000xi32, #tpu.memory_space<hbm>> -> memref<2000xi32, #tpu.memory_space<hbm>>
      %dma_wait3A_168 = tpu.memref_slice %arg6[%mul3A_148] : memref<3200000xi32, #tpu.memory_space<hbm>> -> memref<2000xi32, #tpu.memory_space<hbm>>
      tpu.wait_dma2 semaphore(%arg39 : memref<!tpu.dma_semaphore, #tpu.memory_space<semaphore_mem>>) src(%dma_wait3A_168 : memref<2000xi32, #tpu.memory_space<hbm>>) dst(%arg25 : memref<2000xi32, #tpu.memory_space<vmem>>)
      %dma_wait3A_169 = tpu.memref_slice %arg7[%mul3A_152] : memref<3200000xi32, #tpu.memory_space<hbm>> -> memref<2000xi32, #tpu.memory_space<hbm>>
      %dma_wait3A_170 = tpu.memref_slice %arg7[%mul3A_152] : memref<3200000xi32, #tpu.memory_space<hbm>> -> memref<2000xi32, #tpu.memory_space<hbm>>
      tpu.wait_dma2 semaphore(%arg39 : memref<!tpu.dma_semaphore, #tpu.memory_space<semaphore_mem>>) src(%dma_wait3A_170 : memref<2000xi32, #tpu.memory_space<hbm>>) dst(%arg26 : memref<2000xi32, #tpu.memory_space<vmem>>)
      %dma_wait3A_171 = tpu.memref_slice %arg2[%mul3A_156] : memref<3200000xf32, #tpu.memory_space<hbm>> -> memref<2000xf32, #tpu.memory_space<hbm>>
      %dma_wait3A_172 = tpu.memref_slice %arg2[%mul3A_156] : memref<3200000xf32, #tpu.memory_space<hbm>> -> memref<2000xf32, #tpu.memory_space<hbm>>
      tpu.wait_dma2 semaphore(%arg39 : memref<!tpu.dma_semaphore, #tpu.memory_space<semaphore_mem>>) src(%dma_wait3A_172 : memref<2000xf32, #tpu.memory_space<hbm>>) dst(%arg22 : memref<2000xf32, #tpu.memory_space<vmem>>)
      %dma_wait3A_173 = tpu.memref_slice %arg3[%mul3A_160] : memref<3200000xf32, #tpu.memory_space<hbm>> -> memref<2000xf32, #tpu.memory_space<hbm>>
      %dma_wait3A_174 = tpu.memref_slice %arg3[%mul3A_160] : memref<3200000xf32, #tpu.memory_space<hbm>> -> memref<2000xf32, #tpu.memory_space<hbm>>
      tpu.wait_dma2 semaphore(%arg39 : memref<!tpu.dma_semaphore, #tpu.memory_space<semaphore_mem>>) src(%dma_wait3A_174 : memref<2000xf32, #tpu.memory_space<hbm>>) dst(%arg23 : memref<2000xf32, #tpu.memory_space<vmem>>)
      %dma_wait3A_175 = tpu.memref_slice %arg4[%mul3A_164] : memref<3200000xf32, #tpu.memory_space<hbm>> -> memref<2000xf32, #tpu.memory_space<hbm>>
      %dma_wait3A_176 = tpu.memref_slice %arg4[%mul3A_164] : memref<3200000xf32, #tpu.memory_space<hbm>> -> memref<2000xf32, #tpu.memory_space<hbm>>
      tpu.wait_dma2 semaphore(%arg39 : memref<!tpu.dma_semaphore, #tpu.memory_space<semaphore_mem>>) src(%dma_wait3A_176 : memref<2000xf32, #tpu.memory_space<hbm>>) dst(%arg24 : memref<2000xf32, #tpu.memory_space<vmem>>)
      %scan3A_177 = arith.constant 0 : i32
      %scan3A_178 = arith.constant 125 : i32
      %scan3A_179 = arith.addi %scan3A_177, %scan3A_178 : i32
      %scan3A_180 = arith.constant 1 : i32
      scf.for %scan3A_196 = %scan3A_177 to %scan3A_179 step %scan3A_180  : i32 {
        %mul3A_197 = arith.constant 16 : i32
        %mul3A_198 = arith.muli %scan3A_196, %mul3A_197 : i32
        %get3A = arith.index_cast %mul3A_198 : i32 to index
        %get3A_199 = tpu.vector_load %arg25[%get3A] {strides = array<i32>} : memref<2000xi32, #tpu.memory_space<vmem>>, vector<16xi32>,
        %shift_right_logical3A = arith.constant 1 : i32
        %shift_right_logical3A_200 = vector.broadcast %shift_right_logical3A : i32 to vector<16xi32>
        %shift_right_logical3A_201 = arith.shrui %get3A_199, %shift_right_logical3A_200 : vector<16xi32>
        %gather3A = tpu.vector_load_idx %arg34[%shift_right_logical3A_201] : memref<50000xi32, #tpu.memory_space<vmem>>[vector<16xi32>], vector<16xi32>,
        %and3A = arith.constant 1 : i32
        %and3A_202 = vector.broadcast %and3A : i32 to vector<16xi32>
        %and3A_203 = arith.andi %get3A_199, %and3A_202 : vector<16xi32>
        %shift_left3A = arith.constant 4 : i32
        %shift_left3A_204 = vector.broadcast %shift_left3A : i32 to vector<16xi32>
        %shift_left3A_205 = arith.shli %and3A_203, %shift_left3A_204 : vector<16xi32>
        %shift_right_logical3A_206 = arith.shrui %gather3A, %shift_left3A_205 : vector<16xi32>
        %and3A_207 = arith.constant 65535 : i32
        %and3A_208 = vector.broadcast %and3A_207 : i32 to vector<16xi32>
        %and3A_209 = arith.andi %shift_right_logical3A_206, %and3A_208 : vector<16xi32>
        %shift_left3A_210 = arith.constant 16 : i32
        %shift_left3A_211 = vector.broadcast %shift_left3A_210 : i32 to vector<16xi32>
        %shift_left3A_212 = arith.shli %and3A_209, %shift_left3A_211 : vector<16xi32>
        %bitcast_convert_type3A = tpu.bitcast %shift_left3A_212 : vector<16xi32> -> vector<16xf32>
        %get3A_213 = arith.index_cast %mul3A_198 : i32 to index
        %get3A_214 = tpu.vector_load %arg26[%get3A_213] {strides = array<i32>} : memref<2000xi32, #tpu.memory_space<vmem>>, vector<16xi32>,
        %shift_right_logical3A_215 = arith.constant 1 : i32
        %shift_right_logical3A_216 = vector.broadcast %shift_right_logical3A_215 : i32 to vector<16xi32>
        %shift_right_logical3A_217 = arith.shrui %get3A_214, %shift_right_logical3A_216 : vector<16xi32>
        %gather3A_218 = tpu.vector_load_idx %arg34[%shift_right_logical3A_217] : memref<50000xi32, #tpu.memory_space<vmem>>[vector<16xi32>], vector<16xi32>,
        %and3A_219 = arith.constant 1 : i32
        %and3A_220 = vector.broadcast %and3A_219 : i32 to vector<16xi32>
        %and3A_221 = arith.andi %get3A_214, %and3A_220 : vector<16xi32>
        %shift_left3A_222 = arith.constant 4 : i32
        %shift_left3A_223 = vector.broadcast %shift_left3A_222 : i32 to vector<16xi32>
        %shift_left3A_224 = arith.shli %and3A_221, %shift_left3A_223 : vector<16xi32>
        %shift_right_logical3A_225 = arith.shrui %gather3A_218, %shift_left3A_224 : vector<16xi32>
        %and3A_226 = arith.constant 65535 : i32
        %and3A_227 = vector.broadcast %and3A_226 : i32 to vector<16xi32>
        %and3A_228 = arith.andi %shift_right_logical3A_225, %and3A_227 : vector<16xi32>
        %shift_left3A_229 = arith.constant 16 : i32
        %shift_left3A_230 = vector.broadcast %shift_left3A_229 : i32 to vector<16xi32>
        %shift_left3A_231 = arith.shli %and3A_228, %shift_left3A_230 : vector<16xi32>
        %bitcast_convert_type3A_232 = tpu.bitcast %shift_left3A_231 : vector<16xi32> -> vector<16xf32>
        %get3A_233 = arith.index_cast %mul3A_198 : i32 to index
        %get3A_234 = tpu.vector_load %arg22[%get3A_233] {strides = array<i32>} : memref<2000xf32, #tpu.memory_space<vmem>>, vector<16xf32>,
        %get3A_235 = arith.index_cast %mul3A_198 : i32 to index
        %get3A_236 = tpu.vector_load %arg23[%get3A_235] {strides = array<i32>} : memref<2000xf32, #tpu.memory_space<vmem>>, vector<16xf32>,
        %get3A_237 = arith.index_cast %mul3A_198 : i32 to index
        %get3A_238 = tpu.vector_load %arg24[%get3A_237] {strides = array<i32>} : memref<2000xf32, #tpu.memory_space<vmem>>, vector<16xf32>,
        %mul3A_239 = arith.mulf %get3A_234, %get3A_234 : vector<16xf32>
        %mul3A_240 = arith.mulf %get3A_236, %get3A_236 : vector<16xf32>
        %add3A_241 = arith.addf %mul3A_239, %mul3A_240 : vector<16xf32>
        %mul3A_242 = arith.mulf %get3A_238, %get3A_238 : vector<16xf32>
        %add3A_243 = arith.addf %add3A_241, %mul3A_242 : vector<16xf32>
        %bitcast_convert_type3A_244 = tpu.bitcast %add3A_243 : vector<16xf32> -> vector<16xi32>
        %shift_right_logical3A_245 = arith.constant 1 : i32
        %shift_right_logical3A_246 = vector.broadcast %shift_right_logical3A_245 : i32 to vector<16xi32>
        %shift_right_logical3A_247 = arith.shrui %bitcast_convert_type3A_244, %shift_right_logical3A_246 : vector<16xi32>
        %sub3A = arith.constant 1597463007 : i32
        %sub3A_248 = vector.broadcast %sub3A : i32 to vector<16xi32>
        %sub3A_249 = arith.subi %sub3A_248, %shift_right_logical3A_247 : vector<16xi32>
        %bitcast_convert_type3A_250 = tpu.bitcast %sub3A_249 : vector<16xi32> -> vector<16xf32>
        %mul3A_251 = arith.constant 5.000000e-01 : f32
        %mul3A_252 = vector.broadcast %mul3A_251 : f32 to vector<16xf32>
        %mul3A_253 = arith.mulf %mul3A_252, %add3A_243 : vector<16xf32>
        %mul3A_254 = arith.mulf %mul3A_253, %bitcast_convert_type3A_250 : vector<16xf32>
        %mul3A_255 = arith.mulf %mul3A_254, %bitcast_convert_type3A_250 : vector<16xf32>
        %sub3A_256 = arith.constant 1.500000e+00 : f32
        %sub3A_257 = vector.broadcast %sub3A_256 : f32 to vector<16xf32>
        %sub3A_258 = arith.subf %sub3A_257, %mul3A_255 : vector<16xf32>
        %mul3A_259 = arith.mulf %bitcast_convert_type3A_250, %sub3A_258 : vector<16xf32>
        %mul3A_260 = arith.mulf %mul3A_253, %mul3A_259 : vector<16xf32>
        %mul3A_261 = arith.mulf %mul3A_260, %mul3A_259 : vector<16xf32>
        %sub3A_262 = arith.constant 1.500000e+00 : f32
        %sub3A_263 = vector.broadcast %sub3A_262 : f32 to vector<16xf32>
        %sub3A_264 = arith.subf %sub3A_263, %mul3A_261 : vector<16xf32>
        %mul3A_265 = arith.mulf %mul3A_259, %sub3A_264 : vector<16xf32>
        %mul3A_266 = arith.mulf %add3A_243, %mul3A_265 : vector<16xf32>
        %lt3A = arith.constant 2.200000e+00 : f32
        %lt3A_267 = vector.broadcast %lt3A : f32 to vector<16xf32>
        %lt3A_268 = arith.cmpf olt, %mul3A_266, %lt3A_267 : vector<16xf32>
        %mul3A_269 = arith.constant 8.500000e+00 : f32
        %mul3A_270 = vector.broadcast %mul3A_269 : f32 to vector<16xf32>
        %mul3A_271 = arith.mulf %mul3A_270, %mul3A_266 : vector<16xf32>
        %sub3A_272 = arith.constant 1.870000e+01 : f32
        %sub3A_273 = vector.broadcast %sub3A_272 : f32 to vector<16xf32>
        %sub3A_274 = arith.subf %mul3A_271, %sub3A_273 : vector<16xf32>
        %exp3A = math.exp %sub3A_274 : vector<16xf32>
        %jit3A = arith.constant 1.000000e+00 : f32
        %broadcast_in_dim3A = vector.broadcast %jit3A : f32 to vector<16xf32>
        %select_n3A = arith.select %lt3A_268, %exp3A, %broadcast_in_dim3A : vector<16xi1>, vector<16xf32>
        %mul3A_275 = arith.mulf %bitcast_convert_type3A, %bitcast_convert_type3A_232 : vector<16xf32>
        %mul3A_276 = arith.constant 14.3996458 : f32
        %mul3A_277 = vector.broadcast %mul3A_276 : f32 to vector<16xf32>
        %mul3A_278 = arith.mulf %mul3A_277, %mul3A_275 : vector<16xf32>
        %mul3A_279 = arith.mulf %mul3A_278, %mul3A_265 : vector<16xf32>
        %mul3A_280 = arith.mulf %mul3A_279, %select_n3A : vector<16xf32>
        %mul3A_281 = arith.mulf %mul3A_265, %mul3A_265 : vector<16xf32>
        %mul3A_282 = arith.mulf %mul3A_280, %mul3A_281 : vector<16xf32>
        %mul3A_283 = arith.mulf %get3A_234, %mul3A_282 : vector<16xf32>
        %mul3A_284 = arith.mulf %get3A_236, %mul3A_282 : vector<16xf32>
        %mul3A_285 = arith.mulf %get3A_238, %mul3A_282 : vector<16xf32>
        %mul3A_286 = arith.constant 5.000000e-01 : f32
        %mul3A_287 = vector.broadcast %mul3A_286 : f32 to vector<16xf32>
        %mul3A_288 = arith.mulf %mul3A_287, %mul3A_280 : vector<16xf32>
        %swap3A = arith.index_cast %mul3A_198 : i32 to index
        %swap3A_289 = tpu.vector_load %arg27[%swap3A] {strides = array<i32>} : memref<2000xf32, #tpu.memory_space<vmem>>, vector<16xf32>,
        tpu.vector_store %arg27[%swap3A], %mul3A_288 {strides = array<i32>} : memref<2000xf32, #tpu.memory_space<vmem>>, vector<16xf32>,
        %swap3A_290 = arith.index_cast %mul3A_198 : i32 to index
        %swap3A_291 = tpu.vector_load %arg28[%swap3A_290] {strides = array<i32>} : memref<2000xf32, #tpu.memory_space<vmem>>, vector<16xf32>,
        tpu.vector_store %arg28[%swap3A_290], %mul3A_283 {strides = array<i32>} : memref<2000xf32, #tpu.memory_space<vmem>>, vector<16xf32>,
        %swap3A_292 = arith.index_cast %mul3A_198 : i32 to index
        %swap3A_293 = tpu.vector_load %arg29[%swap3A_292] {strides = array<i32>} : memref<2000xf32, #tpu.memory_space<vmem>>, vector<16xf32>,
        tpu.vector_store %arg29[%swap3A_292], %mul3A_284 {strides = array<i32>} : memref<2000xf32, #tpu.memory_space<vmem>>, vector<16xf32>,
        %swap3A_294 = arith.index_cast %mul3A_198 : i32 to index
        %swap3A_295 = tpu.vector_load %arg30[%swap3A_294] {strides = array<i32>} : memref<2000xf32, #tpu.memory_space<vmem>>, vector<16xf32>,
        tpu.vector_store %arg30[%swap3A_294], %mul3A_285 {strides = array<i32>} : memref<2000xf32, #tpu.memory_space<vmem>>, vector<16xf32>,
        %neg3A = arith.constant 0.000000e+00 : f32
        %neg3A_296 = vector.broadcast %neg3A : f32 to vector<16xf32>
        %neg3A_297 = arith.subf %neg3A_296, %mul3A_283 : vector<16xf32>
        %swap3A_298 = arith.index_cast %mul3A_198 : i32 to index
        %swap3A_299 = tpu.vector_load %arg31[%swap3A_298] {strides = array<i32>} : memref<2000xf32, #tpu.memory_space<vmem>>, vector<16xf32>,
        tpu.vector_store %arg31[%swap3A_298], %neg3A_297 {strides = array<i32>} : memref<2000xf32, #tpu.memory_space<vmem>>, vector<16xf32>,
        %neg3A_300 = arith.constant 0.000000e+00 : f32
        %neg3A_301 = vector.broadcast %neg3A_300 : f32 to vector<16xf32>
        %neg3A_302 = arith.subf %neg3A_301, %mul3A_284 : vector<16xf32>
        %swap3A_303 = arith.index_cast %mul3A_198 : i32 to index
        %swap3A_304 = tpu.vector_load %arg32[%swap3A_303] {strides = array<i32>} : memref<2000xf32, #tpu.memory_space<vmem>>, vector<16xf32>,
        tpu.vector_store %arg32[%swap3A_303], %neg3A_302 {strides = array<i32>} : memref<2000xf32, #tpu.memory_space<vmem>>, vector<16xf32>,
        %neg3A_305 = arith.constant 0.000000e+00 : f32
        %neg3A_306 = vector.broadcast %neg3A_305 : f32 to vector<16xf32>
        %neg3A_307 = arith.subf %neg3A_306, %mul3A_285 : vector<16xf32>
        %swap3A_308 = arith.index_cast %mul3A_198 : i32 to index
        %swap3A_309 = tpu.vector_load %arg33[%swap3A_308] {strides = array<i32>} : memref<2000xf32, #tpu.memory_space<vmem>>, vector<16xf32>,
        tpu.vector_store %arg33[%swap3A_308], %neg3A_307 {strides = array<i32>} : memref<2000xf32, #tpu.memory_space<vmem>>, vector<16xf32>,
      }
      %scan3A_181 = arith.constant 125 : i32
      %dma_start3A_182 = arith.constant 0 : i32
      %dma_start3A_183 = tpu.memref_slice %arg35[%dma_start3A_182] : memref<102400xf32, #tpu.memory_space<vmem_shared>> -> memref<102400xf32, #tpu.memory_space<vmem_shared>>
      tpu.enqueue_indirect_dma source(%arg27 : memref<2000xf32, #tpu.memory_space<vmem>>) target(%dma_start3A_183 : memref<102400xf32, #tpu.memory_space<vmem_shared>>) offsets(%arg25 : memref<2000xi32, #tpu.memory_space<vmem>>) semaphore(%arg41 : memref<!tpu.dma_semaphore, #tpu.memory_space<semaphore_mem>>) {add = true}
      %dma_start3A_184 = arith.constant 0 : i32
      %dma_start3A_185 = tpu.memref_slice %arg36[%dma_start3A_184] : memref<102400xf32, #tpu.memory_space<vmem_shared>> -> memref<102400xf32, #tpu.memory_space<vmem_shared>>
      tpu.enqueue_indirect_dma source(%arg28 : memref<2000xf32, #tpu.memory_space<vmem>>) target(%dma_start3A_185 : memref<102400xf32, #tpu.memory_space<vmem_shared>>) offsets(%arg25 : memref<2000xi32, #tpu.memory_space<vmem>>) semaphore(%arg41 : memref<!tpu.dma_semaphore, #tpu.memory_space<semaphore_mem>>) {add = true}
      %dma_start3A_186 = arith.constant 0 : i32
      %dma_start3A_187 = tpu.memref_slice %arg37[%dma_start3A_186] : memref<102400xf32, #tpu.memory_space<vmem_shared>> -> memref<102400xf32, #tpu.memory_space<vmem_shared>>
      tpu.enqueue_indirect_dma source(%arg29 : memref<2000xf32, #tpu.memory_space<vmem>>) target(%dma_start3A_187 : memref<102400xf32, #tpu.memory_space<vmem_shared>>) offsets(%arg25 : memref<2000xi32, #tpu.memory_space<vmem>>) semaphore(%arg41 : memref<!tpu.dma_semaphore, #tpu.memory_space<semaphore_mem>>) {add = true}
      %dma_start3A_188 = arith.constant 0 : i32
      %dma_start3A_189 = tpu.memref_slice %arg38[%dma_start3A_188] : memref<102400xf32, #tpu.memory_space<vmem_shared>> -> memref<102400xf32, #tpu.memory_space<vmem_shared>>
      tpu.enqueue_indirect_dma source(%arg30 : memref<2000xf32, #tpu.memory_space<vmem>>) target(%dma_start3A_189 : memref<102400xf32, #tpu.memory_space<vmem_shared>>) offsets(%arg25 : memref<2000xi32, #tpu.memory_space<vmem>>) semaphore(%arg41 : memref<!tpu.dma_semaphore, #tpu.memory_space<semaphore_mem>>) {add = true}
      %dma_start3A_190 = arith.constant 0 : i32
      %dma_start3A_191 = tpu.memref_slice %arg36[%dma_start3A_190] : memref<102400xf32, #tpu.memory_space<vmem_shared>> -> memref<102400xf32, #tpu.memory_space<vmem_shared>>
      tpu.enqueue_indirect_dma source(%arg31 : memref<2000xf32, #tpu.memory_space<vmem>>) target(%dma_start3A_191 : memref<102400xf32, #tpu.memory_space<vmem_shared>>) offsets(%arg26 : memref<2000xi32, #tpu.memory_space<vmem>>) semaphore(%arg41 : memref<!tpu.dma_semaphore, #tpu.memory_space<semaphore_mem>>) {add = true}
      %dma_start3A_192 = arith.constant 0 : i32
      %dma_start3A_193 = tpu.memref_slice %arg37[%dma_start3A_192] : memref<102400xf32, #tpu.memory_space<vmem_shared>> -> memref<102400xf32, #tpu.memory_space<vmem_shared>>
      tpu.enqueue_indirect_dma source(%arg32 : memref<2000xf32, #tpu.memory_space<vmem>>) target(%dma_start3A_193 : memref<102400xf32, #tpu.memory_space<vmem_shared>>) offsets(%arg26 : memref<2000xi32, #tpu.memory_space<vmem>>) semaphore(%arg41 : memref<!tpu.dma_semaphore, #tpu.memory_space<semaphore_mem>>) {add = true}
      %dma_start3A_194 = arith.constant 0 : i32
      %dma_start3A_195 = tpu.memref_slice %arg38[%dma_start3A_194] : memref<102400xf32, #tpu.memory_space<vmem_shared>> -> memref<102400xf32, #tpu.memory_space<vmem_shared>>
      tpu.enqueue_indirect_dma source(%arg33 : memref<2000xf32, #tpu.memory_space<vmem>>) target(%dma_start3A_195 : memref<102400xf32, #tpu.memory_space<vmem_shared>>) offsets(%arg26 : memref<2000xi32, #tpu.memory_space<vmem>>) semaphore(%arg41 : memref<!tpu.dma_semaphore, #tpu.memory_space<semaphore_mem>>) {add = true}
    }
    %scan3A_12 = arith.constant 25 : i32
    %dma_wait3A = arith.constant 0 : i32
    %dma_wait3A_13 = tpu.memref_slice %arg35[%dma_wait3A] : memref<102400xf32, #tpu.memory_space<vmem_shared>> -> memref<102400xf32, #tpu.memory_space<vmem_shared>>
    tpu.wait_indirect_dma semaphore(%arg40 : memref<!tpu.dma_semaphore, #tpu.memory_space<semaphore_mem>>) src(%arg15 : memref<2000xf32, #tpu.memory_space<vmem>>) dst(%dma_wait3A_13 : memref<102400xf32, #tpu.memory_space<vmem_shared>>)
    %dma_wait3A_14 = arith.constant 0 : i32
    %dma_wait3A_15 = tpu.memref_slice %arg36[%dma_wait3A_14] : memref<102400xf32, #tpu.memory_space<vmem_shared>> -> memref<102400xf32, #tpu.memory_space<vmem_shared>>
    tpu.wait_indirect_dma semaphore(%arg40 : memref<!tpu.dma_semaphore, #tpu.memory_space<semaphore_mem>>) src(%arg16 : memref<2000xf32, #tpu.memory_space<vmem>>) dst(%dma_wait3A_15 : memref<102400xf32, #tpu.memory_space<vmem_shared>>)
    %dma_wait3A_16 = arith.constant 0 : i32
    %dma_wait3A_17 = tpu.memref_slice %arg37[%dma_wait3A_16] : memref<102400xf32, #tpu.memory_space<vmem_shared>> -> memref<102400xf32, #tpu.memory_space<vmem_shared>>
    tpu.wait_indirect_dma semaphore(%arg40 : memref<!tpu.dma_semaphore, #tpu.memory_space<semaphore_mem>>) src(%arg17 : memref<2000xf32, #tpu.memory_space<vmem>>) dst(%dma_wait3A_17 : memref<102400xf32, #tpu.memory_space<vmem_shared>>)
    %dma_wait3A_18 = arith.constant 0 : i32
    %dma_wait3A_19 = tpu.memref_slice %arg38[%dma_wait3A_18] : memref<102400xf32, #tpu.memory_space<vmem_shared>> -> memref<102400xf32, #tpu.memory_space<vmem_shared>>
    tpu.wait_indirect_dma semaphore(%arg40 : memref<!tpu.dma_semaphore, #tpu.memory_space<semaphore_mem>>) src(%arg18 : memref<2000xf32, #tpu.memory_space<vmem>>) dst(%dma_wait3A_19 : memref<102400xf32, #tpu.memory_space<vmem_shared>>)
    %dma_wait3A_20 = arith.constant 0 : i32
    %dma_wait3A_21 = tpu.memref_slice %arg36[%dma_wait3A_20] : memref<102400xf32, #tpu.memory_space<vmem_shared>> -> memref<102400xf32, #tpu.memory_space<vmem_shared>>
    tpu.wait_indirect_dma semaphore(%arg40 : memref<!tpu.dma_semaphore, #tpu.memory_space<semaphore_mem>>) src(%arg19 : memref<2000xf32, #tpu.memory_space<vmem>>) dst(%dma_wait3A_21 : memref<102400xf32, #tpu.memory_space<vmem_shared>>)
    %dma_wait3A_22 = arith.constant 0 : i32
    %dma_wait3A_23 = tpu.memref_slice %arg37[%dma_wait3A_22] : memref<102400xf32, #tpu.memory_space<vmem_shared>> -> memref<102400xf32, #tpu.memory_space<vmem_shared>>
    tpu.wait_indirect_dma semaphore(%arg40 : memref<!tpu.dma_semaphore, #tpu.memory_space<semaphore_mem>>) src(%arg20 : memref<2000xf32, #tpu.memory_space<vmem>>) dst(%dma_wait3A_23 : memref<102400xf32, #tpu.memory_space<vmem_shared>>)
    %dma_wait3A_24 = arith.constant 0 : i32
    %dma_wait3A_25 = tpu.memref_slice %arg38[%dma_wait3A_24] : memref<102400xf32, #tpu.memory_space<vmem_shared>> -> memref<102400xf32, #tpu.memory_space<vmem_shared>>
    tpu.wait_indirect_dma semaphore(%arg40 : memref<!tpu.dma_semaphore, #tpu.memory_space<semaphore_mem>>) src(%arg21 : memref<2000xf32, #tpu.memory_space<vmem>>) dst(%dma_wait3A_25 : memref<102400xf32, #tpu.memory_space<vmem_shared>>)
    %dma_wait3A_26 = arith.constant 0 : i32
    %dma_wait3A_27 = tpu.memref_slice %arg35[%dma_wait3A_26] : memref<102400xf32, #tpu.memory_space<vmem_shared>> -> memref<102400xf32, #tpu.memory_space<vmem_shared>>
    tpu.wait_indirect_dma semaphore(%arg41 : memref<!tpu.dma_semaphore, #tpu.memory_space<semaphore_mem>>) src(%arg27 : memref<2000xf32, #tpu.memory_space<vmem>>) dst(%dma_wait3A_27 : memref<102400xf32, #tpu.memory_space<vmem_shared>>)
    %dma_wait3A_28 = arith.constant 0 : i32
    %dma_wait3A_29 = tpu.memref_slice %arg36[%dma_wait3A_28] : memref<102400xf32, #tpu.memory_space<vmem_shared>> -> memref<102400xf32, #tpu.memory_space<vmem_shared>>
    tpu.wait_indirect_dma semaphore(%arg41 : memref<!tpu.dma_semaphore, #tpu.memory_space<semaphore_mem>>) src(%arg28 : memref<2000xf32, #tpu.memory_space<vmem>>) dst(%dma_wait3A_29 : memref<102400xf32, #tpu.memory_space<vmem_shared>>)
    %dma_wait3A_30 = arith.constant 0 : i32
    %dma_wait3A_31 = tpu.memref_slice %arg37[%dma_wait3A_30] : memref<102400xf32, #tpu.memory_space<vmem_shared>> -> memref<102400xf32, #tpu.memory_space<vmem_shared>>
    tpu.wait_indirect_dma semaphore(%arg41 : memref<!tpu.dma_semaphore, #tpu.memory_space<semaphore_mem>>) src(%arg29 : memref<2000xf32, #tpu.memory_space<vmem>>) dst(%dma_wait3A_31 : memref<102400xf32, #tpu.memory_space<vmem_shared>>)
    %dma_wait3A_32 = arith.constant 0 : i32
    %dma_wait3A_33 = tpu.memref_slice %arg38[%dma_wait3A_32] : memref<102400xf32, #tpu.memory_space<vmem_shared>> -> memref<102400xf32, #tpu.memory_space<vmem_shared>>
    tpu.wait_indirect_dma semaphore(%arg41 : memref<!tpu.dma_semaphore, #tpu.memory_space<semaphore_mem>>) src(%arg30 : memref<2000xf32, #tpu.memory_space<vmem>>) dst(%dma_wait3A_33 : memref<102400xf32, #tpu.memory_space<vmem_shared>>)
    %dma_wait3A_34 = arith.constant 0 : i32
    %dma_wait3A_35 = tpu.memref_slice %arg36[%dma_wait3A_34] : memref<102400xf32, #tpu.memory_space<vmem_shared>> -> memref<102400xf32, #tpu.memory_space<vmem_shared>>
    tpu.wait_indirect_dma semaphore(%arg41 : memref<!tpu.dma_semaphore, #tpu.memory_space<semaphore_mem>>) src(%arg31 : memref<2000xf32, #tpu.memory_space<vmem>>) dst(%dma_wait3A_35 : memref<102400xf32, #tpu.memory_space<vmem_shared>>)
    %dma_wait3A_36 = arith.constant 0 : i32
    %dma_wait3A_37 = tpu.memref_slice %arg37[%dma_wait3A_36] : memref<102400xf32, #tpu.memory_space<vmem_shared>> -> memref<102400xf32, #tpu.memory_space<vmem_shared>>
    tpu.wait_indirect_dma semaphore(%arg41 : memref<!tpu.dma_semaphore, #tpu.memory_space<semaphore_mem>>) src(%arg32 : memref<2000xf32, #tpu.memory_space<vmem>>) dst(%dma_wait3A_37 : memref<102400xf32, #tpu.memory_space<vmem_shared>>)
    %dma_wait3A_38 = arith.constant 0 : i32
    %dma_wait3A_39 = tpu.memref_slice %arg38[%dma_wait3A_38] : memref<102400xf32, #tpu.memory_space<vmem_shared>> -> memref<102400xf32, #tpu.memory_space<vmem_shared>>
    tpu.wait_indirect_dma semaphore(%arg41 : memref<!tpu.dma_semaphore, #tpu.memory_space<semaphore_mem>>) src(%arg33 : memref<2000xf32, #tpu.memory_space<vmem>>) dst(%dma_wait3A_39 : memref<102400xf32, #tpu.memory_space<vmem_shared>>)
    %barrier3A_40 = arith.constant 0 : index
    tpu.barrier barrier_id(%barrier3A_40)
    %mul3A_41 = arith.constant 6400 : i32
    %mul3A_42 = arith.muli %arg1, %mul3A_41 : i32
    %mul3A_43 = arith.constant 409600 : i32
    %mul3A_44 = arith.muli %arg0, %mul3A_43 : i32
    %add3A_45 = arith.constant 0 : i32
    %add3A_46 = arith.addi %mul3A_44, %add3A_45 : i32
    %mul3A_47 = arith.constant 6400 : i32
    %mul3A_48 = arith.muli %arg1, %mul3A_47 : i32
    %add3A_49 = arith.addi %add3A_46, %mul3A_48 : i32
    "tpu.region"() ({
      %run_scoped3A = tpu.sem_alloc : memref<!tpu.dma_semaphore, #tpu.memory_space<semaphore_mem>>
      %dma_start3A = tpu.memref_slice %arg9[%add3A_49] : memref<819200xf32, #tpu.memory_space<hbm>> -> memref<6400xf32, #tpu.memory_space<hbm>>
      %dma_start3A_77 = tpu.memref_slice %arg35[%mul3A_42] : memref<102400xf32, #tpu.memory_space<vmem_shared>> -> memref<6400xf32, #tpu.memory_space<vmem_shared>>
      tpu.enqueue_dma source(%dma_start3A_77 : memref<6400xf32, #tpu.memory_space<vmem_shared>>) target(%dma_start3A : memref<6400xf32, #tpu.memory_space<hbm>>) target_semaphore(%run_scoped3A : memref<!tpu.dma_semaphore, #tpu.memory_space<semaphore_mem>>)
      %dma_wait3A_78 = tpu.memref_slice %arg9[%add3A_49] : memref<819200xf32, #tpu.memory_space<hbm>> -> memref<6400xf32, #tpu.memory_space<hbm>>
      %dma_wait3A_79 = tpu.memref_slice %arg35[%mul3A_42] : memref<102400xf32, #tpu.memory_space<vmem_shared>> -> memref<6400xf32, #tpu.memory_space<vmem_shared>>
      tpu.wait_dma2 semaphore(%run_scoped3A : memref<!tpu.dma_semaphore, #tpu.memory_space<semaphore_mem>>) src(%dma_wait3A_79 : memref<6400xf32, #tpu.memory_space<vmem_shared>>) dst(%dma_wait3A_78 : memref<6400xf32, #tpu.memory_space<hbm>>)
      tpu.yield
    }) : () -> ()
    %mul3A_50 = arith.constant 6400 : i32
    %mul3A_51 = arith.muli %arg1, %mul3A_50 : i32
    %mul3A_52 = arith.constant 409600 : i32
    %mul3A_53 = arith.muli %arg0, %mul3A_52 : i32
    %add3A_54 = arith.constant 102400 : i32
    %add3A_55 = arith.addi %mul3A_53, %add3A_54 : i32
    %mul3A_56 = arith.constant 6400 : i32
    %mul3A_57 = arith.muli %arg1, %mul3A_56 : i32
    %add3A_58 = arith.addi %add3A_55, %mul3A_57 : i32
    "tpu.region"() ({
      %run_scoped3A = tpu.sem_alloc : memref<!tpu.dma_semaphore, #tpu.memory_space<semaphore_mem>>
      %dma_start3A = tpu.memref_slice %arg9[%add3A_58] : memref<819200xf32, #tpu.memory_space<hbm>> -> memref<6400xf32, #tpu.memory_space<hbm>>
      %dma_start3A_77 = tpu.memref_slice %arg36[%mul3A_51] : memref<102400xf32, #tpu.memory_space<vmem_shared>> -> memref<6400xf32, #tpu.memory_space<vmem_shared>>
      tpu.enqueue_dma source(%dma_start3A_77 : memref<6400xf32, #tpu.memory_space<vmem_shared>>) target(%dma_start3A : memref<6400xf32, #tpu.memory_space<hbm>>) target_semaphore(%run_scoped3A : memref<!tpu.dma_semaphore, #tpu.memory_space<semaphore_mem>>)
      %dma_wait3A_78 = tpu.memref_slice %arg9[%add3A_58] : memref<819200xf32, #tpu.memory_space<hbm>> -> memref<6400xf32, #tpu.memory_space<hbm>>
      %dma_wait3A_79 = tpu.memref_slice %arg36[%mul3A_51] : memref<102400xf32, #tpu.memory_space<vmem_shared>> -> memref<6400xf32, #tpu.memory_space<vmem_shared>>
      tpu.wait_dma2 semaphore(%run_scoped3A : memref<!tpu.dma_semaphore, #tpu.memory_space<semaphore_mem>>) src(%dma_wait3A_79 : memref<6400xf32, #tpu.memory_space<vmem_shared>>) dst(%dma_wait3A_78 : memref<6400xf32, #tpu.memory_space<hbm>>)
      tpu.yield
    }) : () -> ()
    %mul3A_59 = arith.constant 6400 : i32
    %mul3A_60 = arith.muli %arg1, %mul3A_59 : i32
    %mul3A_61 = arith.constant 409600 : i32
    %mul3A_62 = arith.muli %arg0, %mul3A_61 : i32
    %add3A_63 = arith.constant 204800 : i32
    %add3A_64 = arith.addi %mul3A_62, %add3A_63 : i32
    %mul3A_65 = arith.constant 6400 : i32
    %mul3A_66 = arith.muli %arg1, %mul3A_65 : i32
    %add3A_67 = arith.addi %add3A_64, %mul3A_66 : i32
    "tpu.region"() ({
      %run_scoped3A = tpu.sem_alloc : memref<!tpu.dma_semaphore, #tpu.memory_space<semaphore_mem>>
      %dma_start3A = tpu.memref_slice %arg9[%add3A_67] : memref<819200xf32, #tpu.memory_space<hbm>> -> memref<6400xf32, #tpu.memory_space<hbm>>
      %dma_start3A_77 = tpu.memref_slice %arg37[%mul3A_60] : memref<102400xf32, #tpu.memory_space<vmem_shared>> -> memref<6400xf32, #tpu.memory_space<vmem_shared>>
      tpu.enqueue_dma source(%dma_start3A_77 : memref<6400xf32, #tpu.memory_space<vmem_shared>>) target(%dma_start3A : memref<6400xf32, #tpu.memory_space<hbm>>) target_semaphore(%run_scoped3A : memref<!tpu.dma_semaphore, #tpu.memory_space<semaphore_mem>>)
      %dma_wait3A_78 = tpu.memref_slice %arg9[%add3A_67] : memref<819200xf32, #tpu.memory_space<hbm>> -> memref<6400xf32, #tpu.memory_space<hbm>>
      %dma_wait3A_79 = tpu.memref_slice %arg37[%mul3A_60] : memref<102400xf32, #tpu.memory_space<vmem_shared>> -> memref<6400xf32, #tpu.memory_space<vmem_shared>>
      tpu.wait_dma2 semaphore(%run_scoped3A : memref<!tpu.dma_semaphore, #tpu.memory_space<semaphore_mem>>) src(%dma_wait3A_79 : memref<6400xf32, #tpu.memory_space<vmem_shared>>) dst(%dma_wait3A_78 : memref<6400xf32, #tpu.memory_space<hbm>>)
      tpu.yield
    }) : () -> ()
    %mul3A_68 = arith.constant 6400 : i32
    %mul3A_69 = arith.muli %arg1, %mul3A_68 : i32
    %mul3A_70 = arith.constant 409600 : i32
    %mul3A_71 = arith.muli %arg0, %mul3A_70 : i32
    %add3A_72 = arith.constant 307200 : i32
    %add3A_73 = arith.addi %mul3A_71, %add3A_72 : i32
    %mul3A_74 = arith.constant 6400 : i32
    %mul3A_75 = arith.muli %arg1, %mul3A_74 : i32
    %add3A_76 = arith.addi %add3A_73, %mul3A_75 : i32
    "tpu.region"() ({
      %run_scoped3A = tpu.sem_alloc : memref<!tpu.dma_semaphore, #tpu.memory_space<semaphore_mem>>
      %dma_start3A = tpu.memref_slice %arg9[%add3A_76] : memref<819200xf32, #tpu.memory_space<hbm>> -> memref<6400xf32, #tpu.memory_space<hbm>>
      %dma_start3A_77 = tpu.memref_slice %arg38[%mul3A_69] : memref<102400xf32, #tpu.memory_space<vmem_shared>> -> memref<6400xf32, #tpu.memory_space<vmem_shared>>
      tpu.enqueue_dma source(%dma_start3A_77 : memref<6400xf32, #tpu.memory_space<vmem_shared>>) target(%dma_start3A : memref<6400xf32, #tpu.memory_space<hbm>>) target_semaphore(%run_scoped3A : memref<!tpu.dma_semaphore, #tpu.memory_space<semaphore_mem>>)
      %dma_wait3A_78 = tpu.memref_slice %arg9[%add3A_76] : memref<819200xf32, #tpu.memory_space<hbm>> -> memref<6400xf32, #tpu.memory_space<hbm>>
      %dma_wait3A_79 = tpu.memref_slice %arg38[%mul3A_69] : memref<102400xf32, #tpu.memory_space<vmem_shared>> -> memref<6400xf32, #tpu.memory_space<vmem_shared>>
      tpu.wait_dma2 semaphore(%run_scoped3A : memref<!tpu.dma_semaphore, #tpu.memory_space<semaphore_mem>>) src(%dma_wait3A_79 : memref<6400xf32, #tpu.memory_space<vmem_shared>>) dst(%dma_wait3A_78 : memref<6400xf32, #tpu.memory_space<hbm>>)
      tpu.yield
    }) : () -> ()
    return
  }
}

</mosaic_0001>

<sc_bundles>
// kernel: kernel.4.cloned.1.call-start
scs
__scs_entry_jumppad:
0x0: {  	(pc) =	sbr.rel $0x88, $3  }
0x1: {  	(tag) =	ssettag $0x0;
	lr =	simm.s32 $0x1  }
0x2: {  	[smem:$0x3F9C] =	sst lr;
	_ =	strace $0xD0000000  }
0x3: {  	_ = 	snop  }
0x4: {  	_ = 	snop  }
0x5: {  	_ = 	snop  }
0x6: {  	_ = 	snop  }
0x7: {  	_ = 	snop  }
__scs_overlays_trampoline_lowered:
0x8: {  	[smem:$0x3FAB] =	sst s0  }
0x9: {  	[smem:$0x3FAC] =	sst s1  }
0xa: {  	[smem:$0x3FAD] =	sst s2  }
0xb: {  	[smem:$0x3FAE] =	sst s3  }
0xc: {  	[smem:$0x3FAF] =	sst s4  }
0xd: {  	[smem:$0x3FB0] =	sst s5  }
0xe: {  	[smem:$0x3FB1] =	sst s6  }
0xf: {  	[smem:$0x3FB2] =	sst s7  }
0x10: {  	[smem:$0x3FB3] =	sst s8  }
0x11: {  	[smem:$0x3FB4] =	sst s9;
	s0 =	simm.s32 @!p0 $0x0  }
0x12: {  	s1 =	sld [smem:$0x3F9A];
	s0 =	simm.s32 @p0 $0x1  }
0x13: {  	[smem:$0x3FB5] =	sst s0;
	s0 =	simm.s32 @!p1 $0x0  }
0x14: {  	s2 =	sld [smem:$0x3F99];
	s0 =	simm.s32 @p1 $0x1  }
0x15: {  	[smem:$0x3FB6] =	sst s0;
	s0 =	simm.s32 @!p2 $0x0  }
0x16: {  	s3 =	sld [smem:$0x3FDB];
	s0 =	simm.s32 @p2 $0x1  }
0x17: {  	s4 =	simm.s32 $0x1BF5;
	[smem:$0x3FB8] =	sst s0  }
0x18: {  	s0 =	sld [smem:$0x3F9B];
	_ =	swait.ge [sflag:s4], $0x0  }
0x19: {  	s7 =	sld [smem:$0x3F9C]  }
0x1a: {  	s8 =	sadd.s32 $0xFFFFE003, lr  }
0x1b: {  	s9 =	sadd.s32 $0xFFFFFEF7, lr;
	s5 =	simm.s32 $0xFFFFFFFF;
	p2 =	slt.u32 s8, $0xFFFFF086  }
0x1c: {  	p1 =	slt.u32 s9, $0xF7A;
	s5 =	simm.s32 @!p2 $0x0  }
0x1d: {  	s5 =	simm.s32 @p1 $0x1;
	p0 =	seq.s32 s7, s2  }
0x1e: {  	s7 =	smul.u32 @!p0 $0xF7A, s2;
	p2 =	seq.s32 @!p0 s5, $0x0  }
0x1f: {  	s9 =	smul.u32 $0xF7A, s1;
	s8 =	simm.s32 @!p0 $0x1BF5;
	p2 =	por !p2, p0  }
0x20: {  	[sflag:s8] =	ssyncset.s32 @!p0 $0xFFFFF086;
	s6 =	sadd.s32 @!p0 s3, s7;
	s7 =	simm.s32 @!p0 $0x108  }
0x21: {  	s3 =	sadd.s32 s3, s9;
	s6 =	sadd.s32 @!p0 $0x88, s6;
	s7 =	simm.s32 @p2 $0x1082  }
0x22: {  	[simem:s7], [sflag:s8] =	dma.local @!p0 [hbm:s6], $0xF7A  }
0x23: {  	s9 =	sor.u32 $0xD0000000, s2;
	s6 =	simm.s32 $0x108;
	_ =	swait.ge @!p0 [sflag:s8], $0x0  }
0x24: {  	s3 =	sadd.s32 $0x88, s3;
	s6 =	simm.s32 @!p1 $0x1082;
	[sflag:s4] =	ssyncset.s32 $0xFFFFF086  }
0x25: {  	[simem:s6], [sflag:s4] =	dma.local [hbm:s3], $0xF7A  }
0x26: {  	[smem:$0x3F9C] =	sst s1;
	(tag) =	ssettag s2;
	_ =	strace s9  }
0x27: {  	s1 =	sld [smem:$0x3FAC]  }
0x28: {  	s2 =	sld [smem:$0x3FAD]  }
0x29: {  	s4 =	sld [smem:$0x3FAF]  }
0x2a: {  	p0 =	seq.s32 s5, $0x0;
	s5 =	sld [smem:$0x3FB0]  }
0x2b: {  	s6 =	sld [smem:$0x3FB1]  }
0x2c: {  	s7 =	sld [smem:$0x3FB2]  }
0x2d: {  	s3 =	simm.s32 $0x108;
	s8 =	sld [smem:$0x3FB3]  }
0x2e: {  	s3 =	simm.s32 @!p0 $0x1082;
	s9 =	sld [smem:$0x3FB4]  }
0x2f: {  	lr =	sadd.s32 s0, s3;
	s0 =	sld [smem:$0x3FAB]  }
0x30: {  	s3 =	sld [smem:$0x3FAE]  }
0x31: {  	[smem:$0x3FB7] =	sst s10  }
0x32: {  	s10 =	sld [smem:$0x3FB5];
	_ =	sdelay $0x3  }
0x33: {  	p0 =	seq.s32 s10, $0x1;
	s10 =	sld [smem:$0x3FB7];
	_ =	sdelay $0x3  }
0x34: {  	[smem:$0x3FB7] =	sst s10  }
0x35: {  	s10 =	sld [smem:$0x3FB6];
	_ =	sdelay $0x3  }
0x36: {  	p1 =	seq.s32 s10, $0x1;
	s10 =	sld [smem:$0x3FB7];
	_ =	sdelay $0x3  }
0x37: {  	[smem:$0x3FB7] =	sst s10  }
0x38: {  	s10 =	sld [smem:$0x3FB8]  }
0x39: {  	_ = 	snop;
	(pc) =	sbr.ind lr, $3  }
0x3a: {  	_ = 	snop  }
0x3b: {  	_ = 	snop  }
0x3c: {  	p2 =	seq.s32 s10, $0x1;
	s10 =	sld [smem:$0x3FB7]  }
0x3d: {  	_ =	shalt  }
0x3e: {  	_ =	shalt  }
0x3f: {  	_ =	shalt  }
0x40: {  	_ =	shalt  }
0x41: {  	_ =	shalt  }
0x42: {  	_ =	shalt  }
0x43: {  	_ =	shalt  }
0x44: {  	_ =	shalt  }
0x45: {  	_ =	shalt  }
0x46: {  	_ =	shalt  }
0x47: {  	_ =	shalt  }
0x48: {  	_ =	shalt  }
0x49: {  	_ =	shalt  }
0x4a: {  	_ =	shalt  }
0x4b: {  	_ =	shalt  }
0x4c: {  	_ =	shalt  }
0x4d: {  	_ =	shalt  }
0x4e: {  	_ =	shalt  }
0x4f: {  	_ =	shalt  }
0x50: {  	_ =	shalt  }
0x51: {  	_ =	shalt  }
0x52: {  	_ =	shalt  }
0x53: {  	_ =	shalt  }
0x54: {  	_ =	shalt  }
0x55: {  	_ =	shalt  }
0x56: {  	_ =	shalt  }
0x57: {  	_ =	shalt  }
0x58: {  	_ =	shalt  }
0x59: {  	_ =	shalt  }
0x5a: {  	_ =	shalt  }
0x5b: {  	_ =	shalt  }
0x5c: {  	_ =	shalt  }
0x5d: {  	_ =	shalt  }
0x5e: {  	_ =	shalt  }
0x5f: {  	_ =	shalt  }
0x60: {  	_ =	shalt  }
0x61: {  	_ =	shalt  }
0x62: {  	_ =	shalt  }
0x63: {  	_ =	shalt  }
0x64: {  	_ =	shalt  }
0x65: {  	_ =	shalt  }
0x66: {  	_ =	shalt  }
0x67: {  	_ =	shalt  }
0x68: {  	_ =	shalt  }
0x69: {  	_ =	shalt  }
0x6a: {  	_ =	shalt  }
0x6b: {  	_ =	shalt  }
0x6c: {  	_ =	shalt  }
0x6d: {  	_ =	shalt  }
0x6e: {  	_ =	shalt  }
0x6f: {  	_ =	shalt  }
0x70: {  	_ =	shalt  }
0x71: {  	_ =	shalt  }
0x72: {  	_ =	shalt  }
0x73: {  	_ =	shalt  }
0x74: {  	_ =	shalt  }
0x75: {  	_ =	shalt  }
0x76: {  	_ =	shalt  }
0x77: {  	_ =	shalt  }
0x78: {  	_ =	shalt  }
0x79: {  	_ =	shalt  }
0x7a: {  	_ =	shalt  }
0x7b: {  	_ =	shalt  }
0x7c: {  	_ =	shalt  }
0x7d: {  	_ =	shalt  }
0x7e: {  	_ =	shalt  }
0x7f: {  	_ =	shalt  }
0x80: {  	_ =	shalt  }
0x81: {  	_ =	shalt  }
0x82: {  	_ =	shalt  }
0x83: {  	_ =	shalt  }
0x84: {  	_ =	shalt  }
0x85: {  	_ =	shalt  }
0x86: {  	_ =	shalt  }
0x87: {  	_ =	shalt  }
.Lfunc_end0:
.L_simem_size_0:
called_computation_lowered:
.L_overlay_start_0:
0x88: {  	s2 =	sld [smem:$0x3FD9]  }
0x89: {  	s3 =	sld [smem:$0x3FFE];
	_ =	sdelay $0x1  }
0x8a: {  	s1 =	srdreg.scid  }
0x8b: {  	s0 =	sand.u32 $0x1, s1  }
0x8c: {  	s14 =	sshll.u32 s0, $0xA;
	s2 =	sadd.s32 s3, s2  }
0x8d: {  	s2 =	sadd.s32 s2, s14  }
0x8e: {  	[smem:$0x3FC3] =	sst s2  }
0x8f: {  	_ = 	snop  }
0x90: {  	s2 =	sld [smem:$0x3FD0];
	_ =	sdelay $0x1  }
0x91: {  	s15 =	sld [smem:$0x3FC7]  }
0x92: {  	s5 =	simm.s32 $0xA;
	s6 =	simm.s32 $0x10;
	s4 =	sld [smem:$0x3FC6]  }
0x93: {  	[smem:s6], [sflag:s5] =	dma.local [hbm:s2], $0x1  }
0x94: {  	_ =	swait.eq [sflag:s5], $0x1  }
0x95: {  	[sflag:s5] =	ssyncset.done $0x0  }
0x96: {  	[sflag:s5] =	ssyncadd.s32 $0xFFFFFFFF  }
0x97: {  	s16 =	sld [smem:$0x11];
	(tm) =	ssettm $0x1  }
0x98: {  	s17 =	sld [smem:$0x3FFB];
	_ =	sdelay $0x3  }
0x99: {  	_ =	strace s17  }
0x9a: {  	s5 =	sld [smem:$0x3FFC];
	_ =	sdelay $0x3  }
0x9b: {  	_ =	strace s5  }
0x9c: {  	s5 =	sld [smem:$0x3FFD];
	_ =	sdelay $0x3  }
0x9d: {  	_ =	strace s5  }
0x9e: {  	_ =	strace $0x8FFFFFFF  }
0x9f: {  	s18 =	sld [smem:$0x3FDB];
	_ =	sdelay $0x1  }
0xa0: {  	s19 =	simm.s32 $_scs_section_size  }
0xa1: {  	s7 =	simm.s32 $_size__tile_overlayer_lowered;
	s8 =	simm.s32 $_tile_overlayer_lowered  }
0xa2: {  	s22 =	simm.s32 $0x1BFF;
	s21 =	sshll.u32 s8, $0x1;
	s5 =	sadd.s32 s19, s18  }
0xa3: {  	s9 =	simm.s32 $0x0;
	s20 =	sshll.u32 s7, $0x1;
	s7 =	sadd.s32 s21, s5  }
0xa4: {  	[timem:s9], [sflag:s22] =	dma.local [hbm:s7], s20  }
0xa5: {  	_ =	swait.ge [sflag:s22], s20  }
0xa6: {  	s6 =	ssub.s32 $0x0, s20;
	[sflag:s22] =	ssyncset.done $0x0  }
0xa7: {  	[sflag:s22] =	ssyncadd.s32 s6;
	_ =	sdelay $0x1  }
0xa8: {  	s23 =	simm.s32 $0x1B8B  }
0xa9: {  	_ =	swait.ge [sflag:s23], $0x1  }
0xaa: {  	[sflag:s23] =	ssyncset.done $0x0  }
0xab: {  	s25 =	simm.s32 $0x1B8E;
	s24 =	sld [smem:$0x3FFE];
	[sflag:s23] =	ssyncadd.s32 $0xFFFFFFFF  }
0xac: {  	s26 =	simm.s32 $execute0_lowered;
	[smem:$0x3FD2] =	sst s25  }
0xad: {  	s7 =	sshll.u32 s26, $0x1;
	_ =	strace $0x80000046;
	[dreg:$0x1] =	wrdreg $0xFFFFFFFF  }
0xae: {  	s28 =	simm.s32 $_size_execute0_lowered;
	s5 =	sadd.s32 s5, s7;
	[dreg:$0x0] =	wrdreg $0x0  }
0xaf: {  	s7 =	sshll.u32 s28, $0x1;
	[dreg:$0x2] =	wrdreg s5  }
0xb0: {  	[dreg:$0x3] =	wrdreg s7  }
0xb1: {  	[dreg:$0x4] =	wrdreg $0xC0  }
0xb2: {  	_ =	task [dreg:s9], $0x5FFFF  }
0xb3: {  	[dreg:$0x1] =	wrdreg $0xFFFFFFFF  }
0xb4: {  	[dreg:$0x0] =	wrdreg $0x60  }
0xb5: {  	[dreg:$0x2] =	wrdreg s24  }
0xb6: {  	[dreg:$0x3] =	wrdreg s16  }
0xb7: {  	[dreg:$0x4] =	wrdreg s15  }
0xb8: {  	[dreg:$0x5] =	wrdreg s4  }
0xb9: {  	[dreg:$0x6] =	wrdreg $0x17ED00  }
0xba: {  	[dreg:$0x7] =	wrdreg $0x197D00  }
0xbb: {  	[dreg:$0x8] =	wrdreg $0x1B0D00  }
0xbc: {  	[dreg:$0x9] =	wrdreg $0x1C9D00  }
0xbd: {  	[dreg:$0xa] =	wrdreg $0x9  }
0xbe: {  	_ =	task.clear_ibuf [dreg:s9], $0xBFFFF;
	_ =	strace $0x90000046  }
0xbf: {  	s29 =	simm.s32 $0x9;
	_ =	strace $0x80000048  }
0xc0: {  	_ =	swait.ge [sflag:s29], $0x1  }
0xc1: {  	[sflag:s29] =	ssyncadd.s32 $0xFFFFFFFF  }
0xc2: {  	_ =	strace $0x90000048  }
0xc3: {  	_ =	sfence  }
0xc4: {  	s30 =	sld [smem:$0x0];
	_ =	sdelay $0x2  }
0xc5: {  	s31 =	sshll.u32 s1, $0xD;
	s1 =	sshrl.u32 s1, $0x2  }
0xc6: {  	s3 =	sand.u32 $0x4000, s31;
	s1 =	sadd.s32 s1, s30  }
0xc7: {  	s0 =	sor.u32 s3, s0;
	s1 =	sshll.u32 s1, $0x11  }
0xc8: {  	s0 =	sor.u32 s1, s0  }
0xc9: {  	s0 =	sadd.s32 $0x8F2B, s0  }
0xca: {  	[sflag:s0] =	ssyncadd.remote.s32 $0x1  }
0xcb: {  	_ =	sfence.sel $0xFFFF  }
0xcc: {  	[dreg:$0x0] =	wrdreg $0xFFFFFFFF;
	(pc) =	sbr.abs _section_cstart, $3  }
0xcd: {  	[dreg:$0x1] =	wrdreg $0xFFFFFFFF  }
0xce: {  	_ =	task.clear_ibuf [dreg:s9], $0x2FFFF;
	_ =	strace $0x9FFFFFFF  }
0xcf: {  	(tm) =	ssettm $0x7FFFFFFF  }
tec
execute0_lowered:
.L_overlay_start_1:
0x0: {  	(tag) =	ssettag $0x1  }
0x1: {  	s0 =	rddreg [dreg:$0x0]  }
0x2: {  	s2 =	rddreg [dreg:$0x2]  }
0x3: {  	s3 =	rddreg [dreg:$0x3]  }
0x4: {  	s4 =	rddreg [dreg:$0x4]  }
0x5: {  	s5 =	rddreg [dreg:$0x5]  }
0x6: {  	s7 =	rddreg [dreg:$0x6]  }
0x7: {  	s8 =	rddreg [dreg:$0x7]  }
0x8: {  	s1 =	srdreg.scid;
	s15 =	stileid.u32  }
0x9: {  	s6 =	simm.s32 $0x0;
	s28 =	simm.s32 $0x1770;
	s29 =	simm.s32 $0x1F40  }
0xa: {  	s30 =	simm.s32 $0x7D0;
	s31 =	simm.s32 $0x9470;
	s10 =	sand.u32 $0x1, s1  }
0xb: {  	s17 =	smul.u32 $0x1900, s15;
	[smem:$0x7FF] =	sst s6;
	s11 =	sadd.s32 $0xC4800, s0  }
0xc: {  	s12 =	sadd.s32 $0x62C00, s0;
	s13 =	sadd.s32 $0x1000, s0;
	s16 =	sadd.s32 $0x126400, s0  }
0xd: {  	s15 =	sshll.u32 s15, $0x1;
	s18 =	smul.u32 $0x64000, s10;
	_ =	strace $0x80000047  }
0xe: {  	s9 =	ssub.s32 $0x2, s10;
	[dreg:$0x9] =	wrdreg s16;
	s20 =	sadd.s32 s17, s4  }
0xf: {  	s16 =	simm.s32 $0xB3B0;
	s21 =	sadd.s32 s17, s5;
	[dreg:$0xa] =	wrdreg s20  }
0x10: {  	s14 =	sshrl.u32 s9, $0x1;
	s22 =	sadd.s32 s17, s7;
	[dreg:$0xb] =	wrdreg s21  }
0x11: {  	s1 =	sadd.s32 s17, s8;
	s6 =	sadd.s32 s17, s18;
	[dreg:$0xc] =	wrdreg s22  }
0x12: {  	s19 =	ssub.s32 s9, s14;
	[dreg:$0xf] =	wrdreg s1;
	s18 =	simm.s32 $0x4  }
0x13: {  	s1 =	simm.s32 $0x1;
	s20 =	simm.s32 $0x7530;
	s6 =	sshrl.u32 s6, $0x3  }
0x14: {  	s21 =	simm.s32 $0x7D00;
	s26 =	smax.u32 s19, $0x1;
	s0 =	sadd.s32 s6, s0  }
0x15: {  	s9 =	simm.s32 $0xA410;
	[dreg:$0x12] =	wrdreg s26;
	s23 =	sadd.s32 $0x126800, s0  }
0x16: {  	s17 =	simm.s32 $0x0;
	s24 =	sadd.s32 $0x129A00, s0;
	[dreg:$0xd] =	wrdreg s23  }
0x17: {  	s26 =	simm.s32 $0x8CA0;
	s25 =	sadd.s32 $0x12CC00, s0;
	[dreg:$0xe] =	wrdreg s24  }
0x18: {  	s6 =	simm.s32 $0xABE0;
	s0 =	sadd.s32 $0x12FE00, s0;
	[dreg:$0x10] =	wrdreg s25  }
0x19: {  	[dreg:$0x11] =	wrdreg s0;
	s25 =	simm.s32 $0xBB80;
	s0 =	simm.s32 $0x9C40  }
.LBB2_1:
0x1a: {  	[dreg:$0x13] =	wrdreg s17  }
0x1b: {  	s14 =	rddreg [dreg:$0x1];
	s19 =	simm.s32 $0x0;
	s22 =	stileid.u32  }
0x1c: {  	[tilespmem:s25], [sflag:$0x4] =	stream.linear.gather [hbm4b:s14+s19], $0xC350, $0x38;
	[tilespmem:$0x1E2D0] =	vst v63  }
0x1d: {  	s14 =	sshll.u32 s22, $0x6;
	_ =	swait.ge [sflag:s18], $0xC350  }
0x1e: {  	s19 =	sor.u32 $0x1C04, s14;
	s23 =	rddreg [dreg:$0xa]  }
0x1f: {  	[sflag:s18] =	ssyncset.done $0x0;
	s14 =	rddreg [dreg:$0x9];
	s24 =	sshrl.u32 s23, $0x3  }
0x20: {  	[sflag:s18] =	ssyncadd.s32 $0xFFFF3CB0;
	[dreg:$0x15] =	wrdreg s24  }
0x21: {  	[spmem:s24], [sflag:s19] =	dma.local [hbm:s14], $0x320  }
0x22: {  	_ =	swait.ge [sflag:s18], $0x320  }
0x23: {  	s22 =	rddreg [dreg:$0xb]  }
0x24: {  	[sflag:s18] =	ssyncset.done $0x0;
	s17 =	sshrl.u32 s22, $0x3  }
0x25: {  	[sflag:s18] =	ssyncadd.s32 $0xFFFFFCE0;
	[dreg:$0x16] =	wrdreg s17  }
0x26: {  	[spmem:s17], [sflag:s19] =	dma.local [hbm:s14], $0x320  }
0x27: {  	_ =	swait.ge [sflag:s18], $0x320  }
0x28: {  	s23 =	rddreg [dreg:$0xc]  }
0x29: {  	[sflag:s18] =	ssyncset.done $0x0;
	s17 =	sshrl.u32 s23, $0x3  }
0x2a: {  	[sflag:s18] =	ssyncadd.s32 $0xFFFFFCE0;
	[dreg:$0x17] =	wrdreg s17  }
0x2b: {  	[spmem:s17], [sflag:s19] =	dma.local [hbm:s14], $0x320  }
0x2c: {  	_ =	swait.ge [sflag:s18], $0x320  }
0x2d: {  	s24 =	rddreg [dreg:$0xf]  }
0x2e: {  	[dreg:$0x14] =	wrdreg s19;
	[sflag:s18] =	ssyncset.done $0x0;
	s17 =	sshrl.u32 s24, $0x3  }
0x2f: {  	[sflag:s18] =	ssyncadd.s32 $0xFFFFFCE0;
	[dreg:$0x18] =	wrdreg s17  }
0x30: {  	[spmem:s17], [sflag:s19] =	dma.local [hbm:s14], $0x320  }
0x31: {  	_ =	swait.ge [sflag:s18], $0x320  }
0x32: {  	[sflag:s18] =	ssyncset.done $0x0  }
0x33: {  	[sflag:s18] =	ssyncadd.s32 $0xFFFFFCE0  }
0x34: {  	s17 =	simm.s32 $0x0;
	[bflag:$0x0] =	sbarrier.arrive $0xFFFF  }
.LBB2_2:
0x35: {  	p0 =	seq.s32 s17, $0x0  }
0x36: {  	s14 =	simm.s32 @!p0 $0x2  }
0x37: {  	_ =	swait.ge @!p0 [sflag:s14], $0x7D0  }
0x38: {  	[sflag:s14] =	ssyncset.done @!p0 $0x0  }
0x39: {  	[sflag:s14] =	ssyncadd.s32 @!p0 $0xFFFFF830  }
0x3a: {  	_ =	swait.ge @!p0 [sflag:s14], $0x7D0  }
0x3b: {  	[sflag:s14] =	ssyncset.done @!p0 $0x0  }
0x3c: {  	[sflag:s14] =	ssyncadd.s32 @!p0 $0xFFFFF830  }
0x3d: {  	_ =	swait.ge @!p0 [sflag:s14], $0x7D0  }
0x3e: {  	[sflag:s14] =	ssyncset.done @!p0 $0x0  }
0x3f: {  	[sflag:s14] =	ssyncadd.s32 @!p0 $0xFFFFF830  }
0x40: {  	_ =	swait.ge @!p0 [sflag:s14], $0x7D0  }
0x41: {  	[sflag:s14] =	ssyncset.done @!p0 $0x0  }
0x42: {  	[sflag:s14] =	ssyncadd.s32 @!p0 $0xFFFFF830  }
0x43: {  	_ =	swait.ge @!p0 [sflag:s14], $0x7D0  }
0x44: {  	[sflag:s14] =	ssyncset.done @!p0 $0x0  }
0x45: {  	[sflag:s14] =	ssyncadd.s32 @!p0 $0xFFFFF830  }
0x46: {  	s18 =	sshll.u32 s17, $0x6;
	_ =	swait.ge @!p0 [sflag:s14], $0x7D0  }
0x47: {  	s18 =	sor.u32 s18, s15;
	[sflag:s14] =	ssyncset.done @!p0 $0x0  }
0x48: {  	s18 =	sor.u32 s10, s18;
	[sflag:s14] =	ssyncadd.s32 @!p0 $0xFFFFF830  }
0x49: {  	s18 =	smul.u32 $0xFA, s18;
	_ =	swait.ge @!p0 [sflag:s14], $0x7D0  }
0x4a: {  	[sflag:s14] =	ssyncset.done @!p0 $0x0  }
0x4b: {  	s19 =	simm.s32 $0x0;
	s23 =	sadd.s32 s2, s18;
	[sflag:s14] =	ssyncadd.s32 @!p0 $0xFFFFF830  }
0x4c: {  	[tilespmem:s28], [sflag:$0x1] =	stream.linear.gather [hbm4b:s23+s19], $0x7D0, $0x38;
	[tilespmem:$0x1E2D0] =	vst v63  }
0x4d: {  	s24 =	sadd.s32 s3, s18  }
0x4e: {  	[tilespmem:s29], [sflag:$0x1] =	stream.linear.gather [hbm4b:s24+s19], $0x7D0, $0x38;
	[tilespmem:$0x1E2D0] =	vst v63  }
0x4f: {  	s22 =	sadd.s32 s11, s18  }
0x50: {  	[tilespmem:s19], [sflag:$0x1] =	stream.linear.gather [hbm4b:s22+s19], $0x7D0, $0x38;
	[tilespmem:$0x1E2D0] =	vst v63  }
0x51: {  	s23 =	sadd.s32 s12, s18  }
0x52: {  	[tilespmem:s30], [sflag:$0x1] =	stream.linear.gather [hbm4b:s23+s19], $0x7D0, $0x38;
	[tilespmem:$0x1E2D0] =	vst v63  }
0x53: {  	s24 =	sadd.s32 s13, s18;
	s22 =	simm.s32 $0xFA0  }
0x54: {  	[tilespmem:s22], [sflag:$0x1] =	stream.linear.gather [hbm4b:s24+s19], $0x7D0, $0x38;
	[tilespmem:$0x1E2D0] =	vst v63  }
0x55: {  	_ =	swait.ge [sflag:s1], $0x7D0  }
0x56: {  	[sflag:s1] =	ssyncset.done $0x0  }
0x57: {  	[sflag:s1] =	ssyncadd.s32 $0xFFFFF830  }
0x58: {  	_ =	swait.ge [sflag:s1], $0x7D0  }
0x59: {  	[sflag:s1] =	ssyncset.done $0x0  }
0x5a: {  	[sflag:s1] =	ssyncadd.s32 $0xFFFFF830  }
0x5b: {  	_ =	swait.ge [sflag:s1], $0x7D0  }
0x5c: {  	[sflag:s1] =	ssyncset.done $0x0  }
0x5d: {  	[sflag:s1] =	ssyncadd.s32 $0xFFFFF830  }
0x5e: {  	_ =	swait.ge [sflag:s1], $0x7D0  }
0x5f: {  	[sflag:s1] =	ssyncset.done $0x0  }
0x60: {  	[sflag:s1] =	ssyncadd.s32 $0xFFFFF830  }
0x61: {  	_ =	swait.ge [sflag:s1], $0x7D0  }
0x62: {  	[sflag:s1] =	ssyncset.done $0x0  }
0x63: {  	s22 =	simm.s32 $0x0;
	[sflag:s1] =	ssyncadd.s32 $0xFFFFF830  }
0x64: {  	v4 =	vld [tilespmem:s22+$0x0]  }
0x65: {  	v5 =	vld [tilespmem:s22+$0x7D0];
	_ =	sdelay $0x1  }
0x66: {  	v10 =	vld [tilespmem:s22+$0xFA0];
	_ =	sdelay $0x2  }
0x67: {  	v0 =	vmul.f32 v4, v4;
	v1 =	vmul.f32 v5, v5;
	_ =	sdelay $0x1  }
0x68: {  	v2 =	vmul.f32 v10, v10;
	v0 =	vadd.f32 v1, v0;
	_ =	sdelay $0x1  }
0x69: {  	v3 =	vadd.f32 v2, v0;
	_ =	sdelay $0x1  }
0x6a: {  	v0 =	vshrl.u32 v3, $0x1;
	v1 =	vmul.f32 $5.000000000e-01, v3  }
0x6b: {  	v0 =	vsub.s32 $0x5F3759DF, v0  }
0x6c: {  	v2 =	vmul.f32 v0, v1;
	_ =	sdelay $0x1  }
0x6d: {  	v2 =	vmul.f32 v0, v2;
	_ =	sdelay $0x1  }
0x6e: {  	v2 =	vsub.f32 $1.500000000e+00, v2;
	_ =	sdelay $0x1  }
0x6f: {  	v0 =	vmul.f32 v0, v2;
	_ =	sdelay $0x1  }
0x70: {  	v1 =	vmul.f32 v0, v1  }
0x71: {  	v6 =	vld [tilespmem:s22+$0x1F40]  }
0x72: {  	v7 =	vld [tilespmem:s22+$0x1770];
	v1 =	vmul.f32 v1, v0  }
0x73: {  	s19 =	simm.s32 $0x10  }
0x74: {  	v2 =	vld [tilespmem:s19+$0x7D0];
	v8 =	vsub.f32 $1.500000000e+00, v1  }
0x75: {  	v1 =	vld [tilespmem:s19+$0x0]  }
0x76: {  	v11 =	vmul.f32 v8, v0;
	v8 =	vshrl.u32 v6, $0x1  }
0x77: {  	v9 =	vshrl.u32 v7, $0x1;
	v0 =	vld [tilespmem:s19+$0xFA0]  }
0x78: {  	v3 =	vmul.f32 v11, v3  }
0x79: {  	v14 =	vmul.f32 v2, v2  }
0x7a: {  	v12 =	vmul.f32 v1, v1;
	v13 =	vmul.f32 $8.500000000e+00, v3  }
0x7b: {  	v8 =	vld.idx.msk [tilespmem:v8+s25+$0x0], $0xffff  }
0x7c: {  	v15 =	vmul.f32 v0, v0;
	v12 =	vadd.f32 v14, v12;
	v14 =	vld.idx.msk [tilespmem:v9+s25+$0x0], $0xffff;
	v13 =	vadd.f32 $-1.870000080e+01, v13;
	_ =	sdelay $0x1  }
0x7d: {  	v7 =	vshll.u32 v7, $0x4;
	v9 =	vadd.f32 v15, v12;
	v13 =	vmul.f32 $1.442695020e+00, v13  }
0x7e: {  	v7 =	vand.u32 $0x10, v7;
	v6 =	vshll.u32 v6, $0x4  }
0x7f: {  	v6 =	vand.u32 $0x10, v6;
	v12 =	vshrl.u32 v9, $0x1;
	(erf) = vpow2.f32 v13  }
0x80: {  	v13 =	vmul.f32 $5.000000000e-01, v9;
	v6 =	vshrl.u32 v8, v6;
	v7 =	vshrl.u32 v14, v7  }
0x81: {  	v12 =	vsub.s32 $0x5F3759DF, v12;
	v7 =	vshll.u32 v7, $0x10;
	v6 =	vshll.u32 v6, $0x10  }
0x82: {  	v15 =	vmul.f32 v12, v13;
	v6 =	vmul.f32 v6, v7;
	_ =	sdelay $0x1  }
0x83: {  	v8 =	vmul.f32 v12, v15;
	v6 =	vmul.f32 $1.439964580e+01, v6;
	_ =	sdelay $0x1  }
0x84: {  	v7 =	vsub.f32 $1.500000000e+00, v8;
	_ =	sdelay $0x1  }
0x85: {  	vm0 =	vlt.f32 v3, $2.200000050e+00;
	v15 =	vld [tilespmem:s19+$0x1F40];
	v3 =	vmul.f32 v11, v6;
	v14 =	vmul.f32 v12, v7;
	v6 =	vpop (erf)  }
0x86: {  	v11 =	vmul.f32 v11, v11;
	v6 =	vnsel vm0, $0x3F800000, v6  }
0x87: {  	v8 =	vld [tilespmem:s19+$0x1770];
	v7 =	vmul.f32 v14, v13;
	v3 =	vmul.f32 v6, v3;
	_ =	sdelay $0x1  }
0x88: {  	v6 =	vmul.f32 v7, v14;
	v11 =	vmul.f32 v3, v11  }
0x89: {  	v7 =	vshrl.u32 v15, $0x1;
	v13 =	vmul.f32 $5.000000000e-01, v3  }
0x8a: {  	s23 =	simm.s32 $0x20;
	v16 =	vsub.f32 $1.500000000e+00, v6;
	v17 =	vmul.f32 v11, v4;
	v12 =	vmul.f32 v11, v5  }
0x8b: {  	v3 =	vld [tilespmem:s23+$0x0];
	v6 =	vshll.u32 v8, $0x4;
	[tilespmem:s22+$0x2710] =	vst v13;
	v5 =	vshll.u32 v15, $0x4;
	v11 =	vmul.f32 v11, v10  }
0x8c: {  	s24 =	simm.s32 $0xC0;
	v4 =	vld [tilespmem:s23+$0x7D0];
	v10 =	vmul.f32 v16, v14;
	[tilespmem:s22+$0x2EE0] =	vst v17;
	v14 =	vsub.f32 $0.0e+00, v17;
	v13 =	vsub.f32 $0.0e+00, v12  }
.LBB2_3:
0x8d: {  	p1 =	sne.s32 s24, $0x1F00;
	v15 =	vld [tilespmem:s23+$0xFA0];
	[tilespmem:s22+$0x36B0] =	vst v12;
	s14 =	smov.u32 s24;
	s24 =	sadd.s32 $0x40, s24  }
0x8e: {  	v16 =	vshrl.u32 v8, $0x1;
	v12 =	vld [tilespmem:s23+$0x1F40];
	v17 =	vmul.f32 v10, v9;
	[tilespmem:s22+$0x4650] =	vst v14  }
0x8f: {  	v9 =	vsub.f32 $0.0e+00, v11;
	v8 =	vld [tilespmem:s23+$0x1770];
	[tilespmem:s22+$0x4E20] =	vst v13  }
0x90: {  	v13 =	vmul.f32 v3, v3;
	v14 =	vmul.f32 $8.500000000e+00, v17;
	[tilespmem:s22+$0x3E80] =	vst v11  }
0x91: {  	v11 =	vmul.f32 v4, v4;
	[tilespmem:s22+$0x55F0] =	vst v9;
	s22 =	smov.u32 s19;
	s19 =	smov.u32 s23  }
0x92: {  	v9 =	vmul.f32 v15, v15;
	v18 =	vld.idx.msk [tilespmem:v7+s25+$0x0], $0xffff;
	v14 =	vadd.f32 $-1.870000080e+01, v14  }
0x93: {  	v7 =	vshrl.u32 v12, $0x1;
	v12 =	vshll.u32 v12, $0x4;
	v11 =	vadd.f32 v11, v13;
	v13 =	vld.idx.msk [tilespmem:v16+s25+$0x0], $0xffff  }
0x94: {  	v16 =	vshll.u32 v8, $0x4;
	v14 =	vmul.f32 $1.442695020e+00, v14  }
0x95: {  	v9 =	vadd.f32 v9, v11  }
0x96: {  	(erf) = vpow2.f32 v14  }
0x97: {  	v19 =	vand.u32 $0x10, v5;
	v5 =	vmovc v12;
	v11 =	vshrl.u32 v9, $0x1;
	v14 =	vmul.f32 $5.000000000e-01, v9  }
0x98: {  	v12 =	vand.u32 $0x10, v6;
	v6 =	vmovc v16;
	v18 =	vshrl.u32 v18, v19;
	v11 =	vsub.s32 $0x5F3759DF, v11  }
0x99: {  	v12 =	vshrl.u32 v13, v12;
	v16 =	vmul.f32 v11, v14  }
0x9a: {  	v13 =	vshll.u32 v18, $0x10;
	v12 =	vshll.u32 v12, $0x10  }
0x9b: {  	v12 =	vmul.f32 v13, v12;
	v16 =	vmul.f32 v11, v16;
	_ =	sdelay $0x1  }
0x9c: {  	v13 =	vsub.f32 $1.500000000e+00, v16;
	v16 =	vmul.f32 $1.439964580e+01, v12  }
0x9d: {  	vm0 =	vlt.f32 v17, $2.200000050e+00  }
0x9e: {  	v13 =	vmul.f32 v11, v13;
	v11 =	vmul.f32 v10, v16;
	v12 =	vpop (erf)  }
0x9f: {  	v10 =	vmul.f32 v10, v10;
	v12 =	vnsel vm0, $0x3F800000, v12  }
0xa0: {  	v14 =	vmul.f32 v13, v14;
	v11 =	vmul.f32 v12, v11;
	_ =	sdelay $0x1  }
.Ltmp0:
0xa1: {  	v12 =	vmul.f32 v14, v13;
	v10 =	vmul.f32 v11, v10;
	(pc) =	sbr.rel @p1 .LBB2_3-.Ltmp0, $4  }
0xa2: {  	v14 =	vmul.f32 $5.000000000e-01, v11  }
0xa3: {  	s23 =	sshra.s32 s14, $0x2;
	v16 =	vsub.f32 $1.500000000e+00, v12;
	v17 =	vmul.f32 v10, v1;
	v12 =	vmul.f32 v10, v2;
	v1 =	vmovc v3;
	v2 =	vmovc v4  }
0xa4: {  	v11 =	vmul.f32 v10, v0;
	v0 =	vmov v15;
	v3 =	vld [tilespmem:s23+$0x0];
	[tilespmem:s22+$0x2710] =	vst v14  }
0xa5: {  	v4 =	vld [tilespmem:s23+$0x7D0];
	v10 =	vmul.f32 v16, v13;
	[tilespmem:s22+$0x2EE0] =	vst v17;
	v14 =	vsub.f32 $0.0e+00, v17;
	v13 =	vsub.f32 $0.0e+00, v12  }
0xa6: {  	_ = 	snop  }
0xa7: {  	v15 =	vld [tilespmem:s23+$0xFA0]  }
0xa8: {  	[tilespmem:s22+$0x36B0] =	vst v12;
	v9 =	vmul.f32 v10, v9  }
0xa9: {  	v8 =	vshrl.u32 v8, $0x1;
	v12 =	vld [tilespmem:s23+$0x1F40];
	[tilespmem:s22+$0x4650] =	vst v14;
	v16 =	vmul.f32 v3, v3  }
0xaa: {  	v14 =	vld [tilespmem:s23+$0x1770];
	[tilespmem:s22+$0x4E20] =	vst v13;
	v13 =	vsub.f32 $0.0e+00, v11;
	v17 =	vmul.f32 $8.500000000e+00, v9;
	v18 =	vmul.f32 v4, v4  }
0xab: {  	[tilespmem:s22+$0x3E80] =	vst v11  }
0xac: {  	[tilespmem:s22+$0x55F0] =	vst v13;
	v11 =	vmul.f32 v15, v15;
	v13 =	vadd.f32 $-1.870000080e+01, v17;
	v16 =	vadd.f32 v18, v16  }
0xad: {  	v7 =	vld.idx.msk [tilespmem:v7+s25+$0x0], $0xffff  }
0xae: {  	v8 =	vld.idx.msk [tilespmem:v8+s25+$0x0], $0xffff;
	v13 =	vmul.f32 $1.442695020e+00, v13;
	v11 =	vadd.f32 v11, v16;
	_ =	sdelay $0x1  }
0xaf: {  	(erf) = vpow2.f32 v13;
	v13 =	vshrl.u32 v11, $0x1;
	v16 =	vmul.f32 $5.000000000e-01, v11  }
0xb0: {  	v13 =	vsub.s32 $0x5F3759DF, v13  }
0xb1: {  	v5 =	vand.u32 $0x10, v5;
	v6 =	vand.u32 $0x10, v6;
	v61 =	vmul.f32 v13, v16  }
0xb2: {  	v5 =	vshrl.u32 v7, v5;
	v6 =	vshrl.u32 v8, v6  }
0xb3: {  	v6 =	vshll.u32 v6, $0x10;
	v5 =	vshll.u32 v5, $0x10;
	v7 =	vmul.f32 v13, v61  }
0xb4: {  	v5 =	vmul.f32 v5, v6  }
0xb5: {  	v6 =	vsub.f32 $1.500000000e+00, v7  }
0xb6: {  	v5 =	vmul.f32 $1.439964580e+01, v5  }
0xb7: {  	v6 =	vmul.f32 v13, v6  }
0xb8: {  	vm0 =	vlt.f32 v9, $2.200000050e+00;
	v5 =	vmul.f32 v10, v5;
	v7 =	vpop (erf)  }
0xb9: {  	v7 =	vnsel vm0, $0x3F800000, v7;
	v8 =	vmul.f32 v6, v16  }
0xba: {  	v9 =	vmul.f32 v10, v10;
	v5 =	vmul.f32 v7, v5  }
0xbb: {  	v7 =	vmul.f32 v8, v6  }
0xbc: {  	v8 =	vmul.f32 v5, v9  }
0xbd: {  	v5 =	vmul.f32 $5.000000000e-01, v5;
	v7 =	vsub.f32 $1.500000000e+00, v7  }
0xbe: {  	v1 =	vmul.f32 v8, v1  }
0xbf: {  	v2 =	vmul.f32 v8, v2;
	[tilespmem:s19+$0x2710] =	vst v5;
	v5 =	vmul.f32 v7, v6  }
0xc0: {  	v0 =	vmul.f32 v8, v0;
	[tilespmem:s19+$0x2EE0] =	vst v1;
	v1 =	vsub.f32 $0.0e+00, v1  }
0xc1: {  	v6 =	vshrl.u32 v12, $0x1;
	v7 =	vsub.f32 $0.0e+00, v2;
	[tilespmem:s19+$0x36B0] =	vst v2;
	v2 =	vmul.f32 v5, v11  }
0xc2: {  	v8 =	vshrl.u32 v14, $0x1;
	[tilespmem:s19+$0x4650] =	vst v1  }
0xc3: {  	[tilespmem:s19+$0x4E20] =	vst v7;
	v1 =	vsub.f32 $0.0e+00, v0;
	v7 =	vmul.f32 $8.500000000e+00, v2  }
0xc4: {  	[tilespmem:s19+$0x3E80] =	vst v0  }
0xc5: {  	[tilespmem:s19+$0x55F0] =	vst v1;
	v0 =	vadd.f32 $-1.870000080e+01, v7  }
0xc6: {  	v1 =	vld.idx.msk [tilespmem:v6+s25+$0x0], $0xffff  }
0xc7: {  	v6 =	vld.idx.msk [tilespmem:v8+s25+$0x0], $0xffff;
	v0 =	vmul.f32 $1.442695020e+00, v0;
	_ =	sdelay $0x1  }
0xc8: {  	(erf) = vpow2.f32 v0  }
0xc9: {  	v7 =	vshll.u32 v14, $0x4;
	v0 =	vshll.u32 v12, $0x4  }
0xca: {  	v7 =	vand.u32 $0x10, v7;
	v0 =	vand.u32 $0x10, v0  }
0xcb: {  	v0 =	vshrl.u32 v1, v0;
	v1 =	vshrl.u32 v6, v7  }
0xcc: {  	v1 =	vshll.u32 v1, $0x10;
	v0 =	vshll.u32 v0, $0x10  }
0xcd: {  	v0 =	vmul.f32 v0, v1;
	_ =	sdelay $0x1  }
0xce: {  	v0 =	vmul.f32 $1.439964580e+01, v0;
	_ =	sdelay $0x1  }
0xcf: {  	vm14 =	vlt.f32 v2, $2.200000050e+00;
	v0 =	vmul.f32 v5, v0;
	v1 =	vpop (erf)  }
0xd0: {  	v1 =	vnsel vm14, $0x3F800000, v1  }
0xd1: {  	v2 =	vmul.f32 v5, v5;
	v0 =	vmul.f32 v1, v0;
	_ =	sdelay $0x1  }
0xd2: {  	v1 =	vmul.f32 v0, v2  }
0xd3: {  	v0 =	vmul.f32 $5.000000000e-01, v0  }
0xd4: {  	v2 =	vmul.f32 v1, v3  }
0xd5: {  	v3 =	vmul.f32 v1, v4;
	[tilespmem:s23+$0x2710] =	vst v0  }
0xd6: {  	v1 =	vmul.f32 v1, v15;
	[tilespmem:s23+$0x2EE0] =	vst v2  }
0xd7: {  	v0 =	vsub.f32 $0.0e+00, v2;
	[tilespmem:s23+$0x36B0] =	vst v3  }
0xd8: {  	v2 =	vsub.f32 $0.0e+00, v3;
	[tilespmem:s23+$0x3E80] =	vst v1  }
0xd9: {  	[tilespmem:s23+$0x4650] =	vst v0;
	v0 =	vsub.f32 $0.0e+00, v1  }
0xda: {  	[tilespmem:s23+$0x4E20] =	vst v2  }
0xdb: {  	s14 =	simm.s32 $0x2710;
	[tilespmem:s23+$0x55F0] =	vst v0  }
0xdc: {  	[spmem:s4] =	stream.indirect.scatter.add.f32 [tilespmem:s14], [sflag:$0x2], $0x1, s28, s30, $0xb8;
	[tilespmem:$0x1E2D0] =	vst v63  }
0xdd: {  	s22 =	simm.s32 $0x2EE0  }
0xde: {  	[spmem:s5] =	stream.indirect.scatter.add.f32 [tilespmem:s22], [sflag:$0x2], $0x1, s28, s30, $0xb8;
	[tilespmem:$0x1E2D0] =	vst v63  }
0xdf: {  	s23 =	simm.s32 $0x36B0  }
0xe0: {  	[spmem:s7] =	stream.indirect.scatter.add.f32 [tilespmem:s23], [sflag:$0x2], $0x1, s28, s30, $0xb8;
	[tilespmem:$0x1E2D0] =	vst v63  }
0xe1: {  	s24 =	simm.s32 $0x3E80  }
0xe2: {  	[spmem:s8] =	stream.indirect.scatter.add.f32 [tilespmem:s24], [sflag:$0x2], $0x1, s28, s30, $0xb8;
	[tilespmem:$0x1E2D0] =	vst v63  }
0xe3: {  	s19 =	simm.s32 $0x4650  }
0xe4: {  	[spmem:s5] =	stream.indirect.scatter.add.f32 [tilespmem:s19], [sflag:$0x2], $0x1, s29, s30, $0xb8;
	[tilespmem:$0x1E2D0] =	vst v63  }
0xe5: {  	s22 =	simm.s32 $0x4E20  }
0xe6: {  	[spmem:s7] =	stream.indirect.scatter.add.f32 [tilespmem:s22], [sflag:$0x2], $0x1, s29, s30, $0xb8;
	[tilespmem:$0x1E2D0] =	vst v63  }
0xe7: {  	s14 =	simm.s32 @!p0 $0x3;
	s23 =	simm.s32 $0x55F0  }
0xe8: {  	[spmem:s8] =	stream.indirect.scatter.add.f32 [tilespmem:s23], [sflag:$0x2], $0x1, s29, s30, $0xb8;
	[tilespmem:$0x1E2D0] =	vst v63  }
0xe9: {  	_ =	swait.ge @!p0 [sflag:s14], $0x7D0  }
0xea: {  	[sflag:s14] =	ssyncset.done @!p0 $0x0  }
0xeb: {  	[sflag:s14] =	ssyncadd.s32 @!p0 $0xFFFFF830  }
0xec: {  	_ =	swait.ge @!p0 [sflag:s14], $0x7D0  }
0xed: {  	[sflag:s14] =	ssyncset.done @!p0 $0x0  }
0xee: {  	[sflag:s14] =	ssyncadd.s32 @!p0 $0xFFFFF830  }
0xef: {  	_ =	swait.ge @!p0 [sflag:s14], $0x7D0  }
0xf0: {  	[sflag:s14] =	ssyncset.done @!p0 $0x0  }
0xf1: {  	[sflag:s14] =	ssyncadd.s32 @!p0 $0xFFFFF830  }
0xf2: {  	_ =	swait.ge @!p0 [sflag:s14], $0x7D0  }
0xf3: {  	[sflag:s14] =	ssyncset.done @!p0 $0x0  }
0xf4: {  	[sflag:s14] =	ssyncadd.s32 @!p0 $0xFFFFF830  }
0xf5: {  	_ =	swait.ge @!p0 [sflag:s14], $0x7D0  }
0xf6: {  	[sflag:s14] =	ssyncset.done @!p0 $0x0  }
0xf7: {  	[sflag:s14] =	ssyncadd.s32 @!p0 $0xFFFFF830  }
0xf8: {  	_ =	swait.ge @!p0 [sflag:s14], $0x7D0  }
0xf9: {  	[sflag:s14] =	ssyncset.done @!p0 $0x0  }
0xfa: {  	[sflag:s14] =	ssyncadd.s32 @!p0 $0xFFFFF830  }
0xfb: {  	_ =	swait.ge @!p0 [sflag:s14], $0x7D0  }
0xfc: {  	s18 =	sadd.s32 $0x1F40, s18;
	[sflag:s14] =	ssyncset.done @!p0 $0x0  }
0xfd: {  	s24 =	sadd.s32 s2, s18;
	s19 =	simm.s32 $0x0;
	[sflag:s14] =	ssyncadd.s32 @!p0 $0xFFFFF830  }
0xfe: {  	[tilespmem:s20], [sflag:$0x1] =	stream.linear.gather [hbm4b:s24+s19], $0x7D0, $0x38;
	[tilespmem:$0x1E2D0] =	vst v63  }
0xff: {  	s22 =	sadd.s32 s3, s18  }
0x100: {  	[tilespmem:s21], [sflag:$0x1] =	stream.linear.gather [hbm4b:s22+s19], $0x7D0, $0x38;
	[tilespmem:$0x1E2D0] =	vst v63  }
0x101: {  	s23 =	sadd.s32 s11, s18;
	s24 =	simm.s32 $0x5DC0  }
0x102: {  	[tilespmem:s24], [sflag:$0x1] =	stream.linear.gather [hbm4b:s23+s19], $0x7D0, $0x38;
	[tilespmem:$0x1E2D0] =	vst v63  }
0x103: {  	s23 =	sadd.s32 s12, s18;
	s24 =	simm.s32 $0x6590  }
0x104: {  	[tilespmem:s24], [sflag:$0x1] =	stream.linear.gather [hbm4b:s23+s19], $0x7D0, $0x38;
	[tilespmem:$0x1E2D0] =	vst v63  }
0x105: {  	s23 =	sadd.s32 s13, s18;
	s24 =	simm.s32 $0x6D60  }
0x106: {  	[tilespmem:s24], [sflag:$0x1] =	stream.linear.gather [hbm4b:s23+s19], $0x7D0, $0x38;
	[tilespmem:$0x1E2D0] =	vst v63  }
0x107: {  	_ =	swait.ge [sflag:s1], $0x7D0  }
0x108: {  	[sflag:s1] =	ssyncset.done $0x0  }
0x109: {  	[sflag:s1] =	ssyncadd.s32 $0xFFFFF830  }
0x10a: {  	_ =	swait.ge [sflag:s1], $0x7D0  }
0x10b: {  	[sflag:s1] =	ssyncset.done $0x0  }
0x10c: {  	[sflag:s1] =	ssyncadd.s32 $0xFFFFF830  }
0x10d: {  	_ =	swait.ge [sflag:s1], $0x7D0  }
0x10e: {  	[sflag:s1] =	ssyncset.done $0x0  }
0x10f: {  	[sflag:s1] =	ssyncadd.s32 $0xFFFFF830  }
0x110: {  	_ =	swait.ge [sflag:s1], $0x7D0  }
0x111: {  	[sflag:s1] =	ssyncset.done $0x0  }
0x112: {  	[sflag:s1] =	ssyncadd.s32 $0xFFFFF830  }
0x113: {  	_ =	swait.ge [sflag:s1], $0x7D0  }
0x114: {  	[sflag:s1] =	ssyncset.done $0x0  }
0x115: {  	s19 =	simm.s32 $0x0;
	[sflag:s1] =	ssyncadd.s32 $0xFFFFF830  }
0x116: {  	v4 =	vld [tilespmem:s19+$0x5DC0]  }
0x117: {  	v5 =	vld [tilespmem:s19+$0x6590];
	_ =	sdelay $0x1  }
0x118: {  	v10 =	vld [tilespmem:s19+$0x6D60];
	_ =	sdelay $0x2  }
0x119: {  	v0 =	vmul.f32 v4, v4;
	v1 =	vmul.f32 v5, v5;
	_ =	sdelay $0x1  }
0x11a: {  	v2 =	vmul.f32 v10, v10;
	v0 =	vadd.f32 v1, v0;
	_ =	sdelay $0x1  }
0x11b: {  	v3 =	vadd.f32 v2, v0;
	_ =	sdelay $0x1  }
0x11c: {  	v0 =	vshrl.u32 v3, $0x1;
	v1 =	vmul.f32 $5.000000000e-01, v3  }
0x11d: {  	v0 =	vsub.s32 $0x5F3759DF, v0  }
0x11e: {  	v2 =	vmul.f32 v0, v1;
	_ =	sdelay $0x1  }
0x11f: {  	v2 =	vmul.f32 v0, v2;
	_ =	sdelay $0x1  }
0x120: {  	v2 =	vsub.f32 $1.500000000e+00, v2;
	_ =	sdelay $0x1  }
0x121: {  	v0 =	vmul.f32 v0, v2;
	_ =	sdelay $0x1  }
0x122: {  	v1 =	vmul.f32 v0, v1  }
0x123: {  	v6 =	vld [tilespmem:s19+$0x7D00]  }
0x124: {  	v7 =	vld [tilespmem:s19+$0x7530];
	v1 =	vmul.f32 v1, v0  }
0x125: {  	s18 =	simm.s32 $0x10  }
0x126: {  	v2 =	vld [tilespmem:s18+$0x6590];
	v8 =	vsub.f32 $1.500000000e+00, v1  }
0x127: {  	v1 =	vld [tilespmem:s18+$0x5DC0]  }
0x128: {  	v11 =	vmul.f32 v8, v0;
	v8 =	vshrl.u32 v6, $0x1  }
0x129: {  	v9 =	vshrl.u32 v7, $0x1;
	v0 =	vld [tilespmem:s18+$0x6D60]  }
0x12a: {  	v3 =	vmul.f32 v11, v3  }
0x12b: {  	v14 =	vmul.f32 v2, v2  }
0x12c: {  	v12 =	vmul.f32 v1, v1;
	v13 =	vmul.f32 $8.500000000e+00, v3  }
0x12d: {  	v8 =	vld.idx.msk [tilespmem:v8+s25+$0x0], $0xffff  }
0x12e: {  	v15 =	vmul.f32 v0, v0;
	v12 =	vadd.f32 v14, v12;
	v14 =	vld.idx.msk [tilespmem:v9+s25+$0x0], $0xffff;
	v13 =	vadd.f32 $-1.870000080e+01, v13;
	_ =	sdelay $0x1  }
0x12f: {  	v7 =	vshll.u32 v7, $0x4;
	v9 =	vadd.f32 v15, v12;
	v13 =	vmul.f32 $1.442695020e+00, v13  }
0x130: {  	v7 =	vand.u32 $0x10, v7;
	v6 =	vshll.u32 v6, $0x4  }
0x131: {  	v6 =	vand.u32 $0x10, v6;
	v12 =	vshrl.u32 v9, $0x1;
	(erf) = vpow2.f32 v13  }
0x132: {  	v13 =	vmul.f32 $5.000000000e-01, v9;
	v6 =	vshrl.u32 v8, v6;
	v7 =	vshrl.u32 v14, v7  }
0x133: {  	v12 =	vsub.s32 $0x5F3759DF, v12;
	v7 =	vshll.u32 v7, $0x10;
	v6 =	vshll.u32 v6, $0x10  }
0x134: {  	v15 =	vmul.f32 v12, v13;
	v6 =	vmul.f32 v6, v7;
	_ =	sdelay $0x1  }
0x135: {  	v8 =	vmul.f32 v12, v15;
	v6 =	vmul.f32 $1.439964580e+01, v6;
	_ =	sdelay $0x1  }
0x136: {  	v7 =	vsub.f32 $1.500000000e+00, v8;
	_ =	sdelay $0x1  }
0x137: {  	vm15 =	vlt.f32 v3, $2.200000050e+00;
	v15 =	vld [tilespmem:s18+$0x7D00];
	v3 =	vmul.f32 v11, v6;
	v14 =	vmul.f32 v12, v7;
	v6 =	vpop (erf)  }
0x138: {  	v11 =	vmul.f32 v11, v11;
	v6 =	vnsel vm15, $0x3F800000, v6  }
0x139: {  	v8 =	vld [tilespmem:s18+$0x7530];
	v7 =	vmul.f32 v14, v13;
	v3 =	vmul.f32 v6, v3;
	_ =	sdelay $0x1  }
0x13a: {  	v6 =	vmul.f32 v7, v14;
	v11 =	vmul.f32 v3, v11  }
0x13b: {  	v7 =	vshrl.u32 v15, $0x1;
	v13 =	vmul.f32 $5.000000000e-01, v3  }
0x13c: {  	s22 =	simm.s32 $0x20;
	v62 =	vsub.f32 $1.500000000e+00, v6;
	v63 =	vmul.f32 v11, v4;
	v12 =	vmul.f32 v11, v5  }
0x13d: {  	v3 =	vld [tilespmem:s22+$0x5DC0];
	v6 =	vshll.u32 v8, $0x4;
	[tilespmem:s19+$0x84D0] =	vst v13;
	v5 =	vshll.u32 v15, $0x4;
	v11 =	vmul.f32 v11, v10  }
0x13e: {  	s23 =	simm.s32 $0xC0;
	v4 =	vld [tilespmem:s22+$0x6590];
	v10 =	vmul.f32 v62, v14;
	[tilespmem:s19+$0x8CA0] =	vst v63;
	v14 =	vsub.f32 $0.0e+00, v63;
	v13 =	vsub.f32 $0.0e+00, v12  }
.LBB2_5:
0x13f: {  	p0 =	sne.s32 s23, $0x1F00;
	v15 =	vld [tilespmem:s22+$0x6D60];
	[tilespmem:s19+$0x9470] =	vst v12;
	s14 =	smov.u32 s23;
	s23 =	sadd.s32 $0x40, s23  }
0x140: {  	v16 =	vshrl.u32 v8, $0x1;
	v12 =	vld [tilespmem:s22+$0x7D00];
	v17 =	vmul.f32 v10, v9;
	[tilespmem:s19+$0xA410] =	vst v14  }
0x141: {  	v9 =	vsub.f32 $0.0e+00, v11;
	v8 =	vld [tilespmem:s22+$0x7530];
	[tilespmem:s19+$0xABE0] =	vst v13  }
0x142: {  	v13 =	vmul.f32 v3, v3;
	v14 =	vmul.f32 $8.500000000e+00, v17;
	[tilespmem:s19+$0x9C40] =	vst v11  }
0x143: {  	v11 =	vmul.f32 v4, v4;
	[tilespmem:s19+$0xB3B0] =	vst v9;
	s19 =	smov.u32 s18;
	s18 =	smov.u32 s22  }
0x144: {  	v9 =	vmul.f32 v15, v15;
	v18 =	vld.idx.msk [tilespmem:v7+s25+$0x0], $0xffff;
	v14 =	vadd.f32 $-1.870000080e+01, v14  }
0x145: {  	v7 =	vshrl.u32 v12, $0x1;
	v12 =	vshll.u32 v12, $0x4;
	v11 =	vadd.f32 v11, v13;
	v13 =	vld.idx.msk [tilespmem:v16+s25+$0x0], $0xffff  }
0x146: {  	v16 =	vshll.u32 v8, $0x4;
	v14 =	vmul.f32 $1.442695020e+00, v14  }
0x147: {  	v9 =	vadd.f32 v9, v11  }
0x148: {  	(erf) = vpow2.f32 v14  }
0x149: {  	v19 =	vand.u32 $0x10, v5;
	v5 =	vmovc v12;
	v11 =	vshrl.u32 v9, $0x1;
	v14 =	vmul.f32 $5.000000000e-01, v9  }
0x14a: {  	v12 =	vand.u32 $0x10, v6;
	v6 =	vmovc v16;
	v18 =	vshrl.u32 v18, v19;
	v11 =	vsub.s32 $0x5F3759DF, v11  }
0x14b: {  	v12 =	vshrl.u32 v13, v12;
	v16 =	vmul.f32 v11, v14  }
0x14c: {  	v13 =	vshll.u32 v18, $0x10;
	v12 =	vshll.u32 v12, $0x10  }
0x14d: {  	v12 =	vmul.f32 v13, v12;
	v16 =	vmul.f32 v11, v16;
	_ =	sdelay $0x1  }
0x14e: {  	v13 =	vsub.f32 $1.500000000e+00, v16;
	v16 =	vmul.f32 $1.439964580e+01, v12  }
0x14f: {  	vm0 =	vlt.f32 v17, $2.200000050e+00  }
0x150: {  	v13 =	vmul.f32 v11, v13;
	v11 =	vmul.f32 v10, v16;
	v12 =	vpop (erf)  }
0x151: {  	v10 =	vmul.f32 v10, v10;
	v12 =	vnsel vm0, $0x3F800000, v12  }
0x152: {  	v14 =	vmul.f32 v13, v14;
	v11 =	vmul.f32 v12, v11;
	_ =	sdelay $0x1  }
.Ltmp1:
0x153: {  	v12 =	vmul.f32 v14, v13;
	v10 =	vmul.f32 v11, v10;
	(pc) =	sbr.rel @p0 .LBB2_5-.Ltmp1, $4  }
0x154: {  	v14 =	vmul.f32 $5.000000000e-01, v11  }
0x155: {  	s22 =	sshra.s32 s14, $0x2;
	v16 =	vsub.f32 $1.500000000e+00, v12;
	v17 =	vmul.f32 v10, v1;
	v12 =	vmul.f32 v10, v2;
	v1 =	vmovc v3;
	v2 =	vmovc v4  }
0x156: {  	v11 =	vmul.f32 v10, v0;
	v0 =	vmov v15;
	v3 =	vld [tilespmem:s22+$0x5DC0];
	[tilespmem:s19+$0x84D0] =	vst v14  }
0x157: {  	v4 =	vld [tilespmem:s22+$0x6590];
	v10 =	vmul.f32 v16, v13;
	[tilespmem:s19+$0x8CA0] =	vst v17;
	v14 =	vsub.f32 $0.0e+00, v17;
	v13 =	vsub.f32 $0.0e+00, v12  }
0x158: {  	_ = 	snop  }
0x159: {  	v15 =	vld [tilespmem:s22+$0x6D60]  }
0x15a: {  	[tilespmem:s19+$0x9470] =	vst v12;
	v9 =	vmul.f32 v10, v9  }
0x15b: {  	v8 =	vshrl.u32 v8, $0x1;
	v12 =	vld [tilespmem:s22+$0x7D00];
	[tilespmem:s19+$0xA410] =	vst v14;
	v16 =	vmul.f32 v3, v3  }
0x15c: {  	v34 =	vsub.f32 $0.0e+00, v11;
	v14 =	vld [tilespmem:s22+$0x7530];
	[tilespmem:s19+$0xABE0] =	vst v13;
	v17 =	vmul.f32 $8.500000000e+00, v9;
	v18 =	vmul.f32 v4, v4  }
0x15d: {  	[tilespmem:s19+$0x9C40] =	vst v11  }
0x15e: {  	[tilespmem:s19+$0xB3B0] =	vst v34;
	v35 =	vmul.f32 v15, v15;
	v36 =	vadd.f32 $-1.870000080e+01, v17;
	v16 =	vadd.f32 v18, v16  }
0x15f: {  	v7 =	vld.idx.msk [tilespmem:v7+s25+$0x0], $0xffff  }
0x160: {  	v8 =	vld.idx.msk [tilespmem:v8+s25+$0x0], $0xffff;
	v13 =	vmul.f32 $1.442695020e+00, v36;
	v11 =	vadd.f32 v35, v16;
	_ =	sdelay $0x1  }
0x161: {  	(erf) = vpow2.f32 v13;
	v37 =	vshrl.u32 v11, $0x1;
	v16 =	vmul.f32 $5.000000000e-01, v11  }
0x162: {  	v13 =	vsub.s32 $0x5F3759DF, v37  }
0x163: {  	v5 =	vand.u32 $0x10, v5;
	v6 =	vand.u32 $0x10, v6;
	v38 =	vmul.f32 v13, v16  }
0x164: {  	v5 =	vshrl.u32 v7, v5;
	v6 =	vshrl.u32 v8, v6  }
0x165: {  	v5 =	vshll.u32 v5, $0x10;
	v6 =	vshll.u32 v6, $0x10;
	v39 =	vmul.f32 v13, v38  }
0x166: {  	v5 =	vmul.f32 v5, v6  }
0x167: {  	v40 =	vsub.f32 $1.500000000e+00, v39  }
0x168: {  	v5 =	vmul.f32 $1.439964580e+01, v5  }
0x169: {  	v6 =	vmul.f32 v13, v40  }
0x16a: {  	vm0 =	vlt.f32 v9, $2.200000050e+00;
	v5 =	vmul.f32 v10, v5;
	v41 =	vpop (erf)  }
0x16b: {  	v7 =	vnsel vm0, $0x3F800000, v41;
	v42 =	vmul.f32 v6, v16  }
0x16c: {  	v43 =	vmul.f32 v10, v10;
	v5 =	vmul.f32 v7, v5  }
0x16d: {  	v44 =	vmul.f32 v42, v6  }
0x16e: {  	v45 =	vmul.f32 v5, v43  }
0x16f: {  	v5 =	vmul.f32 $5.000000000e-01, v5;
	v7 =	vsub.f32 $1.500000000e+00, v44  }
0x170: {  	v1 =	vmul.f32 v45, v1  }
0x171: {  	v2 =	vmul.f32 v45, v2;
	[tilespmem:s18+$0x84D0] =	vst v5;
	v46 =	vmul.f32 v7, v6  }
0x172: {  	v0 =	vmul.f32 v45, v0;
	[tilespmem:s18+$0x8CA0] =	vst v1  }
0x173: {  	v47 =	vshrl.u32 v12, $0x1;
	v1 =	vsub.f32 $0.0e+00, v1;
	[tilespmem:s18+$0x9470] =	vst v2;
	v49 =	vmul.f32 v46, v11  }
0x174: {  	v50 =	vshrl.u32 v14, $0x1;
	v48 =	vsub.f32 $0.0e+00, v2;
	[tilespmem:s18+$0x9C40] =	vst v0  }
0x175: {  	v51 =	vsub.f32 $0.0e+00, v0;
	[tilespmem:s18+$0xA410] =	vst v1;
	v52 =	vmul.f32 $8.500000000e+00, v49  }
0x176: {  	[tilespmem:s18+$0xABE0] =	vst v48  }
0x177: {  	[tilespmem:s18+$0xB3B0] =	vst v51;
	v53 =	vadd.f32 $-1.870000080e+01, v52  }
0x178: {  	v1 =	vld.idx.msk [tilespmem:v47+s25+$0x0], $0xffff  }
0x179: {  	v54 =	vld.idx.msk [tilespmem:v50+s25+$0x0], $0xffff;
	v0 =	vmul.f32 $1.442695020e+00, v53;
	_ =	sdelay $0x1  }
0x17a: {  	(erf) = vpow2.f32 v0  }
0x17b: {  	v55 =	vshll.u32 v12, $0x4;
	v56 =	vshll.u32 v14, $0x4  }
0x17c: {  	v7 =	vand.u32 $0x10, v56;
	v0 =	vand.u32 $0x10, v55  }
0x17d: {  	v57 =	vshrl.u32 v54, v7;
	v0 =	vshrl.u32 v1, v0  }
0x17e: {  	v1 =	vshll.u32 v57, $0x10;
	v0 =	vshll.u32 v0, $0x10  }
0x17f: {  	v0 =	vmul.f32 v0, v1;
	_ =	sdelay $0x1  }
0x180: {  	v0 =	vmul.f32 $1.439964580e+01, v0;
	_ =	sdelay $0x1  }
0x181: {  	vm15 =	vlt.f32 v49, $2.200000050e+00;
	v0 =	vmul.f32 v46, v0;
	v58 =	vpop (erf)  }
0x182: {  	v1 =	vnsel vm15, $0x3F800000, v58  }
0x183: {  	v59 =	vmul.f32 v46, v46;
	v0 =	vmul.f32 v1, v0;
	_ =	sdelay $0x1  }
0x184: {  	v1 =	vmul.f32 v0, v59  }
0x185: {  	v0 =	vmul.f32 $5.000000000e-01, v0  }
0x186: {  	v2 =	vmul.f32 v1, v3  }
0x187: {  	v60 =	vmul.f32 v1, v4;
	[tilespmem:s22+$0x84D0] =	vst v0  }
0x188: {  	v1 =	vmul.f32 v1, v15;
	[tilespmem:s22+$0x8CA0] =	vst v2  }
0x189: {  	v61 =	vsub.f32 $0.0e+00, v2;
	[tilespmem:s22+$0x9470] =	vst v60  }
0x18a: {  	v62 =	vsub.f32 $0.0e+00, v60;
	[tilespmem:s22+$0x9C40] =	vst v1  }
0x18b: {  	v63 =	vsub.f32 $0.0e+00, v1;
	[tilespmem:s22+$0xA410] =	vst v61  }
0x18c: {  	[tilespmem:s22+$0xABE0] =	vst v62  }
0x18d: {  	s14 =	simm.s32 $0x84D0;
	[tilespmem:s22+$0xB3B0] =	vst v63  }
0x18e: {  	[spmem:s4] =	stream.indirect.scatter.add.f32 [tilespmem:s14], [sflag:$0x3], $0x1, s20, s30, $0xb8;
	[tilespmem:$0x1E2D0] =	vst v63  }
0x18f: {  	_ = 	snop  }
0x190: {  	[spmem:s5] =	stream.indirect.scatter.add.f32 [tilespmem:s26], [sflag:$0x3], $0x1, s20, s30, $0xb8;
	[tilespmem:$0x1E2D0] =	vst v63  }
0x191: {  	_ = 	snop  }
0x192: {  	[spmem:s7] =	stream.indirect.scatter.add.f32 [tilespmem:s31], [sflag:$0x3], $0x1, s20, s30, $0xb8;
	[tilespmem:$0x1E2D0] =	vst v63  }
0x193: {  	s17 =	sadd.s32 $0x1, s17  }
0x194: {  	[spmem:s8] =	stream.indirect.scatter.add.f32 [tilespmem:s0], [sflag:$0x3], $0x1, s20, s30, $0xb8;
	[tilespmem:$0x1E2D0] =	vst v63  }
0x195: {  	p0 =	sne.s32 s17, $0x19  }
0x196: {  	[spmem:s5] =	stream.indirect.scatter.add.f32 [tilespmem:s9], [sflag:$0x3], $0x1, s21, s30, $0xb8;
	[tilespmem:$0x1E2D0] =	vst v63  }
.Ltmp2:
0x197: {  	_ = 	snop;
	(pc) =	sbr.rel @p0 .LBB2_2-.Ltmp2, $4  }
0x198: {  	_ = 	snop  }
0x199: {  	[spmem:s7] =	stream.indirect.scatter.add.f32 [tilespmem:s6], [sflag:$0x3], $0x1, s21, s30, $0xb8;
	[tilespmem:$0x1E2D0] =	vst v63  }
0x19a: {  	_ = 	snop  }
0x19b: {  	[spmem:s8] =	stream.indirect.scatter.add.f32 [tilespmem:s16], [sflag:$0x3], $0x1, s21, s30, $0xb8;
	[tilespmem:$0x1E2D0] =	vst v63  }
0x19c: {  	s14 =	simm.s32 $0x2  }
0x19d: {  	_ =	swait.ge [sflag:s14], $0x7D0  }
0x19e: {  	[sflag:s14] =	ssyncset.done $0x0  }
0x19f: {  	[sflag:s14] =	ssyncadd.s32 $0xFFFFF830  }
0x1a0: {  	_ =	swait.ge [sflag:s14], $0x7D0  }
0x1a1: {  	[sflag:s14] =	ssyncset.done $0x0  }
0x1a2: {  	[sflag:s14] =	ssyncadd.s32 $0xFFFFF830  }
0x1a3: {  	_ =	swait.ge [sflag:s14], $0x7D0  }
0x1a4: {  	[sflag:s14] =	ssyncset.done $0x0  }
0x1a5: {  	[sflag:s14] =	ssyncadd.s32 $0xFFFFF830  }
0x1a6: {  	_ =	swait.ge [sflag:s14], $0x7D0  }
0x1a7: {  	[sflag:s14] =	ssyncset.done $0x0  }
0x1a8: {  	[sflag:s14] =	ssyncadd.s32 $0xFFFFF830  }
0x1a9: {  	_ =	swait.ge [sflag:s14], $0x7D0  }
0x1aa: {  	[sflag:s14] =	ssyncset.done $0x0  }
0x1ab: {  	[sflag:s14] =	ssyncadd.s32 $0xFFFFF830  }
0x1ac: {  	_ =	swait.ge [sflag:s14], $0x7D0  }
0x1ad: {  	[sflag:s14] =	ssyncset.done $0x0  }
0x1ae: {  	[sflag:s14] =	ssyncadd.s32 $0xFFFFF830  }
0x1af: {  	_ =	swait.ge [sflag:s14], $0x7D0  }
0x1b0: {  	[sflag:s14] =	ssyncset.done $0x0  }
0x1b1: {  	s18 =	simm.s32 $0x3;
	[sflag:s14] =	ssyncadd.s32 $0xFFFFF830  }
0x1b2: {  	_ =	swait.ge [sflag:s18], $0x7D0  }
0x1b3: {  	[sflag:s18] =	ssyncset.done $0x0  }
0x1b4: {  	[sflag:s18] =	ssyncadd.s32 $0xFFFFF830  }
0x1b5: {  	_ =	swait.ge [sflag:s18], $0x7D0  }
0x1b6: {  	[sflag:s18] =	ssyncset.done $0x0  }
0x1b7: {  	[sflag:s18] =	ssyncadd.s32 $0xFFFFF830  }
0x1b8: {  	_ =	swait.ge [sflag:s18], $0x7D0  }
0x1b9: {  	[sflag:s18] =	ssyncset.done $0x0  }
0x1ba: {  	[sflag:s18] =	ssyncadd.s32 $0xFFFFF830  }
0x1bb: {  	_ =	swait.ge [sflag:s18], $0x7D0  }
0x1bc: {  	[sflag:s18] =	ssyncset.done $0x0  }
0x1bd: {  	[sflag:s18] =	ssyncadd.s32 $0xFFFFF830  }
0x1be: {  	_ =	swait.ge [sflag:s18], $0x7D0  }
0x1bf: {  	[sflag:s18] =	ssyncset.done $0x0  }
0x1c0: {  	[sflag:s18] =	ssyncadd.s32 $0xFFFFF830  }
0x1c1: {  	_ =	swait.ge [sflag:s18], $0x7D0  }
0x1c2: {  	[sflag:s18] =	ssyncset.done $0x0  }
0x1c3: {  	[sflag:s18] =	ssyncadd.s32 $0xFFFFF830  }
0x1c4: {  	_ =	swait.ge [sflag:s18], $0x7D0  }
0x1c5: {  	[sflag:s18] =	ssyncset.done $0x0  }
0x1c6: {  	[sflag:s18] =	ssyncadd.s32 $0xFFFFF830  }
0x1c7: {  	[bflag:$0x0] =	sbarrier.arrive $0xFFFF  }
0x1c8: {  	s19 =	rddreg [dreg:$0xd]  }
0x1c9: {  	s17 =	rddreg [dreg:$0x14]  }
0x1ca: {  	s18 =	rddreg [dreg:$0x15]  }
0x1cb: {  	[hbm:s19], [sflag:s17] =	dma.local [spmem:s18], $0x320  }
0x1cc: {  	s18 =	simm.s32 $0x4  }
0x1cd: {  	_ =	swait.ge [sflag:s18], $0x320  }
0x1ce: {  	[sflag:s18] =	ssyncset.done $0x0;
	s22 =	rddreg [dreg:$0xe]  }
0x1cf: {  	s19 =	rddreg [dreg:$0x16];
	[sflag:s18] =	ssyncadd.s32 $0xFFFFFCE0  }
0x1d0: {  	[hbm:s22], [sflag:s17] =	dma.local [spmem:s19], $0x320  }
0x1d1: {  	_ =	swait.ge [sflag:s18], $0x320  }
0x1d2: {  	[sflag:s18] =	ssyncset.done $0x0;
	s23 =	rddreg [dreg:$0x10]  }
0x1d3: {  	s24 =	rddreg [dreg:$0x17];
	[sflag:s18] =	ssyncadd.s32 $0xFFFFFCE0  }
0x1d4: {  	[hbm:s23], [sflag:s17] =	dma.local [spmem:s24], $0x320  }
0x1d5: {  	_ =	swait.ge [sflag:s18], $0x320  }
0x1d6: {  	[sflag:s18] =	ssyncset.done $0x0;
	s19 =	rddreg [dreg:$0x11]  }
0x1d7: {  	s22 =	rddreg [dreg:$0x18];
	[sflag:s18] =	ssyncadd.s32 $0xFFFFFCE0  }
0x1d8: {  	[hbm:s19], [sflag:s17] =	dma.local [spmem:s22], $0x320  }
0x1d9: {  	_ =	swait.ge [sflag:s18], $0x320  }
0x1da: {  	s23 =	rddreg [dreg:$0x13]  }
0x1db: {  	s24 =	rddreg [dreg:$0x12];
	s17 =	sadd.s32 $0x1, s23  }
0x1dc: {  	p0 =	sne.s32 s17, s24  }
.Ltmp3:
0x1dd: {  	_ = 	snop;
	(pc) =	sbr.rel @p0 .LBB2_1-.Ltmp3, $3  }
0x1de: {  	_ =	sdelay $0x1  }
0x1df: {  	[sflag:s18] =	ssyncset.done $0x0  }
0x1e0: {  	[sflag:s18] =	ssyncadd.s32 $0xFFFFFCE0  }
0x1e1: {  	_ =	sfence.sel $0x180000  }
0x1e2: {  	[bflag:$0x0] =	sbarrier.arrive $0xFFFF  }
0x1e3: {  	_ =	strace $0x90000047  }
0x1e4: {  	s0 =	stileid.u32;
	[bflag:$0x2] =	sbarrier.arrive $0xFFFF  }
0x1e5: {  	p0 =	sne.s32 s0, $0x0;
	s0 =	rddreg [dreg:$0x8]  }
0x1e6: {  	s0 =	sadd.s32 @!p0 $0x100000, s0  }
0x1e7: {  	[sflag:s0] =	ssyncadd.tile.s32 @!p0 $0x1;
	_ =	shalt  }
.Lfunc_end2:
_tile_overlayer_lowered:
.L_overlay_start_2:
0x1e8: {  	(tag) =	ssettag $0x2  }
0x1e9: {  	s0 =	rddreg [dreg:$0x0];
	s2 =	stileid.u32  }
0x1ea: {  	s1 =	rddreg [dreg:$0x1];
	p0 =	sne.s32 s2, $0x0  }
0x1eb: {  	s3 =	rddreg [dreg:$0x2];
	[bflag:$0x3] =	sbarrier.arrive $0xFFFF;
	s2 =	simm.s32 @!p0 $0x1C04  }
0x1ec: {  	[timem:s3], [sflag:s2] =	dma.local @!p0 [hbm:s0], s1  }
0x1ed: {  	s0 =	simm.s32 @!p0 $0x4  }
0x1ee: {  	_ =	swait.ge @!p0 [sflag:s0], s1  }
0x1ef: {  	s1 =	ssub.s32 @!p0 $0x0, s1;
	[sflag:s0] =	ssyncset.done @!p0 $0x0  }
0x1f0: {  	[sflag:s0] =	ssyncadd.s32 @!p0 s1  }
0x1f1: {  	[bflag:$0x3] =	sbarrier.arrive $0xFFFF  }
0x1f2: {  	_ =	shalt  }

// kernel: kernel.7.cloned.1.call-start
scs
__scs_entry_jumppad:
0x0: {  	(pc) =	sbr.rel $0x88, $3  }
0x1: {  	(tag) =	ssettag $0x0;
	lr =	simm.s32 $0x1  }
0x2: {  	[smem:$0x3F9C] =	sst lr;
	_ =	strace $0xD0000000  }
0x3: {  	_ = 	snop  }
0x4: {  	_ = 	snop  }
0x5: {  	_ = 	snop  }
0x6: {  	_ = 	snop  }
0x7: {  	_ = 	snop  }
__scs_overlays_trampoline_lowered:
0x8: {  	[smem:$0x3FAB] =	sst s0  }
0x9: {  	[smem:$0x3FAC] =	sst s1  }
0xa: {  	[smem:$0x3FAD] =	sst s2  }
0xb: {  	[smem:$0x3FAE] =	sst s3  }
0xc: {  	[smem:$0x3FAF] =	sst s4  }
0xd: {  	[smem:$0x3FB0] =	sst s5  }
0xe: {  	[smem:$0x3FB1] =	sst s6  }
0xf: {  	[smem:$0x3FB2] =	sst s7  }
0x10: {  	[smem:$0x3FB3] =	sst s8  }
0x11: {  	[smem:$0x3FB4] =	sst s9;
	s0 =	simm.s32 @!p0 $0x0  }
0x12: {  	s1 =	sld [smem:$0x3F9A];
	s0 =	simm.s32 @p0 $0x1  }
0x13: {  	[smem:$0x3FB5] =	sst s0;
	s0 =	simm.s32 @!p1 $0x0  }
0x14: {  	s2 =	sld [smem:$0x3F99];
	s0 =	simm.s32 @p1 $0x1  }
0x15: {  	[smem:$0x3FB6] =	sst s0;
	s0 =	simm.s32 @!p2 $0x0  }
0x16: {  	s3 =	sld [smem:$0x3FDB];
	s0 =	simm.s32 @p2 $0x1  }
0x17: {  	s4 =	simm.s32 $0x1BF5;
	[smem:$0x3FB8] =	sst s0  }
0x18: {  	s0 =	sld [smem:$0x3F9B];
	_ =	swait.ge [sflag:s4], $0x0  }
0x19: {  	s7 =	sld [smem:$0x3F9C]  }
0x1a: {  	s8 =	sadd.s32 $0xFFFFE003, lr  }
0x1b: {  	s9 =	sadd.s32 $0xFFFFFEF7, lr;
	s5 =	simm.s32 $0xFFFFFFFF;
	p2 =	slt.u32 s8, $0xFFFFF086  }
0x1c: {  	p1 =	slt.u32 s9, $0xF7A;
	s5 =	simm.s32 @!p2 $0x0  }
0x1d: {  	s5 =	simm.s32 @p1 $0x1;
	p0 =	seq.s32 s7, s2  }
0x1e: {  	s7 =	smul.u32 @!p0 $0xF7A, s2;
	p2 =	seq.s32 @!p0 s5, $0x0  }
0x1f: {  	s9 =	smul.u32 $0xF7A, s1;
	s8 =	simm.s32 @!p0 $0x1BF5;
	p2 =	por !p2, p0  }
0x20: {  	[sflag:s8] =	ssyncset.s32 @!p0 $0xFFFFF086;
	s6 =	sadd.s32 @!p0 s3, s7;
	s7 =	simm.s32 @!p0 $0x108  }
0x21: {  	s3 =	sadd.s32 s3, s9;
	s6 =	sadd.s32 @!p0 $0x88, s6;
	s7 =	simm.s32 @p2 $0x1082  }
0x22: {  	[simem:s7], [sflag:s8] =	dma.local @!p0 [hbm:s6], $0xF7A  }
0x23: {  	s9 =	sor.u32 $0xD0000000, s2;
	s6 =	simm.s32 $0x108;
	_ =	swait.ge @!p0 [sflag:s8], $0x0  }
0x24: {  	s3 =	sadd.s32 $0x88, s3;
	s6 =	simm.s32 @!p1 $0x1082;
	[sflag:s4] =	ssyncset.s32 $0xFFFFF086  }
0x25: {  	[simem:s6], [sflag:s4] =	dma.local [hbm:s3], $0xF7A  }
0x26: {  	[smem:$0x3F9C] =	sst s1;
	(tag) =	ssettag s2;
	_ =	strace s9  }
0x27: {  	s1 =	sld [smem:$0x3FAC]  }
0x28: {  	s2 =	sld [smem:$0x3FAD]  }
0x29: {  	s4 =	sld [smem:$0x3FAF]  }
0x2a: {  	p0 =	seq.s32 s5, $0x0;
	s5 =	sld [smem:$0x3FB0]  }
0x2b: {  	s6 =	sld [smem:$0x3FB1]  }
0x2c: {  	s7 =	sld [smem:$0x3FB2]  }
0x2d: {  	s3 =	simm.s32 $0x108;
	s8 =	sld [smem:$0x3FB3]  }
0x2e: {  	s3 =	simm.s32 @!p0 $0x1082;
	s9 =	sld [smem:$0x3FB4]  }
0x2f: {  	lr =	sadd.s32 s0, s3;
	s0 =	sld [smem:$0x3FAB]  }
0x30: {  	s3 =	sld [smem:$0x3FAE]  }
0x31: {  	[smem:$0x3FB7] =	sst s10  }
0x32: {  	s10 =	sld [smem:$0x3FB5];
	_ =	sdelay $0x3  }
0x33: {  	p0 =	seq.s32 s10, $0x1;
	s10 =	sld [smem:$0x3FB7];
	_ =	sdelay $0x3  }
0x34: {  	[smem:$0x3FB7] =	sst s10  }
0x35: {  	s10 =	sld [smem:$0x3FB6];
	_ =	sdelay $0x3  }
0x36: {  	p1 =	seq.s32 s10, $0x1;
	s10 =	sld [smem:$0x3FB7];
	_ =	sdelay $0x3  }
0x37: {  	[smem:$0x3FB7] =	sst s10  }
0x38: {  	s10 =	sld [smem:$0x3FB8]  }
0x39: {  	_ = 	snop;
	(pc) =	sbr.ind lr, $3  }
0x3a: {  	_ = 	snop  }
0x3b: {  	_ = 	snop  }
0x3c: {  	p2 =	seq.s32 s10, $0x1;
	s10 =	sld [smem:$0x3FB7]  }
0x3d: {  	_ =	shalt  }
0x3e: {  	_ =	shalt  }
0x3f: {  	_ =	shalt  }
0x40: {  	_ =	shalt  }
0x41: {  	_ =	shalt  }
0x42: {  	_ =	shalt  }
0x43: {  	_ =	shalt  }
0x44: {  	_ =	shalt  }
0x45: {  	_ =	shalt  }
0x46: {  	_ =	shalt  }
0x47: {  	_ =	shalt  }
0x48: {  	_ =	shalt  }
0x49: {  	_ =	shalt  }
0x4a: {  	_ =	shalt  }
0x4b: {  	_ =	shalt  }
0x4c: {  	_ =	shalt  }
0x4d: {  	_ =	shalt  }
0x4e: {  	_ =	shalt  }
0x4f: {  	_ =	shalt  }
0x50: {  	_ =	shalt  }
0x51: {  	_ =	shalt  }
0x52: {  	_ =	shalt  }
0x53: {  	_ =	shalt  }
0x54: {  	_ =	shalt  }
0x55: {  	_ =	shalt  }
0x56: {  	_ =	shalt  }
0x57: {  	_ =	shalt  }
0x58: {  	_ =	shalt  }
0x59: {  	_ =	shalt  }
0x5a: {  	_ =	shalt  }
0x5b: {  	_ =	shalt  }
0x5c: {  	_ =	shalt  }
0x5d: {  	_ =	shalt  }
0x5e: {  	_ =	shalt  }
0x5f: {  	_ =	shalt  }
0x60: {  	_ =	shalt  }
0x61: {  	_ =	shalt  }
0x62: {  	_ =	shalt  }
0x63: {  	_ =	shalt  }
0x64: {  	_ =	shalt  }
0x65: {  	_ =	shalt  }
0x66: {  	_ =	shalt  }
0x67: {  	_ =	shalt  }
0x68: {  	_ =	shalt  }
0x69: {  	_ =	shalt  }
0x6a: {  	_ =	shalt  }
0x6b: {  	_ =	shalt  }
0x6c: {  	_ =	shalt  }
0x6d: {  	_ =	shalt  }
0x6e: {  	_ =	shalt  }
0x6f: {  	_ =	shalt  }
0x70: {  	_ =	shalt  }
0x71: {  	_ =	shalt  }
0x72: {  	_ =	shalt  }
0x73: {  	_ =	shalt  }
0x74: {  	_ =	shalt  }
0x75: {  	_ =	shalt  }
0x76: {  	_ =	shalt  }
0x77: {  	_ =	shalt  }
0x78: {  	_ =	shalt  }
0x79: {  	_ =	shalt  }
0x7a: {  	_ =	shalt  }
0x7b: {  	_ =	shalt  }
0x7c: {  	_ =	shalt  }
0x7d: {  	_ =	shalt  }
0x7e: {  	_ =	shalt  }
0x7f: {  	_ =	shalt  }
0x80: {  	_ =	shalt  }
0x81: {  	_ =	shalt  }
0x82: {  	_ =	shalt  }
0x83: {  	_ =	shalt  }
0x84: {  	_ =	shalt  }
0x85: {  	_ =	shalt  }
0x86: {  	_ =	shalt  }
0x87: {  	_ =	shalt  }
.Lfunc_end0:
.L_simem_size_0:
called_computation.1_lowered:
.L_overlay_start_0:
0x88: {  	s2 =	sld [smem:$0x3FD9]  }
0x89: {  	s3 =	sld [smem:$0x3FFE];
	_ =	sdelay $0x1  }
0x8a: {  	s1 =	srdreg.scid  }
0x8b: {  	s0 =	sand.u32 $0x1, s1  }
0x8c: {  	s14 =	sshll.u32 s0, $0xA;
	s2 =	sadd.s32 s3, s2  }
0x8d: {  	s2 =	sadd.s32 s2, s14  }
0x8e: {  	[smem:$0x3FC3] =	sst s2  }
0x8f: {  	_ = 	snop  }
0x90: {  	s2 =	sld [smem:$0x3FD0];
	_ =	sdelay $0x2  }
0x91: {  	s15 =	simm.s32 $0xA;
	s4 =	simm.s32 $0x10  }
0x92: {  	[smem:s4], [sflag:s15] =	dma.local [hbm:s2], $0x1  }
0x93: {  	_ =	swait.eq [sflag:s15], $0x1  }
0x94: {  	[sflag:s15] =	ssyncset.done $0x0  }
0x95: {  	[sflag:s15] =	ssyncadd.s32 $0xFFFFFFFF  }
0x96: {  	s16 =	sld [smem:$0x11];
	(tm) =	ssettm $0x1  }
0x97: {  	s17 =	sld [smem:$0x3FFB];
	_ =	sdelay $0x3  }
0x98: {  	_ =	strace s17  }
0x99: {  	s3 =	sld [smem:$0x3FFC];
	_ =	sdelay $0x3  }
0x9a: {  	_ =	strace s3  }
0x9b: {  	s3 =	sld [smem:$0x3FFD];
	_ =	sdelay $0x3  }
0x9c: {  	_ =	strace s3  }
0x9d: {  	_ =	strace $0x8FFFFFFF  }
0x9e: {  	s18 =	sld [smem:$0x3FDB];
	_ =	sdelay $0x1  }
0x9f: {  	s19 =	simm.s32 $_scs_section_size  }
0xa0: {  	s5 =	simm.s32 $_size__tile_overlayer_lowered;
	s6 =	simm.s32 $_tile_overlayer_lowered  }
0xa1: {  	s22 =	simm.s32 $0x1BFF;
	s21 =	sshll.u32 s6, $0x1;
	s3 =	sadd.s32 s19, s18  }
0xa2: {  	s7 =	simm.s32 $0x0;
	s20 =	sshll.u32 s5, $0x1;
	s5 =	sadd.s32 s21, s3  }
0xa3: {  	[timem:s7], [sflag:s22] =	dma.local [hbm:s5], s20  }
0xa4: {  	_ =	swait.ge [sflag:s22], s20  }
0xa5: {  	s4 =	ssub.s32 $0x0, s20;
	[sflag:s22] =	ssyncset.done $0x0  }
0xa6: {  	[sflag:s22] =	ssyncadd.s32 s4;
	_ =	sdelay $0x1  }
0xa7: {  	s23 =	simm.s32 $0x1B8B  }
0xa8: {  	_ =	swait.ge [sflag:s23], $0x1  }
0xa9: {  	[sflag:s23] =	ssyncset.done $0x0  }
0xaa: {  	s25 =	simm.s32 $0x1B8E;
	s24 =	sld [smem:$0x3FFE];
	[sflag:s23] =	ssyncadd.s32 $0xFFFFFFFF  }
0xab: {  	s26 =	simm.s32 $execute0_lowered;
	[smem:$0x3FD2] =	sst s25  }
0xac: {  	s5 =	sshll.u32 s26, $0x1;
	_ =	strace $0x80000049;
	[dreg:$0x1] =	wrdreg $0xFFFFFFFF  }
0xad: {  	s28 =	simm.s32 $_size_execute0_lowered;
	s3 =	sadd.s32 s3, s5;
	[dreg:$0x0] =	wrdreg $0x0  }
0xae: {  	s5 =	sshll.u32 s28, $0x1;
	[dreg:$0x2] =	wrdreg s3  }
0xaf: {  	[dreg:$0x3] =	wrdreg s5  }
0xb0: {  	[dreg:$0x4] =	wrdreg $0xC0  }
0xb1: {  	_ =	task [dreg:s7], $0x5FFFF  }
0xb2: {  	[dreg:$0x1] =	wrdreg $0xFFFFFFFF  }
0xb3: {  	[dreg:$0x0] =	wrdreg $0x60  }
0xb4: {  	[dreg:$0x2] =	wrdreg s24  }
0xb5: {  	[dreg:$0x3] =	wrdreg s16  }
0xb6: {  	[dreg:$0x4] =	wrdreg $0xA6400  }
0xb7: {  	[dreg:$0x5] =	wrdreg $0x9  }
0xb8: {  	_ =	task.clear_ibuf [dreg:s7], $0x6FFFF;
	_ =	strace $0x90000049  }
0xb9: {  	s29 =	simm.s32 $0x9;
	_ =	strace $0x8000004B  }
0xba: {  	_ =	swait.ge [sflag:s29], $0x1  }
0xbb: {  	[sflag:s29] =	ssyncadd.s32 $0xFFFFFFFF  }
0xbc: {  	_ =	strace $0x9000004B  }
0xbd: {  	_ =	sfence  }
0xbe: {  	s30 =	sld [smem:$0x0];
	_ =	sdelay $0x2  }
0xbf: {  	s31 =	sshll.u32 s1, $0xD;
	s1 =	sshrl.u32 s1, $0x2  }
0xc0: {  	s3 =	sand.u32 $0x4000, s31;
	s1 =	sadd.s32 s1, s30  }
0xc1: {  	s0 =	sor.u32 s3, s0;
	s1 =	sshll.u32 s1, $0x11  }
0xc2: {  	s0 =	sor.u32 s1, s0  }
0xc3: {  	s0 =	sadd.s32 $0x8F2B, s0  }
0xc4: {  	[sflag:s0] =	ssyncadd.remote.s32 $0x1  }
0xc5: {  	_ =	sfence.sel $0xFFFF  }
0xc6: {  	[dreg:$0x0] =	wrdreg $0xFFFFFFFF;
	(pc) =	sbr.abs _section_cstart, $3  }
0xc7: {  	[dreg:$0x1] =	wrdreg $0xFFFFFFFF  }
0xc8: {  	_ =	task.clear_ibuf [dreg:s7], $0x2FFFF;
	_ =	strace $0x9FFFFFFF  }
0xc9: {  	(tm) =	ssettm $0x7FFFFFFF  }
tec
execute0_lowered:
.L_overlay_start_1:
0x0: {  	(tag) =	ssettag $0x1  }
0x1: {  	s3 =	rddreg [dreg:$0x0]  }
0x2: {  	s0 =	srdreg.scid;
	s9 =	rddreg [dreg:$0x1]  }
0x3: {  	s4 =	stileid.u32;
	s1 =	rddreg [dreg:$0x2];
	s0 =	sand.u32 $0x1, s0  }
0x4: {  	s13 =	sshll.u32 s4, $0x7;
	p0 =	sne.s32 s4, $0x0;
	s2 =	sshll.u32 s0, $0x4  }
0x5: {  	s8 =	sshll.u32 s0, $0x3;
	s0 =	ssub.s32 $0x2, s0;
	s16 =	sand.u32 $0x380, s13  }
0x6: {  	s13 =	simm.s32 $0x6400;
	s5 =	sor.u32 s4, s2;
	s2 =	simm.s32 $0x0  }
0x7: {  	s10 =	sadd.s32 s8, s3;
	s23 =	sshrl.u32 s0, $0x1;
	s18 =	sadd.s32 $0x9600, s16  }
0x8: {  	s19 =	sadd.s32 $0x9680, s16;
	s20 =	sadd.s32 $0x9700, s16;
	s21 =	sadd.s32 $0x9780, s16  }
0x9: {  	s22 =	sor.u32 $0x9800, s16;
	s28 =	sadd.s32 $0x9D80, s16;
	s29 =	sadd.s32 $0x9E00, s16  }
0xa: {  	s30 =	sadd.s32 $0x9E80, s16;
	s31 =	sadd.s32 $0x9F00, s16;
	[smem:$0x7FF] =	sst s2  }
0xb: {  	s6 =	smul.u32 $0xC80, s5;
	_ =	strace $0x8000004A;
	[dreg:$0xd] =	wrdreg s18  }
0xc: {  	s4 =	sadd.s32 $0xA080, s16;
	s7 =	smul.u32 $0x190, s5;
	[dreg:$0xe] =	wrdreg s19  }
0xd: {  	s11 =	ssub.s32 s0, s23;
	s23 =	sadd.s32 $0x9880, s16;
	[dreg:$0xf] =	wrdreg s20  }
0xe: {  	p1 =	seq.s32 s5, $0x1F;
	[dreg:$0x10] =	wrdreg s21;
	s6 =	sshrl.u32 s6, $0x3  }
0xf: {  	s0 =	sadd.s32 $0x9F80, s16;
	[dreg:$0x11] =	wrdreg s22;
	s6 =	sadd.s32 s6, s3  }
0x10: {  	s10 =	sadd.s32 $0x1000, s10;
	[dreg:$0x12] =	wrdreg s23;
	s24 =	sadd.s32 $0x126800, s6  }
0x11: {  	s21 =	sadd.s32 $0x9A80, s16;
	s25 =	sadd.s32 $0x129A00, s6;
	[dreg:$0x4] =	wrdreg s24  }
0x12: {  	s7 =	sand.u32 $0x3F80, s7;
	s26 =	sadd.s32 $0x136200, s6;
	[dreg:$0x5] =	wrdreg s25  }
0x13: {  	s7 =	sadd.s32 s7, s3;
	s3 =	sadd.s32 $0x12CC00, s6;
	[dreg:$0x6] =	wrdreg s26  }
0x14: {  	s22 =	sadd.s32 $0x9B00, s16;
	s8 =	sadd.s32 $0x139400, s6;
	[dreg:$0x7] =	wrdreg s3  }
0x15: {  	s23 =	sadd.s32 $0x9B80, s16;
	s12 =	sadd.s32 $0x12FE00, s6;
	[dreg:$0x8] =	wrdreg s8  }
0x16: {  	s11 =	smax.u32 s11, $0x1;
	s14 =	sadd.s32 $0x133000, s6;
	[dreg:$0x9] =	wrdreg s12  }
0x17: {  	s15 =	sadd.s32 $0x13C600, s6;
	s17 =	sadd.s32 $0x13F800, s7;
	[dreg:$0xa] =	wrdreg s14  }
0x18: {  	s6 =	sadd.s32 $0xA180, s16;
	s7 =	sadd.s32 $0xA200, s16;
	[dreg:$0xb] =	wrdreg s15  }
0x19: {  	[dreg:$0xc] =	wrdreg s17;
	s24 =	sadd.s32 $0x9900, s16;
	s25 =	sadd.s32 $0x9980, s16  }
0x1a: {  	v1 =	vimm.s32 $0x52741630;
	v0 =	vlaneseq.u32;
	v2 =	vimm.s32 $0x63052741;
	s26 =	sadd.s32 $0x9A00, s16;
	s12 =	smul.u32 $0x4B0, s5;
	[dreg:$0x13] =	wrdreg s24  }
0x1b: {  	v3 =	vimm.s32 $0x74163052;
	v0 =	vmul.u32 $0x3, v0;
	v1 =	vunpack.c.l.s4.s8 v1;
	s3 =	sor.u32 $0xA000, s16;
	s5 =	sadd.s32 $0xA100, s16;
	[dreg:$0x14] =	wrdreg s25  }
0x1c: {  	v4 =	vunpack.c.l.s4.s8 v2;
	v5 =	vunpack.c.l.s4.s8 v3;
	s14 =	simm.s32 $0x80;
	s15 =	simm.s32 $0x0;
	[dreg:$0x15] =	wrdreg s26  }
0x1d: {  	v1 =	vunpack.c.0.s8.s32 v1;
	v2 =	vadd.s32 $0x1, v0;
	s24 =	sor.u32 $0x9C00, s16;
	s25 =	sadd.s32 $0x9C80, s16;
	s26 =	sadd.s32 $0x9D00, s16  }
0x1e: {  	v3 =	vunpack.c.0.s8.s32 v4;
	v4 =	vadd.s32 $0x2, v0;
	v5 =	vunpack.c.0.s8.s32 v5;
	s8 =	sadd.s32 s9, s12;
	s9 =	sadd.s32 $0x9150, s9;
	s12 =	simm.s32 $0x1  }
.LBB2_1:
0x1f: {  	v6 =	vimm.f32 @!p0 $0.0e+00  }
0x20: {  	[tilespmem:$0xA600] =	vst @!p0 v6  }
0x21: {  	[tilespmem:$0xA610] =	vst @!p0 v6  }
0x22: {  	[tilespmem:$0xA620] =	vst @!p0 v6  }
0x23: {  	s16 =	simm.s32 @!p0 $0xA600;
	[tilespmem:$0xA630] =	vst @!p0 v6  }
0x24: {  	[spmem:s1] =	stream.linear.scatter @!p0 [tilespmem:s16], [sflag:$0x1], $0x40, $0x38;
	[tilespmem:$0xA648] =	vst v63  }
0x25: {  	s16 =	simm.s32 @!p0 $0x1  }
0x26: {  	_ =	swait.ge @!p0 [sflag:s16], $0x40  }
0x27: {  	[sflag:s16] =	ssyncset.done @!p0 $0x0  }
0x28: {  	s19 =	rddreg [dreg:$0x4];
	[sflag:s16] =	ssyncadd.s32 @!p0 $0xFFFFFFC0  }
0x29: {  	[tilespmem:s2], [sflag:$0x1] =	stream.linear.gather [hbm4b:s19+s2], $0xC80, $0x38;
	[tilespmem:$0xA648] =	vst v63  }
0x2a: {  	_ =	swait.ge [sflag:s12], $0xC80  }
0x2b: {  	[sflag:s12] =	ssyncset.done $0x0  }
0x2c: {  	s16 =	simm.s32 $0x3200;
	s17 =	rddreg [dreg:$0xa];
	[sflag:s12] =	ssyncadd.s32 $0xFFFFF380  }
0x2d: {  	[tilespmem:s16], [sflag:$0x1] =	stream.linear.gather [hbm4b:s17+s2], $0xC80, $0x38;
	[tilespmem:$0xA648] =	vst v63  }
0x2e: {  	_ =	swait.ge [sflag:s12], $0xC80  }
0x2f: {  	[sflag:s12] =	ssyncset.done $0x0  }
0x30: {  	s18 =	simm.s32 $0xC80;
	s20 =	rddreg [dreg:$0x5];
	[sflag:s12] =	ssyncadd.s32 $0xFFFFF380  }
0x31: {  	[tilespmem:s18], [sflag:$0x1] =	stream.linear.gather [hbm4b:s20+s2], $0xC80, $0x38;
	[tilespmem:$0xA648] =	vst v63  }
0x32: {  	_ =	swait.ge [sflag:s12], $0xC80  }
0x33: {  	[sflag:s12] =	ssyncset.done $0x0  }
0x34: {  	s20 =	simm.s32 $0x3E80;
	s19 =	rddreg [dreg:$0x6];
	[sflag:s12] =	ssyncadd.s32 $0xFFFFF380  }
0x35: {  	[tilespmem:s20], [sflag:$0x1] =	stream.linear.gather [hbm4b:s19+s2], $0xC80, $0x38;
	[tilespmem:$0xA648] =	vst v63  }
0x36: {  	_ =	swait.ge [sflag:s12], $0xC80  }
0x37: {  	[sflag:s12] =	ssyncset.done $0x0  }
0x38: {  	s20 =	simm.s32 $0x1900;
	s19 =	rddreg [dreg:$0x7];
	[sflag:s12] =	ssyncadd.s32 $0xFFFFF380  }
0x39: {  	[tilespmem:s20], [sflag:$0x1] =	stream.linear.gather [hbm4b:s19+s2], $0xC80, $0x38;
	[tilespmem:$0xA648] =	vst v63  }
0x3a: {  	_ =	swait.ge [sflag:s12], $0xC80  }
0x3b: {  	[sflag:s12] =	ssyncset.done $0x0  }
0x3c: {  	s20 =	simm.s32 $0x4B00;
	s19 =	rddreg [dreg:$0x8];
	[sflag:s12] =	ssyncadd.s32 $0xFFFFF380  }
0x3d: {  	[tilespmem:s20], [sflag:$0x1] =	stream.linear.gather [hbm4b:s19+s2], $0xC80, $0x38;
	[tilespmem:$0xA648] =	vst v63  }
0x3e: {  	_ =	swait.ge [sflag:s12], $0xC80  }
0x3f: {  	[sflag:s12] =	ssyncset.done $0x0  }
0x40: {  	s20 =	simm.s32 $0x2580;
	s19 =	rddreg [dreg:$0x9];
	[sflag:s12] =	ssyncadd.s32 $0xFFFFF380  }
0x41: {  	[tilespmem:s20], [sflag:$0x1] =	stream.linear.gather [hbm4b:s19+s2], $0xC80, $0x38;
	[tilespmem:$0xA648] =	vst v63  }
0x42: {  	_ =	swait.ge [sflag:s12], $0xC80  }
0x43: {  	[sflag:s12] =	ssyncset.done $0x0  }
0x44: {  	s20 =	simm.s32 $0x5780;
	s19 =	rddreg [dreg:$0xb];
	[sflag:s12] =	ssyncadd.s32 $0xFFFFF380  }
0x45: {  	[tilespmem:s20], [sflag:$0x1] =	stream.linear.gather [hbm4b:s19+s2], $0xC80, $0x38;
	[tilespmem:$0xA648] =	vst v63  }
0x46: {  	_ =	swait.ge [sflag:s12], $0xC80  }
0x47: {  	[sflag:s12] =	ssyncset.done $0x0  }
0x48: {  	s20 =	simm.s32 $0x9600;
	s19 =	rddreg [dreg:$0xc];
	[sflag:s12] =	ssyncadd.s32 $0xFFFFF380  }
0x49: {  	[tilespmem:s20], [sflag:$0x1] =	stream.linear.gather [hbm4b:s19+s2], $0x1000, $0x38;
	[tilespmem:$0xA648] =	vst v63  }
0x4a: {  	_ =	swait.ge [sflag:s12], $0x1000  }
0x4b: {  	[sflag:s12] =	ssyncset.done $0x0  }
0x4c: {  	[sflag:s12] =	ssyncadd.s32 $0xFFFFF000  }
0x4d: {  	[bflag:$0x0] =	sbarrier.arrive $0xFFFF  }
0x4e: {  	v6 =	vld [tilespmem:s16+$0x0]  }
0x4f: {  	s17 =	simm.s32 $0x0;
	s18 =	simm.s32 $0x10;
	s19 =	simm.s32 $0x0;
	v7 =	vld [tilespmem:s2+$0x0]  }
.LBB2_2:
0x50: {  	p2 =	sne.s32 s18, $0xC70;
	_ =	sdelay $0x3  }
.Ltmp0:
0x51: {  	v6 =	vadd.f32 v6, v7;
	(pc) =	sbr.rel @p2 .LBB2_2-.Ltmp0, $4  }
0x52: {  	s20 =	sand.u32 $0xFF0, s17;
	s17 =	smov.u32 s18  }
0x53: {  	s16 =	sadd.s32 $0x10, s16;
	[tilespmem:s20+$0x8980] =	vst v6  }
0x54: {  	s19 =	sadd.s32 $0x10, s19;
	v6 =	vld [tilespmem:s16+$0x0]  }
0x55: {  	s18 =	sadd.s32 $0x10, s18;
	v7 =	vld [tilespmem:s19+$0x0]  }
0x56: {  	_ = 	snop  }
0x57: {  	s16 =	simm.s32 $0x0  }
0x58: {  	v8 =	vmov s16  }
0x59: {  	v8 =	vmul.u32 $0x3, v8  }
0x5a: {  	v7 =	vadd.f32 v6, v7  }
0x5b: {  	s20 =	sand.u32 $0xFF0, s17;
	v6 =	vbroadcast v8, $0x0  }
0x5c: {  	s17 =	simm.s32 $0x3E80;
	[tilespmem:s20+$0x8980] =	vst v7  }
0x5d: {  	s18 =	simm.s32 $0xC80;
	v8 =	vadd.s32 v0, v6;
	v7 =	vld [tilespmem:s17+$0x0]  }
0x5e: {  	v9 =	vand.u32 $0xFFFFFFF8, v8;
	v8 =	vld [tilespmem:s18+$0x0];
	_ =	sdelay $0x1  }
0x5f: {  	v9 =	vor.u32 v1, v9  }
0x60: {  	s16 =	simm.s32 $0x10  }
0x61: {  	s19 =	simm.s32 $0x20;
	v10 =	vmov s16  }
.LBB2_4:
0x62: {  	p2 =	sne.s32 s19, $0xC70;
	v10 =	vmul.u32 $0x3, v10;
	v7 =	vadd.f32 v7, v8;
	_ =	sdelay $0x1  }
0x63: {  	s17 =	sadd.s32 $0x10, s17;
	v10 =	vbroadcast v10, $0x0;
	[tilespmem:v9+s13+$0x0] =	vst.idx.msk $0xffff, v7  }
0x64: {  	s18 =	sadd.s32 $0x10, s18;
	v7 =	vld [tilespmem:s17+$0x0]  }
.Ltmp1:
0x65: {  	v8 =	vld [tilespmem:s18+$0x0];
	v9 =	vadd.s32 v0, v10;
	(pc) =	sbr.rel @p2 .LBB2_4-.Ltmp1, $3  }
0x66: {  	v9 =	vand.u32 $0xFFFFFFF8, v9  }
0x67: {  	v9 =	vor.u32 v1, v9;
	_ =	sdelay $0x1  }
0x68: {  	v10 =	vmov s19;
	s19 =	sadd.s32 $0x10, s19  }
0x69: {  	_ =	sdelay $0x1  }
0x6a: {  	v10 =	vmul.u32 $0x3, v10;
	v7 =	vadd.f32 v7, v8;
	_ =	sdelay $0x1  }
0x6b: {  	s17 =	sadd.s32 $0x10, s17;
	v8 =	vbroadcast v10, $0x0;
	[tilespmem:v9+s13+$0x0] =	vst.idx.msk $0xffff, v7  }
0x6c: {  	s20 =	sadd.s32 $0x10, s18;
	v7 =	vld [tilespmem:s17+$0x0]  }
0x6d: {  	v9 =	vld [tilespmem:s20+$0x0];
	v8 =	vadd.s32 v0, v8  }
0x6e: {  	v8 =	vand.u32 $0xFFFFFFF8, v8  }
0x6f: {  	v8 =	vor.u32 v1, v8;
	_ =	sdelay $0x2  }
0x70: {  	v7 =	vadd.f32 v7, v9;
	_ =	sdelay $0x1  }
0x71: {  	s17 =	simm.s32 $0x4B00;
	[tilespmem:v8+s13+$0x0] =	vst.idx.msk $0xffff, v7  }
0x72: {  	s18 =	simm.s32 $0x1900;
	v7 =	vadd.s32 v2, v6;
	v6 =	vld [tilespmem:s17+$0x0]  }
0x73: {  	v8 =	vand.u32 $0xFFFFFFF8, v7;
	v7 =	vld [tilespmem:s18+$0x0];
	_ =	sdelay $0x1  }
0x74: {  	v8 =	vor.u32 v3, v8;
	_ =	sdelay $0x1  }
0x75: {  	v9 =	vmov s16;
	s16 =	simm.s32 $0x20  }
.LBB2_6:
0x76: {  	p2 =	sne.s32 s16, $0xC70;
	v9 =	vmul.u32 $0x3, v9;
	v6 =	vadd.f32 v6, v7;
	_ =	sdelay $0x1  }
0x77: {  	s17 =	sadd.s32 $0x10, s17;
	v9 =	vbroadcast v9, $0x0;
	[tilespmem:v8+s13+$0x0] =	vst.idx.msk $0xffff, v6  }
0x78: {  	s18 =	sadd.s32 $0x10, s18;
	v6 =	vld [tilespmem:s17+$0x0]  }
.Ltmp2:
0x79: {  	v7 =	vld [tilespmem:s18+$0x0];
	v8 =	vadd.s32 v2, v9;
	(pc) =	sbr.rel @p2 .LBB2_6-.Ltmp2, $3  }
0x7a: {  	v8 =	vand.u32 $0xFFFFFFF8, v8  }
0x7b: {  	v8 =	vor.u32 v3, v8;
	_ =	sdelay $0x1  }
0x7c: {  	v9 =	vmov s16;
	s16 =	sadd.s32 $0x10, s16  }
0x7d: {  	_ =	sdelay $0x1  }
0x7e: {  	v9 =	vmul.u32 $0x3, v9;
	v6 =	vadd.f32 v6, v7;
	_ =	sdelay $0x1  }
0x7f: {  	s16 =	sadd.s32 $0x10, s17;
	v7 =	vbroadcast v9, $0x0;
	[tilespmem:v8+s13+$0x0] =	vst.idx.msk $0xffff, v6  }
0x80: {  	s18 =	sadd.s32 $0x10, s18;
	v6 =	vld [tilespmem:s16+$0x0]  }
0x81: {  	v8 =	vld [tilespmem:s18+$0x0];
	v7 =	vadd.s32 v2, v7  }
0x82: {  	v7 =	vand.u32 $0xFFFFFFF8, v7  }
0x83: {  	s19 =	simm.s32 $0x0;
	v7 =	vor.u32 v3, v7  }
0x84: {  	v9 =	vmov s19  }
0x85: {  	v9 =	vmul.u32 $0x3, v9  }
0x86: {  	v6 =	vadd.f32 v6, v8  }
0x87: {  	v8 =	vbroadcast v9, $0x0  }
0x88: {  	s16 =	simm.s32 $0x5780;
	[tilespmem:v7+s13+$0x0] =	vst.idx.msk $0xffff, v6  }
0x89: {  	s17 =	simm.s32 $0x2580;
	v7 =	vadd.s32 v4, v8;
	v6 =	vld [tilespmem:s16+$0x0]  }
0x8a: {  	v8 =	vand.u32 $0xFFFFFFF8, v7;
	v7 =	vld [tilespmem:s17+$0x0];
	_ =	sdelay $0x1  }
0x8b: {  	v8 =	vor.u32 v5, v8  }
0x8c: {  	s20 =	simm.s32 $0x10  }
0x8d: {  	s18 =	simm.s32 $0x20;
	v9 =	vmov s20  }
.LBB2_8:
0x8e: {  	p2 =	sne.s32 s18, $0xC70;
	v9 =	vmul.u32 $0x3, v9;
	v6 =	vadd.f32 v6, v7;
	_ =	sdelay $0x1  }
0x8f: {  	s16 =	sadd.s32 $0x10, s16;
	v9 =	vbroadcast v9, $0x0;
	[tilespmem:v8+s13+$0x0] =	vst.idx.msk $0xffff, v6  }
0x90: {  	s17 =	sadd.s32 $0x10, s17;
	v6 =	vld [tilespmem:s16+$0x0]  }
.Ltmp3:
0x91: {  	v7 =	vld [tilespmem:s17+$0x0];
	v8 =	vadd.s32 v4, v9;
	(pc) =	sbr.rel @p2 .LBB2_8-.Ltmp3, $3  }
0x92: {  	v8 =	vand.u32 $0xFFFFFFF8, v8  }
0x93: {  	v8 =	vor.u32 v5, v8;
	_ =	sdelay $0x1  }
0x94: {  	v9 =	vmov s18;
	s18 =	sadd.s32 $0x10, s18  }
0x95: {  	_ =	sdelay $0x1  }
0x96: {  	v9 =	vmul.u32 $0x3, v9;
	v6 =	vadd.f32 v6, v7;
	_ =	sdelay $0x1  }
0x97: {  	s16 =	sadd.s32 $0x10, s16;
	v7 =	vbroadcast v9, $0x0;
	[tilespmem:v8+s13+$0x0] =	vst.idx.msk $0xffff, v6  }
0x98: {  	s18 =	sadd.s32 $0x10, s17;
	v6 =	vld [tilespmem:s16+$0x0]  }
0x99: {  	v8 =	vld [tilespmem:s18+$0x0];
	v7 =	vadd.s32 v4, v7  }
0x9a: {  	v7 =	vand.u32 $0xFFFFFFF8, v7  }
0x9b: {  	v7 =	vor.u32 v5, v7;
	_ =	sdelay $0x2  }
0x9c: {  	v6 =	vadd.f32 v6, v8;
	_ =	sdelay $0x1  }
0x9d: {  	s19 =	rddreg [dreg:$0xd];
	s20 =	simm.s32 $0x8980;
	[tilespmem:v7+s13+$0x0] =	vst.idx.msk $0xffff, v6  }
0x9e: {  	[spmem:s1] =	stream.indirect.scatter.add.f32 [tilespmem:s20], [sflag:$0x1], $0x1, s19, s14, $0xb8;
	[tilespmem:$0xA648] =	vst v63  }
0x9f: {  	_ =	swait.ge [sflag:s12], $0x80  }
0xa0: {  	[sflag:s12] =	ssyncset.done $0x0  }
0xa1: {  	s18 =	simm.s32 $0x8A00;
	s17 =	rddreg [dreg:$0xe];
	[sflag:s12] =	ssyncadd.s32 $0xFFFFFF80  }
0xa2: {  	[spmem:s1] =	stream.indirect.scatter.add.f32 [tilespmem:s18], [sflag:$0x1], $0x1, s17, s14, $0xb8;
	[tilespmem:$0xA648] =	vst v63  }
0xa3: {  	_ =	swait.ge [sflag:s12], $0x80  }
0xa4: {  	[sflag:s12] =	ssyncset.done $0x0  }
0xa5: {  	s20 =	simm.s32 $0x8A80;
	s19 =	rddreg [dreg:$0xf];
	[sflag:s12] =	ssyncadd.s32 $0xFFFFFF80  }
0xa6: {  	[spmem:s1] =	stream.indirect.scatter.add.f32 [tilespmem:s20], [sflag:$0x1], $0x1, s19, s14, $0xb8;
	[tilespmem:$0xA648] =	vst v63  }
0xa7: {  	_ =	swait.ge [sflag:s12], $0x80  }
0xa8: {  	[sflag:s12] =	ssyncset.done $0x0  }
0xa9: {  	s18 =	simm.s32 $0x8B00;
	s17 =	rddreg [dreg:$0x10];
	[sflag:s12] =	ssyncadd.s32 $0xFFFFFF80  }
0xaa: {  	[spmem:s1] =	stream.indirect.scatter.add.f32 [tilespmem:s18], [sflag:$0x1], $0x1, s17, s14, $0xb8;
	[tilespmem:$0xA648] =	vst v63  }
0xab: {  	_ =	swait.ge [sflag:s12], $0x80  }
0xac: {  	[sflag:s12] =	ssyncset.done $0x0  }
0xad: {  	s20 =	simm.s32 $0x8B80;
	s19 =	rddreg [dreg:$0x11];
	[sflag:s12] =	ssyncadd.s32 $0xFFFFFF80  }
0xae: {  	[spmem:s1] =	stream.indirect.scatter.add.f32 [tilespmem:s20], [sflag:$0x1], $0x1, s19, s14, $0xb8;
	[tilespmem:$0xA648] =	vst v63  }
0xaf: {  	_ =	swait.ge [sflag:s12], $0x80  }
0xb0: {  	[sflag:s12] =	ssyncset.done $0x0  }
0xb1: {  	s18 =	simm.s32 $0x8C00;
	s17 =	rddreg [dreg:$0x12];
	[sflag:s12] =	ssyncadd.s32 $0xFFFFFF80  }
0xb2: {  	[spmem:s1] =	stream.indirect.scatter.add.f32 [tilespmem:s18], [sflag:$0x1], $0x1, s17, s14, $0xb8;
	[tilespmem:$0xA648] =	vst v63  }
0xb3: {  	_ =	swait.ge [sflag:s12], $0x80  }
0xb4: {  	[sflag:s12] =	ssyncset.done $0x0  }
0xb5: {  	s20 =	simm.s32 $0x8C80;
	s19 =	rddreg [dreg:$0x13];
	[sflag:s12] =	ssyncadd.s32 $0xFFFFFF80  }
0xb6: {  	[spmem:s1] =	stream.indirect.scatter.add.f32 [tilespmem:s20], [sflag:$0x1], $0x1, s19, s14, $0xb8;
	[tilespmem:$0xA648] =	vst v63  }
0xb7: {  	_ =	swait.ge [sflag:s12], $0x80  }
0xb8: {  	[sflag:s12] =	ssyncset.done $0x0  }
0xb9: {  	s18 =	simm.s32 $0x8D00;
	s17 =	rddreg [dreg:$0x14];
	[sflag:s12] =	ssyncadd.s32 $0xFFFFFF80  }
0xba: {  	[spmem:s1] =	stream.indirect.scatter.add.f32 [tilespmem:s18], [sflag:$0x1], $0x1, s17, s14, $0xb8;
	[tilespmem:$0xA648] =	vst v63  }
0xbb: {  	_ =	swait.ge [sflag:s12], $0x80  }
0xbc: {  	[sflag:s12] =	ssyncset.done $0x0  }
0xbd: {  	s20 =	simm.s32 $0x8D80;
	s19 =	rddreg [dreg:$0x15];
	[sflag:s12] =	ssyncadd.s32 $0xFFFFFF80  }
0xbe: {  	[spmem:s1] =	stream.indirect.scatter.add.f32 [tilespmem:s20], [sflag:$0x1], $0x1, s19, s14, $0xb8;
	[tilespmem:$0xA648] =	vst v63  }
0xbf: {  	_ =	swait.ge [sflag:s12], $0x80  }
0xc0: {  	[sflag:s12] =	ssyncset.done $0x0  }
0xc1: {  	s17 =	simm.s32 $0x8E00;
	[sflag:s12] =	ssyncadd.s32 $0xFFFFFF80  }
0xc2: {  	[spmem:s1] =	stream.indirect.scatter.add.f32 [tilespmem:s17], [sflag:$0x1], $0x1, s21, s14, $0xb8;
	[tilespmem:$0xA648] =	vst v63  }
0xc3: {  	_ =	swait.ge [sflag:s12], $0x80  }
0xc4: {  	[sflag:s12] =	ssyncset.done $0x0  }
0xc5: {  	s18 =	simm.s32 $0x8E80;
	[sflag:s12] =	ssyncadd.s32 $0xFFFFFF80  }
0xc6: {  	[spmem:s1] =	stream.indirect.scatter.add.f32 [tilespmem:s18], [sflag:$0x1], $0x1, s22, s14, $0xb8;
	[tilespmem:$0xA648] =	vst v63  }
0xc7: {  	_ =	swait.ge [sflag:s12], $0x80  }
0xc8: {  	[sflag:s12] =	ssyncset.done $0x0  }
0xc9: {  	s19 =	simm.s32 $0x8F00;
	[sflag:s12] =	ssyncadd.s32 $0xFFFFFF80  }
0xca: {  	[spmem:s1] =	stream.indirect.scatter.add.f32 [tilespmem:s19], [sflag:$0x1], $0x1, s23, s14, $0xb8;
	[tilespmem:$0xA648] =	vst v63  }
0xcb: {  	_ =	swait.ge [sflag:s12], $0x80  }
0xcc: {  	[sflag:s12] =	ssyncset.done $0x0  }
0xcd: {  	s20 =	simm.s32 $0x8F80;
	[sflag:s12] =	ssyncadd.s32 $0xFFFFFF80  }
0xce: {  	[spmem:s1] =	stream.indirect.scatter.add.f32 [tilespmem:s20], [sflag:$0x1], $0x1, s24, s14, $0xb8;
	[tilespmem:$0xA648] =	vst v63  }
0xcf: {  	_ =	swait.ge [sflag:s12], $0x80  }
0xd0: {  	[sflag:s12] =	ssyncset.done $0x0  }
0xd1: {  	s17 =	simm.s32 $0x9000;
	[sflag:s12] =	ssyncadd.s32 $0xFFFFFF80  }
0xd2: {  	[spmem:s1] =	stream.indirect.scatter.add.f32 [tilespmem:s17], [sflag:$0x1], $0x1, s25, s14, $0xb8;
	[tilespmem:$0xA648] =	vst v63  }
0xd3: {  	_ =	swait.ge [sflag:s12], $0x80  }
0xd4: {  	[sflag:s12] =	ssyncset.done $0x0  }
0xd5: {  	s18 =	simm.s32 $0x9080;
	[sflag:s12] =	ssyncadd.s32 $0xFFFFFF80  }
0xd6: {  	[spmem:s1] =	stream.indirect.scatter.add.f32 [tilespmem:s18], [sflag:$0x1], $0x1, s26, s14, $0xb8;
	[tilespmem:$0xA648] =	vst v63  }
0xd7: {  	_ =	swait.ge [sflag:s12], $0x80  }
0xd8: {  	[sflag:s12] =	ssyncset.done $0x0  }
0xd9: {  	s19 =	simm.s32 $0x9100;
	[sflag:s12] =	ssyncadd.s32 $0xFFFFFF80  }
0xda: {  	[spmem:s1] =	stream.indirect.scatter.add.f32 [tilespmem:s19], [sflag:$0x1], $0x1, s28, s14, $0xb8;
	[tilespmem:$0xA648] =	vst v63  }
0xdb: {  	_ =	swait.ge [sflag:s12], $0x80  }
0xdc: {  	[sflag:s12] =	ssyncset.done $0x0  }
0xdd: {  	s20 =	simm.s32 $0x9180;
	[sflag:s12] =	ssyncadd.s32 $0xFFFFFF80  }
0xde: {  	[spmem:s1] =	stream.indirect.scatter.add.f32 [tilespmem:s20], [sflag:$0x1], $0x1, s29, s14, $0xb8;
	[tilespmem:$0xA648] =	vst v63  }
0xdf: {  	_ =	swait.ge [sflag:s12], $0x80  }
0xe0: {  	[sflag:s12] =	ssyncset.done $0x0  }
0xe1: {  	s17 =	simm.s32 $0x9200;
	[sflag:s12] =	ssyncadd.s32 $0xFFFFFF80  }
0xe2: {  	[spmem:s1] =	stream.indirect.scatter.add.f32 [tilespmem:s17], [sflag:$0x1], $0x1, s30, s14, $0xb8;
	[tilespmem:$0xA648] =	vst v63  }
0xe3: {  	_ =	swait.ge [sflag:s12], $0x80  }
0xe4: {  	[sflag:s12] =	ssyncset.done $0x0  }
0xe5: {  	s18 =	simm.s32 $0x9280;
	[sflag:s12] =	ssyncadd.s32 $0xFFFFFF80  }
0xe6: {  	[spmem:s1] =	stream.indirect.scatter.add.f32 [tilespmem:s18], [sflag:$0x1], $0x1, s31, s14, $0xb8;
	[tilespmem:$0xA648] =	vst v63  }
0xe7: {  	_ =	swait.ge [sflag:s12], $0x80  }
0xe8: {  	[sflag:s12] =	ssyncset.done $0x0  }
0xe9: {  	s19 =	simm.s32 $0x9300;
	[sflag:s12] =	ssyncadd.s32 $0xFFFFFF80  }
0xea: {  	[spmem:s1] =	stream.indirect.scatter.add.f32 [tilespmem:s19], [sflag:$0x1], $0x1, s0, s14, $0xb8;
	[tilespmem:$0xA648] =	vst v63  }
0xeb: {  	_ =	swait.ge [sflag:s12], $0x80  }
0xec: {  	[sflag:s12] =	ssyncset.done $0x0  }
0xed: {  	s20 =	simm.s32 $0x9380;
	[sflag:s12] =	ssyncadd.s32 $0xFFFFFF80  }
0xee: {  	[spmem:s1] =	stream.indirect.scatter.add.f32 [tilespmem:s20], [sflag:$0x1], $0x1, s3, s14, $0xb8;
	[tilespmem:$0xA648] =	vst v63  }
0xef: {  	_ =	swait.ge [sflag:s12], $0x80  }
0xf0: {  	[sflag:s12] =	ssyncset.done $0x0  }
0xf1: {  	s17 =	simm.s32 $0x9400;
	[sflag:s12] =	ssyncadd.s32 $0xFFFFFF80  }
0xf2: {  	[spmem:s1] =	stream.indirect.scatter.add.f32 [tilespmem:s17], [sflag:$0x1], $0x1, s4, s14, $0xb8;
	[tilespmem:$0xA648] =	vst v63  }
0xf3: {  	_ =	swait.ge [sflag:s12], $0x80  }
0xf4: {  	[sflag:s12] =	ssyncset.done $0x0  }
0xf5: {  	s18 =	simm.s32 $0x9480;
	[sflag:s12] =	ssyncadd.s32 $0xFFFFFF80  }
0xf6: {  	[spmem:s1] =	stream.indirect.scatter.add.f32 [tilespmem:s18], [sflag:$0x1], $0x1, s5, s14, $0xb8;
	[tilespmem:$0xA648] =	vst v63  }
0xf7: {  	_ =	swait.ge [sflag:s12], $0x80  }
0xf8: {  	[sflag:s12] =	ssyncset.done $0x0  }
0xf9: {  	s19 =	simm.s32 $0x9500;
	[sflag:s12] =	ssyncadd.s32 $0xFFFFFF80  }
0xfa: {  	[spmem:s1] =	stream.indirect.scatter.add.f32 [tilespmem:s19], [sflag:$0x1], $0x1, s6, s14, $0xb8;
	[tilespmem:$0xA648] =	vst v63  }
0xfb: {  	_ =	swait.ge [sflag:s12], $0x80  }
0xfc: {  	[sflag:s12] =	ssyncset.done $0x0  }
0xfd: {  	s20 =	simm.s32 $0x9580;
	[sflag:s12] =	ssyncadd.s32 $0xFFFFFF80  }
0xfe: {  	[spmem:s1] =	stream.indirect.scatter.add.f32 [tilespmem:s20], [sflag:$0x1], $0x1, s7, s14, $0xb8;
	[tilespmem:$0xA648] =	vst v63  }
0xff: {  	_ =	swait.ge [sflag:s12], $0x80  }
0x100: {  	[sflag:s12] =	ssyncset.done $0x0  }
0x101: {  	s16 =	simm.s32 @p1 $0x0;
	s17 =	simm.s32 @p1 $0x6400;
	[sflag:s12] =	ssyncadd.s32 $0xFFFFFF80  }
0x102: {  	[hbm4b:s9+s16] =	stream.linear.scatter @p1 [tilespmem:s17], [sflag:$0x1], $0x960, $0x38;
	[tilespmem:$0xA648] =	vst v63  }
0x103: {  	s16 =	simm.s32 @p1 $0x1  }
0x104: {  	_ =	swait.ge @p1 [sflag:s16], $0x960  }
0x105: {  	[sflag:s16] =	ssyncset.done @p1 $0x0  }
0x106: {  	s17 =	simm.s32 @!p1 $0x6400;
	[sflag:s16] =	ssyncadd.s32 @p1 $0xFFFFF6A0;
	s16 =	simm.s32 @!p1 $0x0  }
0x107: {  	[hbm4b:s8+s16] =	stream.linear.scatter @!p1 [tilespmem:s17], [sflag:$0x1], $0x2580, $0x38;
	[tilespmem:$0xA648] =	vst v63  }
0x108: {  	s16 =	simm.s32 @!p1 $0x1  }
0x109: {  	_ =	swait.ge @!p1 [sflag:s16], $0x2580  }
0x10a: {  	[sflag:s16] =	ssyncset.done @!p1 $0x0  }
0x10b: {  	[sflag:s16] =	ssyncadd.s32 @!p1 $0xFFFFDA80  }
0x10c: {  	s17 =	simm.s32 @!p0 $0x1;
	s16 =	simm.s32 @!p0 $0xA600;
	[bflag:$0x0] =	sbarrier.arrive $0xFFFF  }
0x10d: {  	[tilespmem:s16], [sflag:$0x1] =	stream.linear.gather @!p0 [spmem:s1], $0x40, $0x38;
	[tilespmem:$0xA648] =	vst v63  }
0x10e: {  	s15 =	sadd.s32 $0x1, s15;
	_ =	swait.ge @!p0 [sflag:s17], $0x40  }
0x10f: {  	p2 =	sne.s32 s15, s11;
	[sflag:s17] =	ssyncset.done @!p0 $0x0  }
.Ltmp4:
0x110: {  	s18 =	simm.s32 @!p0 $0x0;
	[sflag:s17] =	ssyncadd.s32 @!p0 $0xFFFFFFC0;
	(pc) =	sbr.rel @p2 .LBB2_1-.Ltmp4, $4  }
0x111: {  	[hbm4b:s10+s18] =	stream.linear.scatter @!p0 [tilespmem:s16], [sflag:$0x1], $0x40, $0x38;
	[tilespmem:$0xA648] =	vst v63  }
0x112: {  	_ =	swait.ge @!p0 [sflag:s17], $0x40  }
0x113: {  	[sflag:s17] =	ssyncset.done @!p0 $0x0  }
0x114: {  	[sflag:s17] =	ssyncadd.s32 @!p0 $0xFFFFFFC0  }
0x115: {  	_ =	sfence.sel $0x180000  }
0x116: {  	[bflag:$0x0] =	sbarrier.arrive $0xFFFF  }
0x117: {  	_ =	strace $0x9000004A  }
0x118: {  	[bflag:$0x2] =	sbarrier.arrive $0xFFFF  }
0x119: {  	s0 =	rddreg [dreg:$0x3]  }
0x11a: {  	s0 =	sadd.s32 @!p0 $0x100000, s0  }
0x11b: {  	[sflag:s0] =	ssyncadd.tile.s32 @!p0 $0x1;
	_ =	shalt  }
.Lfunc_end2:
_tile_overlayer_lowered:
.L_overlay_start_2:
0x11c: {  	(tag) =	ssettag $0x2  }
0x11d: {  	s0 =	rddreg [dreg:$0x0];
	s2 =	stileid.u32  }
0x11e: {  	s1 =	rddreg [dreg:$0x1];
	p0 =	sne.s32 s2, $0x0  }
0x11f: {  	s3 =	rddreg [dreg:$0x2];
	[bflag:$0x3] =	sbarrier.arrive $0xFFFF;
	s2 =	simm.s32 @!p0 $0x1C01  }
0x120: {  	[timem:s3], [sflag:s2] =	dma.local @!p0 [hbm:s0], s1  }
0x121: {  	s0 =	simm.s32 @!p0 $0x1  }
0x122: {  	_ =	swait.ge @!p0 [sflag:s0], s1  }
0x123: {  	s1 =	ssub.s32 @!p0 $0x0, s1;
	[sflag:s0] =	ssyncset.done @!p0 $0x0  }
0x124: {  	[sflag:s0] =	ssyncadd.s32 @!p0 s1  }
0x125: {  	[bflag:$0x3] =	sbarrier.arrive $0xFFFF  }
0x126: {  	_ =	shalt  }

</sc_bundles>
